<compile_context>
chip_gen: v7x
topology: tpu7x:2x2x1
jax: 0.10.2.dev20260603
libtpu: 0.0.44.dev20260713+nightly
codegen_flags: <defaults>
</compile_context>

<pallas_src>
import functools

import jax
import jax.numpy as jnp
from jax import lax
from jax.experimental import pallas as pl
from jax.experimental.pallas import tpu as pltpu
from jax.experimental.pallas import tpu_sc as plsc

NUM_ENTITIES = 1000000
D = 64
BATCH = 16384
HIST = 50

NC, NS = 2, 16
NW = NC * NS
CHUNK = 128
NBB = BATCH // CHUNK
BB_PER_W = NBB // NW
UNITS = BB_PER_W * HIST
VPAD = NUM_ENTITIES + 8
DPAD = 2 * D

_mesh = plsc.VectorSubcoreMesh(core_axis_name="c", subcore_axis_name="s")


@functools.partial(
    pl.kernel,
    mesh=_mesh,
    compiler_params=pltpu.CompilerParams(
        use_tc_tiling_on_sc=False, needs_layout_passes=False),
    out_type=jax.ShapeDtypeStruct((HIST, D // 8, NBB, 8, CHUNK), jnp.float32),
    scratch_types=[
        pltpu.VMEM((UNITS, CHUNK), jnp.int32),
        pltpu.VMEM((CHUNK, D), jnp.float32),
        pltpu.VMEM((CHUNK, D), jnp.float32),
        pltpu.VMEM((D // 8, 8, CHUNK), jnp.float32),
        pltpu.VMEM((D // 8, 8, CHUNK), jnp.float32),
        pltpu.SemaphoreType.DMA,
        pltpu.SemaphoreType.DMA,
        pltpu.SemaphoreType.DMA,
        pltpu.SemaphoreType.DMA,
    ],
)
def _gather_sc(ids_hbm, table_hbm, out_hbm, idx_v,
               gbuf0, gbuf1, tbuf0, tbuf1, gsem0, gsem1, wsem0, wsem1):
    wid = lax.axis_index("s") * NC + lax.axis_index("c")
    bb0 = wid * BB_PER_W

    pltpu.sync_copy(ids_hbm.at[wid], idx_v)

    iota = lax.iota(jnp.int32, 16)
    rows = [iota + cg * 16 for cg in range(8)]

    def gather(j, gbuf, gsem):
        pltpu.async_copy(table_hbm.at[idx_v.at[j]], gbuf, gsem)

    def gather_wait(j, gbuf, gsem):
        pltpu.make_async_copy(table_hbm.at[pl.ds(0, CHUNK)], gbuf, gsem).wait()

    def write(h, bb, tbuf, wsem):
        pltpu.async_copy(tbuf, out_hbm.at[h, :, bb], wsem)

    def write_wait(h, bb, tbuf, wsem):
        pltpu.make_async_copy(tbuf, out_hbm.at[h, :, bb], wsem).wait()

    def transpose(gbuf, tbuf):
        @plsc.parallel_loop(0, D, 1, unroll=16)
        def _(f):
            col = jnp.full((16,), 0, jnp.int32) + f
            tr = f >> 3
            ri = f & 7
            for cg in range(8):
                v = plsc.load_gather(gbuf, [rows[cg], col])
                tbuf[tr, ri, pl.ds(cg * 16, 16)] = v

    def step(i, h, bbl, j, gbuf_a, gbuf_b, gsem_a, gsem_b, tbuf, wsem,
             prefetch_ok):
        @pl.when(prefetch_ok)
        def _():
            gather(j + 1, gbuf_b, gsem_b)
        gather_wait(j, gbuf_a, gsem_a)

        @pl.when(i > 0)
        def _():
            write_wait(h, bb0 + bbl, tbuf, wsem)
        transpose(gbuf_a, tbuf)
        write(h, bb0 + bbl, tbuf, wsem)
        nh = jnp.where(h == HIST - 1, 0, h + 1)
        nbbl = jnp.where(h == HIST - 1, bbl + 1, bbl)
        return nh, nbbl

    gather(0, gbuf0, gsem0)

    def body(i, carry):
        h, bbl = carry
        j = 2 * i
        h, bbl = step(i, h, bbl, j, gbuf0, gbuf1, gsem0, gsem1, tbuf0, wsem0,
                      jnp.bool_(True))
        h, bbl = step(i, h, bbl, j + 1, gbuf1, gbuf0, gsem1, gsem0, tbuf1,
                      wsem1, i < UNITS // 2 - 1)
        return h, bbl

    lax.fori_loop(0, UNITS // 2, body,
                  (jnp.int32(0), jnp.int32(0)))

    write_wait(0, bb0, tbuf0, wsem0)
    write_wait(0, bb0, tbuf1, wsem1)


def kernel(ids, table):
    ids_u = (ids.reshape(NBB, CHUNK, HIST)
             .transpose(0, 2, 1)
             .reshape(NW, UNITS, CHUNK))
    tpad = jnp.pad(table, ((0, VPAD - NUM_ENTITIES - 1), (0, DPAD - D)))
    out5 = _gather_sc(ids_u * 2, tpad.reshape(2 * VPAD, D))
    return out5.transpose(2, 4, 0, 1, 3).reshape(BATCH, HIST, D)

# --- scband reference (transcript-rebuilt; emitter-appended) ---
"""Pipeline reference for scband-idembedding-558345748906 (READ-ONLY COPY).

The authoritative reference and input builder live on the scoring server;
editing this copy changes nothing except your own understanding.
"""

import jax, jax.numpy as jnp
import numpy as np
import math

NUM_ENTITIES = 1000000
D = 64
PADDING_IDX = 0
BATCH = 16384
HIST = 50

def setup_inputs(seed: int = 0) -> dict:
    key = jax.random.key(seed)
    k_ids, k_tbl = jax.random.split(key)
    ids = jax.random.randint(k_ids, (BATCH, HIST), 0, NUM_ENTITIES + 1, dtype=jnp.int64 if jax.config.jax_enable_x64 else jnp.int32).astype(jnp.int32)
    table = jax.random.normal(k_tbl, (NUM_ENTITIES + 1, D), dtype=jnp.float32) * (1.0 / math.sqrt(D))
    table = table.at[PADDING_IDX].set(0.0)
    return {"ids": ids, "table": table}

def reference(ids, table):
    # nn.Embedding lookup with padding_idx=0 (row frozen at zero)
    tbl = table.at[PADDING_IDX].set(0.0)
    return jnp.take(tbl, ids, axis=0)

if __name__ == "__main__":
    import jax
    _d = setup_inputs()
    print(jax.jit(kernel)(*tuple(_d.values())))

</pallas_src>

<mosaic_0001>
#map = affine_map<(d0, d1) -> (0, 0, 0)>
#map1 = affine_map<(d0, d1) -> (0, 0)>
#map2 = affine_map<(d0, d1) -> (0, 0, 0, 0, 0)>
module attributes {stable_mosaic.version = 14 : i64} {
  func.func @_gather_sc(%arg0: i32, %arg1: i32, %arg2: memref<32x200x128xi32, #tpu.memory_space<hbm>>, %arg3: memref<2000016x64xf32, #tpu.memory_space<hbm>>, %arg4: memref<50x8x128x8x128xf32, #tpu.memory_space<hbm>>, %arg5: memref<200x128xi32, #tpu.memory_space<vmem>>, %arg6: memref<128x64xf32, #tpu.memory_space<vmem>>, %arg7: memref<128x64xf32, #tpu.memory_space<vmem>>, %arg8: memref<8x8x128xf32, #tpu.memory_space<vmem>>, %arg9: memref<8x8x128xf32, #tpu.memory_space<vmem>>, %arg10: memref<!tpu.dma_semaphore, #tpu.memory_space<semaphore_mem>>, %arg11: memref<!tpu.dma_semaphore, #tpu.memory_space<semaphore_mem>>, %arg12: memref<!tpu.dma_semaphore, #tpu.memory_space<semaphore_mem>>, %arg13: memref<!tpu.dma_semaphore, #tpu.memory_space<semaphore_mem>>) attributes {dimension_semantics = [#tpu.dimension_semantics<core_parallel>, #tpu.dimension_semantics<subcore_parallel>], iteration_bounds = array<i64: 2, 16>, scalar_prefetch = 0 : i64, scratch_operands = 9 : i64, tpu.core_type = #tpu.core_type<sc_vector_subcore>, window_params = [{transform_indices = #map}, {transform_indices = #map1}, {transform_indices = #map2}]} {
    %mul3A = arith.constant 2 : i32
    %mul3A_0 = arith.muli %arg1, %mul3A : i32
    %add3A = arith.addi %mul3A_0, %arg0 : i32
    %mul3A_1 = arith.constant 4 : i32
    %mul3A_2 = arith.muli %add3A, %mul3A_1 : i32
    "tpu.region"() ({
      %run_scoped3A = tpu.sem_alloc : memref<!tpu.dma_semaphore, #tpu.memory_space<semaphore_mem>>
      %dma_start3A_61 = arith.constant 0 : i32
      %dma_start3A_62 = arith.constant 0 : i32
      %dma_start3A_63 = tpu.memref_slice %arg2[%add3A, %dma_start3A_61, %dma_start3A_62] : memref<32x200x128xi32, #tpu.memory_space<hbm>> -> memref<1x200x128xi32, #tpu.memory_space<hbm>>
      %dma_start3A_64 = tpu.memref_squeeze %dma_start3A_63 : memref<1x200x128xi32, #tpu.memory_space<hbm>> -> memref<200x128xi32, #tpu.memory_space<hbm>>
      %dma_start3A_65 = arith.constant 0 : i32
      %dma_start3A_66 = arith.constant 0 : i32
      %dma_start3A_67 = tpu.memref_slice %arg2[%add3A, %dma_start3A_65, %dma_start3A_66] : memref<32x200x128xi32, #tpu.memory_space<hbm>> -> memref<1x200x128xi32, #tpu.memory_space<hbm>>
      %dma_start3A_68 = tpu.memref_squeeze %dma_start3A_67 : memref<1x200x128xi32, #tpu.memory_space<hbm>> -> memref<200x128xi32, #tpu.memory_space<hbm>>
      tpu.enqueue_dma source(%dma_start3A_68 : memref<200x128xi32, #tpu.memory_space<hbm>>) target(%arg5 : memref<200x128xi32, #tpu.memory_space<vmem>>) target_semaphore(%run_scoped3A : memref<!tpu.dma_semaphore, #tpu.memory_space<semaphore_mem>>)
      %dma_wait3A_69 = arith.constant 0 : i32
      %dma_wait3A_70 = arith.constant 0 : i32
      %dma_wait3A_71 = tpu.memref_slice %arg2[%add3A, %dma_wait3A_69, %dma_wait3A_70] : memref<32x200x128xi32, #tpu.memory_space<hbm>> -> memref<1x200x128xi32, #tpu.memory_space<hbm>>
      %dma_wait3A_72 = tpu.memref_squeeze %dma_wait3A_71 : memref<1x200x128xi32, #tpu.memory_space<hbm>> -> memref<200x128xi32, #tpu.memory_space<hbm>>
      %dma_wait3A_73 = arith.constant 0 : i32
      %dma_wait3A_74 = arith.constant 0 : i32
      %dma_wait3A_75 = tpu.memref_slice %arg2[%add3A, %dma_wait3A_73, %dma_wait3A_74] : memref<32x200x128xi32, #tpu.memory_space<hbm>> -> memref<1x200x128xi32, #tpu.memory_space<hbm>>
      %dma_wait3A_76 = tpu.memref_squeeze %dma_wait3A_75 : memref<1x200x128xi32, #tpu.memory_space<hbm>> -> memref<200x128xi32, #tpu.memory_space<hbm>>
      tpu.wait_dma2 semaphore(%run_scoped3A : memref<!tpu.dma_semaphore, #tpu.memory_space<semaphore_mem>>) src(%dma_wait3A_76 : memref<200x128xi32, #tpu.memory_space<hbm>>) dst(%arg5 : memref<200x128xi32, #tpu.memory_space<vmem>>)
      tpu.yield
    }) : () -> ()
    %iota3A = tpu.iota {dimensions = array<i32: 0>} : vector<16xi32>
    %add3A_3 = arith.constant 0 : i32
    %add3A_4 = vector.broadcast %add3A_3 : i32 to vector<16xi32>
    %add3A_5 = arith.addi %iota3A, %add3A_4 : vector<16xi32>
    %add3A_6 = arith.constant 16 : i32
    %add3A_7 = vector.broadcast %add3A_6 : i32 to vector<16xi32>
    %add3A_8 = arith.addi %iota3A, %add3A_7 : vector<16xi32>
    %add3A_9 = arith.constant 32 : i32
    %add3A_10 = vector.broadcast %add3A_9 : i32 to vector<16xi32>
    %add3A_11 = arith.addi %iota3A, %add3A_10 : vector<16xi32>
    %add3A_12 = arith.constant 48 : i32
    %add3A_13 = vector.broadcast %add3A_12 : i32 to vector<16xi32>
    %add3A_14 = arith.addi %iota3A, %add3A_13 : vector<16xi32>
    %add3A_15 = arith.constant 64 : i32
    %add3A_16 = vector.broadcast %add3A_15 : i32 to vector<16xi32>
    %add3A_17 = arith.addi %iota3A, %add3A_16 : vector<16xi32>
    %add3A_18 = arith.constant 80 : i32
    %add3A_19 = vector.broadcast %add3A_18 : i32 to vector<16xi32>
    %add3A_20 = arith.addi %iota3A, %add3A_19 : vector<16xi32>
    %add3A_21 = arith.constant 96 : i32
    %add3A_22 = vector.broadcast %add3A_21 : i32 to vector<16xi32>
    %add3A_23 = arith.addi %iota3A, %add3A_22 : vector<16xi32>
    %add3A_24 = arith.constant 112 : i32
    %add3A_25 = vector.broadcast %add3A_24 : i32 to vector<16xi32>
    %add3A_26 = arith.addi %iota3A, %add3A_25 : vector<16xi32>
    %dma_start3A = arith.constant 0 : i32
    %dma_start3A_27 = arith.constant 0 : i32
    %dma_start3A_28 = tpu.memref_slice %arg5[%dma_start3A, %dma_start3A_27] : memref<200x128xi32, #tpu.memory_space<vmem>> -> memref<1x128xi32, #tpu.memory_space<vmem>>
    %dma_start3A_29 = tpu.memref_squeeze %dma_start3A_28 : memref<1x128xi32, #tpu.memory_space<vmem>> -> memref<128xi32, #tpu.memory_space<vmem>>
    %dma_start3A_30 = arith.constant 0 : i32
    %dma_start3A_31 = arith.constant 0 : i32
    %dma_start3A_32 = tpu.memref_slice %arg3[%dma_start3A_30, %dma_start3A_31] : memref<2000016x64xf32, #tpu.memory_space<hbm>> -> memref<2000016x64xf32, #tpu.memory_space<hbm>>
    tpu.enqueue_indirect_dma source(%dma_start3A_32 : memref<2000016x64xf32, #tpu.memory_space<hbm>>) target(%arg6 : memref<128x64xf32, #tpu.memory_space<vmem>>) offsets(%dma_start3A_29 : memref<128xi32, #tpu.memory_space<vmem>>) semaphore(%arg10 : memref<!tpu.dma_semaphore, #tpu.memory_space<semaphore_mem>>)
    %scan3A = arith.constant 0 : i32
    %scan3A_33 = arith.constant 0 : i32
    %scan3A_34 = arith.constant 0 : i32
    %scan3A_35 = arith.constant 100 : i32
    %scan3A_36 = arith.addi %scan3A_34, %scan3A_35 : i32
    %scan3A_37 = arith.constant 1 : i32
    %scan3A_38:2 = scf.for %scan3A_61 = %scan3A_34 to %scan3A_36 step %scan3A_37 iter_args(%scan3A_62 = %scan3A, %scan3A_63 = %scan3A_33) -> (i32, i32)  : i32 {
      %mul3A_64 = arith.constant 2 : i32
      %mul3A_65 = arith.muli %mul3A_64, %scan3A_61 : i32
      %cond3A = arith.constant 1 : i32
      %add3A_66 = arith.constant 1 : i32
      %add3A_67 = arith.addi %mul3A_65, %add3A_66 : i32
      %dma_start3A_68 = arith.constant 0 : i32
      %dma_start3A_69 = tpu.memref_slice %arg5[%add3A_67, %dma_start3A_68] : memref<200x128xi32, #tpu.memory_space<vmem>> -> memref<1x128xi32, #tpu.memory_space<vmem>>
      %dma_start3A_70 = tpu.memref_squeeze %dma_start3A_69 : memref<1x128xi32, #tpu.memory_space<vmem>> -> memref<128xi32, #tpu.memory_space<vmem>>
      %dma_start3A_71 = arith.constant 0 : i32
      %dma_start3A_72 = arith.constant 0 : i32
      %dma_start3A_73 = tpu.memref_slice %arg3[%dma_start3A_71, %dma_start3A_72] : memref<2000016x64xf32, #tpu.memory_space<hbm>> -> memref<2000016x64xf32, #tpu.memory_space<hbm>>
      tpu.enqueue_indirect_dma source(%dma_start3A_73 : memref<2000016x64xf32, #tpu.memory_space<hbm>>) target(%arg7 : memref<128x64xf32, #tpu.memory_space<vmem>>) offsets(%dma_start3A_70 : memref<128xi32, #tpu.memory_space<vmem>>) semaphore(%arg11 : memref<!tpu.dma_semaphore, #tpu.memory_space<semaphore_mem>>)
      %dma_wait3A_74 = arith.constant 0 : i32
      %dma_wait3A_75 = arith.constant 0 : i32
      %dma_wait3A_76 = tpu.memref_slice %arg3[%dma_wait3A_74, %dma_wait3A_75] : memref<2000016x64xf32, #tpu.memory_space<hbm>> -> memref<128x64xf32, #tpu.memory_space<hbm>>
      %dma_wait3A_77 = arith.constant 0 : i32
      %dma_wait3A_78 = arith.constant 0 : i32
      %dma_wait3A_79 = tpu.memref_slice %arg3[%dma_wait3A_77, %dma_wait3A_78] : memref<2000016x64xf32, #tpu.memory_space<hbm>> -> memref<128x64xf32, #tpu.memory_space<hbm>>
      tpu.wait_dma2 semaphore(%arg10 : memref<!tpu.dma_semaphore, #tpu.memory_space<semaphore_mem>>) src(%dma_wait3A_79 : memref<128x64xf32, #tpu.memory_space<hbm>>) dst(%arg6 : memref<128x64xf32, #tpu.memory_space<vmem>>)
      %gt3A = arith.constant 0 : i32
      %gt3A_80 = arith.cmpi sgt, %scan3A_61, %gt3A : i32
      %convert_element_type3A = arith.extui %gt3A_80 : i1 to i32
      %cond3A_81 = arith.constant 0 : i32
      %cond3A_82 = arith.cmpi ne, %convert_element_type3A, %cond3A_81 : i32
      scf.if %cond3A_82 {
        %add3A_146 = arith.addi %mul3A_2, %scan3A_63 : i32
        %dma_wait3A_147 = arith.constant 0 : i32
        %dma_wait3A_148 = arith.constant 0 : i32
        %dma_wait3A_149 = arith.constant 0 : i32
        %dma_wait3A_150 = tpu.memref_slice %arg4[%scan3A_62, %dma_wait3A_147, %add3A_146, %dma_wait3A_148, %dma_wait3A_149] : memref<50x8x128x8x128xf32, #tpu.memory_space<hbm>> -> memref<1x8x1x8x128xf32, #tpu.memory_space<hbm>>
        %dma_wait3A_151 = tpu.memref_squeeze %dma_wait3A_150 : memref<1x8x1x8x128xf32, #tpu.memory_space<hbm>> -> memref<8x8x128xf32, #tpu.memory_space<hbm>>
        %dma_wait3A_152 = arith.constant 0 : i32
        %dma_wait3A_153 = arith.constant 0 : i32
        %dma_wait3A_154 = arith.constant 0 : i32
        %dma_wait3A_155 = tpu.memref_slice %arg4[%scan3A_62, %dma_wait3A_152, %add3A_146, %dma_wait3A_153, %dma_wait3A_154] : memref<50x8x128x8x128xf32, #tpu.memory_space<hbm>> -> memref<1x8x1x8x128xf32, #tpu.memory_space<hbm>>
        %dma_wait3A_156 = tpu.memref_squeeze %dma_wait3A_155 : memref<1x8x1x8x128xf32, #tpu.memory_space<hbm>> -> memref<8x8x128xf32, #tpu.memory_space<hbm>>
        tpu.wait_dma2 semaphore(%arg12 : memref<!tpu.dma_semaphore, #tpu.memory_space<semaphore_mem>>) src(%arg8 : memref<8x8x128xf32, #tpu.memory_space<vmem>>) dst(%dma_wait3A_156 : memref<8x8x128xf32, #tpu.memory_space<hbm>>)
      } else {
      }
      %parallel_loop3A = arith.constant 0 : i32
      %parallel_loop3A_83 = arith.constant 64 : i32
      %parallel_loop3A_84 = arith.constant 1 : i32
      scf.for %parallel_loop3A_146 = %parallel_loop3A to %parallel_loop3A_83 step %parallel_loop3A_84  : i32 {
        %parallel_loop3A_147 = arith.constant 0 : i32
        %parallel_loop3A_148 = vector.broadcast %parallel_loop3A_147 : i32 to vector<16xi32>
        %parallel_loop3A_149 = vector.broadcast %parallel_loop3A_146 : i32 to vector<16xi32>
        %parallel_loop3A_150 = arith.addi %parallel_loop3A_148, %parallel_loop3A_149 : vector<16xi32>
        %parallel_loop3A_151 = arith.constant 3 : i32
        %parallel_loop3A_152 = arith.shrsi %parallel_loop3A_146, %parallel_loop3A_151 : i32
        %parallel_loop3A_153 = arith.constant 7 : i32
        %parallel_loop3A_154 = arith.andi %parallel_loop3A_146, %parallel_loop3A_153 : i32
        %parallel_loop3A_155 = tpu.vector_load_idx %arg6[%add3A_5, %parallel_loop3A_150] : memref<128x64xf32, #tpu.memory_space<vmem>>[vector<16xi32>, vector<16xi32>], vector<16xf32>,
        %parallel_loop3A_156 = arith.index_cast %parallel_loop3A_152 : i32 to index
        %parallel_loop3A_157 = arith.index_cast %parallel_loop3A_154 : i32 to index
        %parallel_loop3A_158 = arith.constant 0 : index
        %parallel_loop3A_159 = tpu.vector_load %arg8[%parallel_loop3A_156, %parallel_loop3A_157, %parallel_loop3A_158] {strides = array<i32>} : memref<8x8x128xf32, #tpu.memory_space<vmem>>, vector<16xf32>,
        tpu.vector_store %arg8[%parallel_loop3A_156, %parallel_loop3A_157, %parallel_loop3A_158], %parallel_loop3A_155 {strides = array<i32>} : memref<8x8x128xf32, #tpu.memory_space<vmem>>, vector<16xf32>,
        %parallel_loop3A_160 = tpu.vector_load_idx %arg6[%add3A_8, %parallel_loop3A_150] : memref<128x64xf32, #tpu.memory_space<vmem>>[vector<16xi32>, vector<16xi32>], vector<16xf32>,
        %parallel_loop3A_161 = arith.index_cast %parallel_loop3A_152 : i32 to index
        %parallel_loop3A_162 = arith.index_cast %parallel_loop3A_154 : i32 to index
        %parallel_loop3A_163 = arith.constant 16 : index
        %parallel_loop3A_164 = tpu.vector_load %arg8[%parallel_loop3A_161, %parallel_loop3A_162, %parallel_loop3A_163] {strides = array<i32>} : memref<8x8x128xf32, #tpu.memory_space<vmem>>, vector<16xf32>,
        tpu.vector_store %arg8[%parallel_loop3A_161, %parallel_loop3A_162, %parallel_loop3A_163], %parallel_loop3A_160 {strides = array<i32>} : memref<8x8x128xf32, #tpu.memory_space<vmem>>, vector<16xf32>,
        %parallel_loop3A_165 = tpu.vector_load_idx %arg6[%add3A_11, %parallel_loop3A_150] : memref<128x64xf32, #tpu.memory_space<vmem>>[vector<16xi32>, vector<16xi32>], vector<16xf32>,
        %parallel_loop3A_166 = arith.index_cast %parallel_loop3A_152 : i32 to index
        %parallel_loop3A_167 = arith.index_cast %parallel_loop3A_154 : i32 to index
        %parallel_loop3A_168 = arith.constant 32 : index
        %parallel_loop3A_169 = tpu.vector_load %arg8[%parallel_loop3A_166, %parallel_loop3A_167, %parallel_loop3A_168] {strides = array<i32>} : memref<8x8x128xf32, #tpu.memory_space<vmem>>, vector<16xf32>,
        tpu.vector_store %arg8[%parallel_loop3A_166, %parallel_loop3A_167, %parallel_loop3A_168], %parallel_loop3A_165 {strides = array<i32>} : memref<8x8x128xf32, #tpu.memory_space<vmem>>, vector<16xf32>,
        %parallel_loop3A_170 = tpu.vector_load_idx %arg6[%add3A_14, %parallel_loop3A_150] : memref<128x64xf32, #tpu.memory_space<vmem>>[vector<16xi32>, vector<16xi32>], vector<16xf32>,
        %parallel_loop3A_171 = arith.index_cast %parallel_loop3A_152 : i32 to index
        %parallel_loop3A_172 = arith.index_cast %parallel_loop3A_154 : i32 to index
        %parallel_loop3A_173 = arith.constant 48 : index
        %parallel_loop3A_174 = tpu.vector_load %arg8[%parallel_loop3A_171, %parallel_loop3A_172, %parallel_loop3A_173] {strides = array<i32>} : memref<8x8x128xf32, #tpu.memory_space<vmem>>, vector<16xf32>,
        tpu.vector_store %arg8[%parallel_loop3A_171, %parallel_loop3A_172, %parallel_loop3A_173], %parallel_loop3A_170 {strides = array<i32>} : memref<8x8x128xf32, #tpu.memory_space<vmem>>, vector<16xf32>,
        %parallel_loop3A_175 = tpu.vector_load_idx %arg6[%add3A_17, %parallel_loop3A_150] : memref<128x64xf32, #tpu.memory_space<vmem>>[vector<16xi32>, vector<16xi32>], vector<16xf32>,
        %parallel_loop3A_176 = arith.index_cast %parallel_loop3A_152 : i32 to index
        %parallel_loop3A_177 = arith.index_cast %parallel_loop3A_154 : i32 to index
        %parallel_loop3A_178 = arith.constant 64 : index
        %parallel_loop3A_179 = tpu.vector_load %arg8[%parallel_loop3A_176, %parallel_loop3A_177, %parallel_loop3A_178] {strides = array<i32>} : memref<8x8x128xf32, #tpu.memory_space<vmem>>, vector<16xf32>,
        tpu.vector_store %arg8[%parallel_loop3A_176, %parallel_loop3A_177, %parallel_loop3A_178], %parallel_loop3A_175 {strides = array<i32>} : memref<8x8x128xf32, #tpu.memory_space<vmem>>, vector<16xf32>,
        %parallel_loop3A_180 = tpu.vector_load_idx %arg6[%add3A_20, %parallel_loop3A_150] : memref<128x64xf32, #tpu.memory_space<vmem>>[vector<16xi32>, vector<16xi32>], vector<16xf32>,
        %parallel_loop3A_181 = arith.index_cast %parallel_loop3A_152 : i32 to index
        %parallel_loop3A_182 = arith.index_cast %parallel_loop3A_154 : i32 to index
        %parallel_loop3A_183 = arith.constant 80 : index
        %parallel_loop3A_184 = tpu.vector_load %arg8[%parallel_loop3A_181, %parallel_loop3A_182, %parallel_loop3A_183] {strides = array<i32>} : memref<8x8x128xf32, #tpu.memory_space<vmem>>, vector<16xf32>,
        tpu.vector_store %arg8[%parallel_loop3A_181, %parallel_loop3A_182, %parallel_loop3A_183], %parallel_loop3A_180 {strides = array<i32>} : memref<8x8x128xf32, #tpu.memory_space<vmem>>, vector<16xf32>,
        %parallel_loop3A_185 = tpu.vector_load_idx %arg6[%add3A_23, %parallel_loop3A_150] : memref<128x64xf32, #tpu.memory_space<vmem>>[vector<16xi32>, vector<16xi32>], vector<16xf32>,
        %parallel_loop3A_186 = arith.index_cast %parallel_loop3A_152 : i32 to index
        %parallel_loop3A_187 = arith.index_cast %parallel_loop3A_154 : i32 to index
        %parallel_loop3A_188 = arith.constant 96 : index
        %parallel_loop3A_189 = tpu.vector_load %arg8[%parallel_loop3A_186, %parallel_loop3A_187, %parallel_loop3A_188] {strides = array<i32>} : memref<8x8x128xf32, #tpu.memory_space<vmem>>, vector<16xf32>,
        tpu.vector_store %arg8[%parallel_loop3A_186, %parallel_loop3A_187, %parallel_loop3A_188], %parallel_loop3A_185 {strides = array<i32>} : memref<8x8x128xf32, #tpu.memory_space<vmem>>, vector<16xf32>,
        %parallel_loop3A_190 = tpu.vector_load_idx %arg6[%add3A_26, %parallel_loop3A_150] : memref<128x64xf32, #tpu.memory_space<vmem>>[vector<16xi32>, vector<16xi32>], vector<16xf32>,
        %parallel_loop3A_191 = arith.index_cast %parallel_loop3A_152 : i32 to index
        %parallel_loop3A_192 = arith.index_cast %parallel_loop3A_154 : i32 to index
        %parallel_loop3A_193 = arith.constant 112 : index
        %parallel_loop3A_194 = tpu.vector_load %arg8[%parallel_loop3A_191, %parallel_loop3A_192, %parallel_loop3A_193] {strides = array<i32>} : memref<8x8x128xf32, #tpu.memory_space<vmem>>, vector<16xf32>,
        tpu.vector_store %arg8[%parallel_loop3A_191, %parallel_loop3A_192, %parallel_loop3A_193], %parallel_loop3A_190 {strides = array<i32>} : memref<8x8x128xf32, #tpu.memory_space<vmem>>, vector<16xf32>,
      } {sc.loop_unroll_factor = 16 : i64, sc.parallel_access}
      %add3A_85 = arith.addi %mul3A_2, %scan3A_63 : i32
      %dma_start3A_86 = arith.constant 0 : i32
      %dma_start3A_87 = arith.constant 0 : i32
      %dma_start3A_88 = arith.constant 0 : i32
      %dma_start3A_89 = tpu.memref_slice %arg4[%scan3A_62, %dma_start3A_86, %add3A_85, %dma_start3A_87, %dma_start3A_88] : memref<50x8x128x8x128xf32, #tpu.memory_space<hbm>> -> memref<1x8x1x8x128xf32, #tpu.memory_space<hbm>>
      %dma_start3A_90 = tpu.memref_squeeze %dma_start3A_89 : memref<1x8x1x8x128xf32, #tpu.memory_space<hbm>> -> memref<8x8x128xf32, #tpu.memory_space<hbm>>
      %dma_start3A_91 = arith.constant 0 : i32
      %dma_start3A_92 = arith.constant 0 : i32
      %dma_start3A_93 = arith.constant 0 : i32
      %dma_start3A_94 = tpu.memref_slice %arg4[%scan3A_62, %dma_start3A_91, %add3A_85, %dma_start3A_92, %dma_start3A_93] : memref<50x8x128x8x128xf32, #tpu.memory_space<hbm>> -> memref<1x8x1x8x128xf32, #tpu.memory_space<hbm>>
      %dma_start3A_95 = tpu.memref_squeeze %dma_start3A_94 : memref<1x8x1x8x128xf32, #tpu.memory_space<hbm>> -> memref<8x8x128xf32, #tpu.memory_space<hbm>>
      tpu.enqueue_dma source(%arg8 : memref<8x8x128xf32, #tpu.memory_space<vmem>>) target(%dma_start3A_95 : memref<8x8x128xf32, #tpu.memory_space<hbm>>) target_semaphore(%arg12 : memref<!tpu.dma_semaphore, #tpu.memory_space<semaphore_mem>>)
      %eq3A = arith.constant 49 : i32
      %eq3A_96 = arith.cmpi eq, %scan3A_62, %eq3A : i32
      %add3A_97 = arith.constant 1 : i32
      %add3A_98 = arith.addi %scan3A_62, %add3A_97 : i32
      %jit3A = arith.constant 0 : i32
      %select_n3A = arith.select %eq3A_96, %jit3A, %add3A_98 : i32
      %eq3A_99 = arith.constant 49 : i32
      %eq3A_100 = arith.cmpi eq, %scan3A_62, %eq3A_99 : i32
      %add3A_101 = arith.constant 1 : i32
      %add3A_102 = arith.addi %scan3A_63, %add3A_101 : i32
      %select_n3A_103 = arith.select %eq3A_100, %add3A_102, %scan3A_63 : i32
      %add3A_104 = arith.constant 1 : i32
      %add3A_105 = arith.addi %mul3A_65, %add3A_104 : i32
      %lt3A = arith.constant 99 : i32
      %lt3A_106 = arith.cmpi slt, %scan3A_61, %lt3A : i32
      %convert_element_type3A_107 = arith.extui %lt3A_106 : i1 to i32
      %cond3A_108 = arith.constant 0 : i32
      %cond3A_109 = arith.cmpi ne, %convert_element_type3A_107, %cond3A_108 : i32
      scf.if %cond3A_109 {
        %add3A_146 = arith.constant 1 : i32
        %add3A_147 = arith.addi %add3A_105, %add3A_146 : i32
        %dma_start3A_148 = arith.constant 0 : i32
        %dma_start3A_149 = tpu.memref_slice %arg5[%add3A_147, %dma_start3A_148] : memref<200x128xi32, #tpu.memory_space<vmem>> -> memref<1x128xi32, #tpu.memory_space<vmem>>
        %dma_start3A_150 = tpu.memref_squeeze %dma_start3A_149 : memref<1x128xi32, #tpu.memory_space<vmem>> -> memref<128xi32, #tpu.memory_space<vmem>>
        %dma_start3A_151 = arith.constant 0 : i32
        %dma_start3A_152 = arith.constant 0 : i32
        %dma_start3A_153 = tpu.memref_slice %arg3[%dma_start3A_151, %dma_start3A_152] : memref<2000016x64xf32, #tpu.memory_space<hbm>> -> memref<2000016x64xf32, #tpu.memory_space<hbm>>
        tpu.enqueue_indirect_dma source(%dma_start3A_153 : memref<2000016x64xf32, #tpu.memory_space<hbm>>) target(%arg6 : memref<128x64xf32, #tpu.memory_space<vmem>>) offsets(%dma_start3A_150 : memref<128xi32, #tpu.memory_space<vmem>>) semaphore(%arg10 : memref<!tpu.dma_semaphore, #tpu.memory_space<semaphore_mem>>)
      } else {
      }
      %dma_wait3A_110 = arith.constant 0 : i32
      %dma_wait3A_111 = arith.constant 0 : i32
      %dma_wait3A_112 = tpu.memref_slice %arg3[%dma_wait3A_110, %dma_wait3A_111] : memref<2000016x64xf32, #tpu.memory_space<hbm>> -> memref<128x64xf32, #tpu.memory_space<hbm>>
      %dma_wait3A_113 = arith.constant 0 : i32
      %dma_wait3A_114 = arith.constant 0 : i32
      %dma_wait3A_115 = tpu.memref_slice %arg3[%dma_wait3A_113, %dma_wait3A_114] : memref<2000016x64xf32, #tpu.memory_space<hbm>> -> memref<128x64xf32, #tpu.memory_space<hbm>>
      tpu.wait_dma2 semaphore(%arg11 : memref<!tpu.dma_semaphore, #tpu.memory_space<semaphore_mem>>) src(%dma_wait3A_115 : memref<128x64xf32, #tpu.memory_space<hbm>>) dst(%arg7 : memref<128x64xf32, #tpu.memory_space<vmem>>)
      %gt3A_116 = arith.constant 0 : i32
      %gt3A_117 = arith.cmpi sgt, %scan3A_61, %gt3A_116 : i32
      %convert_element_type3A_118 = arith.extui %gt3A_117 : i1 to i32
      %cond3A_119 = arith.constant 0 : i32
      %cond3A_120 = arith.cmpi ne, %convert_element_type3A_118, %cond3A_119 : i32
      scf.if %cond3A_120 {
        %add3A_146 = arith.addi %mul3A_2, %select_n3A_103 : i32
        %dma_wait3A_147 = arith.constant 0 : i32
        %dma_wait3A_148 = arith.constant 0 : i32
        %dma_wait3A_149 = arith.constant 0 : i32
        %dma_wait3A_150 = tpu.memref_slice %arg4[%select_n3A, %dma_wait3A_147, %add3A_146, %dma_wait3A_148, %dma_wait3A_149] : memref<50x8x128x8x128xf32, #tpu.memory_space<hbm>> -> memref<1x8x1x8x128xf32, #tpu.memory_space<hbm>>
        %dma_wait3A_151 = tpu.memref_squeeze %dma_wait3A_150 : memref<1x8x1x8x128xf32, #tpu.memory_space<hbm>> -> memref<8x8x128xf32, #tpu.memory_space<hbm>>
        %dma_wait3A_152 = arith.constant 0 : i32
        %dma_wait3A_153 = arith.constant 0 : i32
        %dma_wait3A_154 = arith.constant 0 : i32
        %dma_wait3A_155 = tpu.memref_slice %arg4[%select_n3A, %dma_wait3A_152, %add3A_146, %dma_wait3A_153, %dma_wait3A_154] : memref<50x8x128x8x128xf32, #tpu.memory_space<hbm>> -> memref<1x8x1x8x128xf32, #tpu.memory_space<hbm>>
        %dma_wait3A_156 = tpu.memref_squeeze %dma_wait3A_155 : memref<1x8x1x8x128xf32, #tpu.memory_space<hbm>> -> memref<8x8x128xf32, #tpu.memory_space<hbm>>
        tpu.wait_dma2 semaphore(%arg13 : memref<!tpu.dma_semaphore, #tpu.memory_space<semaphore_mem>>) src(%arg9 : memref<8x8x128xf32, #tpu.memory_space<vmem>>) dst(%dma_wait3A_156 : memref<8x8x128xf32, #tpu.memory_space<hbm>>)
      } else {
      }
      %parallel_loop3A_121 = arith.constant 0 : i32
      %parallel_loop3A_122 = arith.constant 64 : i32
      %parallel_loop3A_123 = arith.constant 1 : i32
      scf.for %parallel_loop3A_146 = %parallel_loop3A_121 to %parallel_loop3A_122 step %parallel_loop3A_123  : i32 {
        %parallel_loop3A_147 = arith.constant 0 : i32
        %parallel_loop3A_148 = vector.broadcast %parallel_loop3A_147 : i32 to vector<16xi32>
        %parallel_loop3A_149 = vector.broadcast %parallel_loop3A_146 : i32 to vector<16xi32>
        %parallel_loop3A_150 = arith.addi %parallel_loop3A_148, %parallel_loop3A_149 : vector<16xi32>
        %parallel_loop3A_151 = arith.constant 3 : i32
        %parallel_loop3A_152 = arith.shrsi %parallel_loop3A_146, %parallel_loop3A_151 : i32
        %parallel_loop3A_153 = arith.constant 7 : i32
        %parallel_loop3A_154 = arith.andi %parallel_loop3A_146, %parallel_loop3A_153 : i32
        %parallel_loop3A_155 = tpu.vector_load_idx %arg7[%add3A_5, %parallel_loop3A_150] : memref<128x64xf32, #tpu.memory_space<vmem>>[vector<16xi32>, vector<16xi32>], vector<16xf32>,
        %parallel_loop3A_156 = arith.index_cast %parallel_loop3A_152 : i32 to index
        %parallel_loop3A_157 = arith.index_cast %parallel_loop3A_154 : i32 to index
        %parallel_loop3A_158 = arith.constant 0 : index
        %parallel_loop3A_159 = tpu.vector_load %arg9[%parallel_loop3A_156, %parallel_loop3A_157, %parallel_loop3A_158] {strides = array<i32>} : memref<8x8x128xf32, #tpu.memory_space<vmem>>, vector<16xf32>,
        tpu.vector_store %arg9[%parallel_loop3A_156, %parallel_loop3A_157, %parallel_loop3A_158], %parallel_loop3A_155 {strides = array<i32>} : memref<8x8x128xf32, #tpu.memory_space<vmem>>, vector<16xf32>,
        %parallel_loop3A_160 = tpu.vector_load_idx %arg7[%add3A_8, %parallel_loop3A_150] : memref<128x64xf32, #tpu.memory_space<vmem>>[vector<16xi32>, vector<16xi32>], vector<16xf32>,
        %parallel_loop3A_161 = arith.index_cast %parallel_loop3A_152 : i32 to index
        %parallel_loop3A_162 = arith.index_cast %parallel_loop3A_154 : i32 to index
        %parallel_loop3A_163 = arith.constant 16 : index
        %parallel_loop3A_164 = tpu.vector_load %arg9[%parallel_loop3A_161, %parallel_loop3A_162, %parallel_loop3A_163] {strides = array<i32>} : memref<8x8x128xf32, #tpu.memory_space<vmem>>, vector<16xf32>,
        tpu.vector_store %arg9[%parallel_loop3A_161, %parallel_loop3A_162, %parallel_loop3A_163], %parallel_loop3A_160 {strides = array<i32>} : memref<8x8x128xf32, #tpu.memory_space<vmem>>, vector<16xf32>,
        %parallel_loop3A_165 = tpu.vector_load_idx %arg7[%add3A_11, %parallel_loop3A_150] : memref<128x64xf32, #tpu.memory_space<vmem>>[vector<16xi32>, vector<16xi32>], vector<16xf32>,
        %parallel_loop3A_166 = arith.index_cast %parallel_loop3A_152 : i32 to index
        %parallel_loop3A_167 = arith.index_cast %parallel_loop3A_154 : i32 to index
        %parallel_loop3A_168 = arith.constant 32 : index
        %parallel_loop3A_169 = tpu.vector_load %arg9[%parallel_loop3A_166, %parallel_loop3A_167, %parallel_loop3A_168] {strides = array<i32>} : memref<8x8x128xf32, #tpu.memory_space<vmem>>, vector<16xf32>,
        tpu.vector_store %arg9[%parallel_loop3A_166, %parallel_loop3A_167, %parallel_loop3A_168], %parallel_loop3A_165 {strides = array<i32>} : memref<8x8x128xf32, #tpu.memory_space<vmem>>, vector<16xf32>,
        %parallel_loop3A_170 = tpu.vector_load_idx %arg7[%add3A_14, %parallel_loop3A_150] : memref<128x64xf32, #tpu.memory_space<vmem>>[vector<16xi32>, vector<16xi32>], vector<16xf32>,
        %parallel_loop3A_171 = arith.index_cast %parallel_loop3A_152 : i32 to index
        %parallel_loop3A_172 = arith.index_cast %parallel_loop3A_154 : i32 to index
        %parallel_loop3A_173 = arith.constant 48 : index
        %parallel_loop3A_174 = tpu.vector_load %arg9[%parallel_loop3A_171, %parallel_loop3A_172, %parallel_loop3A_173] {strides = array<i32>} : memref<8x8x128xf32, #tpu.memory_space<vmem>>, vector<16xf32>,
        tpu.vector_store %arg9[%parallel_loop3A_171, %parallel_loop3A_172, %parallel_loop3A_173], %parallel_loop3A_170 {strides = array<i32>} : memref<8x8x128xf32, #tpu.memory_space<vmem>>, vector<16xf32>,
        %parallel_loop3A_175 = tpu.vector_load_idx %arg7[%add3A_17, %parallel_loop3A_150] : memref<128x64xf32, #tpu.memory_space<vmem>>[vector<16xi32>, vector<16xi32>], vector<16xf32>,
        %parallel_loop3A_176 = arith.index_cast %parallel_loop3A_152 : i32 to index
        %parallel_loop3A_177 = arith.index_cast %parallel_loop3A_154 : i32 to index
        %parallel_loop3A_178 = arith.constant 64 : index
        %parallel_loop3A_179 = tpu.vector_load %arg9[%parallel_loop3A_176, %parallel_loop3A_177, %parallel_loop3A_178] {strides = array<i32>} : memref<8x8x128xf32, #tpu.memory_space<vmem>>, vector<16xf32>,
        tpu.vector_store %arg9[%parallel_loop3A_176, %parallel_loop3A_177, %parallel_loop3A_178], %parallel_loop3A_175 {strides = array<i32>} : memref<8x8x128xf32, #tpu.memory_space<vmem>>, vector<16xf32>,
        %parallel_loop3A_180 = tpu.vector_load_idx %arg7[%add3A_20, %parallel_loop3A_150] : memref<128x64xf32, #tpu.memory_space<vmem>>[vector<16xi32>, vector<16xi32>], vector<16xf32>,
        %parallel_loop3A_181 = arith.index_cast %parallel_loop3A_152 : i32 to index
        %parallel_loop3A_182 = arith.index_cast %parallel_loop3A_154 : i32 to index
        %parallel_loop3A_183 = arith.constant 80 : index
        %parallel_loop3A_184 = tpu.vector_load %arg9[%parallel_loop3A_181, %parallel_loop3A_182, %parallel_loop3A_183] {strides = array<i32>} : memref<8x8x128xf32, #tpu.memory_space<vmem>>, vector<16xf32>,
        tpu.vector_store %arg9[%parallel_loop3A_181, %parallel_loop3A_182, %parallel_loop3A_183], %parallel_loop3A_180 {strides = array<i32>} : memref<8x8x128xf32, #tpu.memory_space<vmem>>, vector<16xf32>,
        %parallel_loop3A_185 = tpu.vector_load_idx %arg7[%add3A_23, %parallel_loop3A_150] : memref<128x64xf32, #tpu.memory_space<vmem>>[vector<16xi32>, vector<16xi32>], vector<16xf32>,
        %parallel_loop3A_186 = arith.index_cast %parallel_loop3A_152 : i32 to index
        %parallel_loop3A_187 = arith.index_cast %parallel_loop3A_154 : i32 to index
        %parallel_loop3A_188 = arith.constant 96 : index
        %parallel_loop3A_189 = tpu.vector_load %arg9[%parallel_loop3A_186, %parallel_loop3A_187, %parallel_loop3A_188] {strides = array<i32>} : memref<8x8x128xf32, #tpu.memory_space<vmem>>, vector<16xf32>,
        tpu.vector_store %arg9[%parallel_loop3A_186, %parallel_loop3A_187, %parallel_loop3A_188], %parallel_loop3A_185 {strides = array<i32>} : memref<8x8x128xf32, #tpu.memory_space<vmem>>, vector<16xf32>,
        %parallel_loop3A_190 = tpu.vector_load_idx %arg7[%add3A_26, %parallel_loop3A_150] : memref<128x64xf32, #tpu.memory_space<vmem>>[vector<16xi32>, vector<16xi32>], vector<16xf32>,
        %parallel_loop3A_191 = arith.index_cast %parallel_loop3A_152 : i32 to index
        %parallel_loop3A_192 = arith.index_cast %parallel_loop3A_154 : i32 to index
        %parallel_loop3A_193 = arith.constant 112 : index
        %parallel_loop3A_194 = tpu.vector_load %arg9[%parallel_loop3A_191, %parallel_loop3A_192, %parallel_loop3A_193] {strides = array<i32>} : memref<8x8x128xf32, #tpu.memory_space<vmem>>, vector<16xf32>,
        tpu.vector_store %arg9[%parallel_loop3A_191, %parallel_loop3A_192, %parallel_loop3A_193], %parallel_loop3A_190 {strides = array<i32>} : memref<8x8x128xf32, #tpu.memory_space<vmem>>, vector<16xf32>,
      } {sc.loop_unroll_factor = 16 : i64, sc.parallel_access}
      %add3A_124 = arith.addi %mul3A_2, %select_n3A_103 : i32
      %dma_start3A_125 = arith.constant 0 : i32
      %dma_start3A_126 = arith.constant 0 : i32
      %dma_start3A_127 = arith.constant 0 : i32
      %dma_start3A_128 = tpu.memref_slice %arg4[%select_n3A, %dma_start3A_125, %add3A_124, %dma_start3A_126, %dma_start3A_127] : memref<50x8x128x8x128xf32, #tpu.memory_space<hbm>> -> memref<1x8x1x8x128xf32, #tpu.memory_space<hbm>>
      %dma_start3A_129 = tpu.memref_squeeze %dma_start3A_128 : memref<1x8x1x8x128xf32, #tpu.memory_space<hbm>> -> memref<8x8x128xf32, #tpu.memory_space<hbm>>
      %dma_start3A_130 = arith.constant 0 : i32
      %dma_start3A_131 = arith.constant 0 : i32
      %dma_start3A_132 = arith.constant 0 : i32
      %dma_start3A_133 = tpu.memref_slice %arg4[%select_n3A, %dma_start3A_130, %add3A_124, %dma_start3A_131, %dma_start3A_132] : memref<50x8x128x8x128xf32, #tpu.memory_space<hbm>> -> memref<1x8x1x8x128xf32, #tpu.memory_space<hbm>>
      %dma_start3A_134 = tpu.memref_squeeze %dma_start3A_133 : memref<1x8x1x8x128xf32, #tpu.memory_space<hbm>> -> memref<8x8x128xf32, #tpu.memory_space<hbm>>
      tpu.enqueue_dma source(%arg9 : memref<8x8x128xf32, #tpu.memory_space<vmem>>) target(%dma_start3A_134 : memref<8x8x128xf32, #tpu.memory_space<hbm>>) target_semaphore(%arg13 : memref<!tpu.dma_semaphore, #tpu.memory_space<semaphore_mem>>)
      %eq3A_135 = arith.constant 49 : i32
      %eq3A_136 = arith.cmpi eq, %select_n3A, %eq3A_135 : i32
      %add3A_137 = arith.constant 1 : i32
      %add3A_138 = arith.addi %select_n3A, %add3A_137 : i32
      %jit3A_139 = arith.constant 0 : i32
      %select_n3A_140 = arith.select %eq3A_136, %jit3A_139, %add3A_138 : i32
      %eq3A_141 = arith.constant 49 : i32
      %eq3A_142 = arith.cmpi eq, %select_n3A, %eq3A_141 : i32
      %add3A_143 = arith.constant 1 : i32
      %add3A_144 = arith.addi %select_n3A_103, %add3A_143 : i32
      %select_n3A_145 = arith.select %eq3A_142, %add3A_144, %select_n3A_103 : i32
      scf.yield %select_n3A_140, %select_n3A_145 : i32, i32
    }
    %scan3A_39 = arith.constant 100 : i32
    %dma_wait3A = arith.constant 0 : i32
    %dma_wait3A_40 = arith.constant 0 : i32
    %dma_wait3A_41 = arith.constant 0 : i32
    %dma_wait3A_42 = arith.constant 0 : i32
    %dma_wait3A_43 = tpu.memref_slice %arg4[%dma_wait3A, %dma_wait3A_40, %mul3A_2, %dma_wait3A_41, %dma_wait3A_42] : memref<50x8x128x8x128xf32, #tpu.memory_space<hbm>> -> memref<1x8x1x8x128xf32, #tpu.memory_space<hbm>>
    %dma_wait3A_44 = tpu.memref_squeeze %dma_wait3A_43 : memref<1x8x1x8x128xf32, #tpu.memory_space<hbm>> -> memref<8x8x128xf32, #tpu.memory_space<hbm>>
    %dma_wait3A_45 = arith.constant 0 : i32
    %dma_wait3A_46 = arith.constant 0 : i32
    %dma_wait3A_47 = arith.constant 0 : i32
    %dma_wait3A_48 = tpu.memref_slice %arg4[%dma_wait3A, %dma_wait3A_45, %mul3A_2, %dma_wait3A_46, %dma_wait3A_47] : memref<50x8x128x8x128xf32, #tpu.memory_space<hbm>> -> memref<1x8x1x8x128xf32, #tpu.memory_space<hbm>>
    %dma_wait3A_49 = tpu.memref_squeeze %dma_wait3A_48 : memref<1x8x1x8x128xf32, #tpu.memory_space<hbm>> -> memref<8x8x128xf32, #tpu.memory_space<hbm>>
    tpu.wait_dma2 semaphore(%arg12 : memref<!tpu.dma_semaphore, #tpu.memory_space<semaphore_mem>>) src(%arg8 : memref<8x8x128xf32, #tpu.memory_space<vmem>>) dst(%dma_wait3A_49 : memref<8x8x128xf32, #tpu.memory_space<hbm>>)
    %dma_wait3A_50 = arith.constant 0 : i32
    %dma_wait3A_51 = arith.constant 0 : i32
    %dma_wait3A_52 = arith.constant 0 : i32
    %dma_wait3A_53 = arith.constant 0 : i32
    %dma_wait3A_54 = tpu.memref_slice %arg4[%dma_wait3A_50, %dma_wait3A_51, %mul3A_2, %dma_wait3A_52, %dma_wait3A_53] : memref<50x8x128x8x128xf32, #tpu.memory_space<hbm>> -> memref<1x8x1x8x128xf32, #tpu.memory_space<hbm>>
    %dma_wait3A_55 = tpu.memref_squeeze %dma_wait3A_54 : memref<1x8x1x8x128xf32, #tpu.memory_space<hbm>> -> memref<8x8x128xf32, #tpu.memory_space<hbm>>
    %dma_wait3A_56 = arith.constant 0 : i32
    %dma_wait3A_57 = arith.constant 0 : i32
    %dma_wait3A_58 = arith.constant 0 : i32
    %dma_wait3A_59 = tpu.memref_slice %arg4[%dma_wait3A_50, %dma_wait3A_56, %mul3A_2, %dma_wait3A_57, %dma_wait3A_58] : memref<50x8x128x8x128xf32, #tpu.memory_space<hbm>> -> memref<1x8x1x8x128xf32, #tpu.memory_space<hbm>>
    %dma_wait3A_60 = tpu.memref_squeeze %dma_wait3A_59 : memref<1x8x1x8x128xf32, #tpu.memory_space<hbm>> -> memref<8x8x128xf32, #tpu.memory_space<hbm>>
    tpu.wait_dma2 semaphore(%arg13 : memref<!tpu.dma_semaphore, #tpu.memory_space<semaphore_mem>>) src(%arg9 : memref<8x8x128xf32, #tpu.memory_space<vmem>>) dst(%dma_wait3A_60 : memref<8x8x128xf32, #tpu.memory_space<hbm>>)
    return
  }
}

</mosaic_0001>

<sc_bundles>
// kernel: kernel.3.cloned.1.call-start
scs
__scs_entry_jumppad:
0x0: {  	(pc) =	sbr.rel $0x88, $3  }
0x1: {  	(tag) =	ssettag $0x0;
	lr =	simm.s32 $0x1  }
0x2: {  	[smem:$0x3F9F] =	sst lr;
	_ =	strace $0xD0000000  }
0x3: {  	_ = 	snop  }
0x4: {  	_ = 	snop  }
0x5: {  	_ = 	snop  }
0x6: {  	_ = 	snop  }
0x7: {  	_ = 	snop  }
__scs_overlays_trampoline_lowered:
0x8: {  	[smem:$0x3FAE] =	sst s0  }
0x9: {  	[smem:$0x3FAF] =	sst s1  }
0xa: {  	[smem:$0x3FB0] =	sst s2  }
0xb: {  	[smem:$0x3FB1] =	sst s3  }
0xc: {  	[smem:$0x3FB2] =	sst s4  }
0xd: {  	[smem:$0x3FB3] =	sst s5  }
0xe: {  	[smem:$0x3FB4] =	sst s6  }
0xf: {  	[smem:$0x3FB5] =	sst s7  }
0x10: {  	[smem:$0x3FB6] =	sst s8  }
0x11: {  	[smem:$0x3FB7] =	sst s9;
	s0 =	simm.s32 @!p0 $0x0  }
0x12: {  	s1 =	sld [smem:$0x3F9D];
	s0 =	simm.s32 @p0 $0x1  }
0x13: {  	[smem:$0x3FB8] =	sst s0;
	s0 =	simm.s32 @!p1 $0x0  }
0x14: {  	s2 =	sld [smem:$0x3F9C];
	s0 =	simm.s32 @p1 $0x1  }
0x15: {  	[smem:$0x3FB9] =	sst s0;
	s0 =	simm.s32 @!p2 $0x0  }
0x16: {  	s3 =	sld [smem:$0x3FDB];
	s0 =	simm.s32 @p2 $0x1  }
0x17: {  	s4 =	simm.s32 $0x1BF5;
	[smem:$0x3FBB] =	sst s0  }
0x18: {  	s0 =	sld [smem:$0x3F9E];
	_ =	swait.ge [sflag:s4], $0x0  }
0x19: {  	s7 =	sld [smem:$0x3F9F]  }
0x1a: {  	s8 =	sadd.s32 $0xFFFFE003, lr  }
0x1b: {  	s9 =	sadd.s32 $0xFFFFFEF7, lr;
	s5 =	simm.s32 $0xFFFFFFFF;
	p2 =	slt.u32 s8, $0xFFFFF086  }
0x1c: {  	p1 =	slt.u32 s9, $0xF7A;
	s5 =	simm.s32 @!p2 $0x0  }
0x1d: {  	s5 =	simm.s32 @p1 $0x1;
	p0 =	seq.s32 s7, s2  }
0x1e: {  	s7 =	smul.u32 @!p0 $0xF7A, s2;
	p2 =	seq.s32 @!p0 s5, $0x0  }
0x1f: {  	s9 =	smul.u32 $0xF7A, s1;
	s8 =	simm.s32 @!p0 $0x1BF5;
	p2 =	por !p2, p0  }
0x20: {  	[sflag:s8] =	ssyncset.s32 @!p0 $0xFFFFF086;
	s6 =	sadd.s32 @!p0 s3, s7;
	s7 =	simm.s32 @!p0 $0x108  }
0x21: {  	s3 =	sadd.s32 s3, s9;
	s6 =	sadd.s32 @!p0 $0x88, s6;
	s7 =	simm.s32 @p2 $0x1082  }
0x22: {  	[simem:s7], [sflag:s8] =	dma.local @!p0 [hbm:s6], $0xF7A  }
0x23: {  	s9 =	sor.u32 $0xD0000000, s2;
	s6 =	simm.s32 $0x108;
	_ =	swait.ge @!p0 [sflag:s8], $0x0  }
0x24: {  	s3 =	sadd.s32 $0x88, s3;
	s6 =	simm.s32 @!p1 $0x1082;
	[sflag:s4] =	ssyncset.s32 $0xFFFFF086  }
0x25: {  	[simem:s6], [sflag:s4] =	dma.local [hbm:s3], $0xF7A  }
0x26: {  	[smem:$0x3F9F] =	sst s1;
	(tag) =	ssettag s2;
	_ =	strace s9  }
0x27: {  	s1 =	sld [smem:$0x3FAF]  }
0x28: {  	s2 =	sld [smem:$0x3FB0]  }
0x29: {  	s4 =	sld [smem:$0x3FB2]  }
0x2a: {  	p0 =	seq.s32 s5, $0x0;
	s5 =	sld [smem:$0x3FB3]  }
0x2b: {  	s6 =	sld [smem:$0x3FB4]  }
0x2c: {  	s7 =	sld [smem:$0x3FB5]  }
0x2d: {  	s3 =	simm.s32 $0x108;
	s8 =	sld [smem:$0x3FB6]  }
0x2e: {  	s3 =	simm.s32 @!p0 $0x1082;
	s9 =	sld [smem:$0x3FB7]  }
0x2f: {  	lr =	sadd.s32 s0, s3;
	s0 =	sld [smem:$0x3FAE]  }
0x30: {  	s3 =	sld [smem:$0x3FB1]  }
0x31: {  	[smem:$0x3FBA] =	sst s10  }
0x32: {  	s10 =	sld [smem:$0x3FB8];
	_ =	sdelay $0x3  }
0x33: {  	p0 =	seq.s32 s10, $0x1;
	s10 =	sld [smem:$0x3FBA];
	_ =	sdelay $0x3  }
0x34: {  	[smem:$0x3FBA] =	sst s10  }
0x35: {  	s10 =	sld [smem:$0x3FB9];
	_ =	sdelay $0x3  }
0x36: {  	p1 =	seq.s32 s10, $0x1;
	s10 =	sld [smem:$0x3FBA];
	_ =	sdelay $0x3  }
0x37: {  	[smem:$0x3FBA] =	sst s10  }
0x38: {  	s10 =	sld [smem:$0x3FBB]  }
0x39: {  	_ = 	snop;
	(pc) =	sbr.ind lr, $3  }
0x3a: {  	_ = 	snop  }
0x3b: {  	_ = 	snop  }
0x3c: {  	p2 =	seq.s32 s10, $0x1;
	s10 =	sld [smem:$0x3FBA]  }
0x3d: {  	_ =	shalt  }
0x3e: {  	_ =	shalt  }
0x3f: {  	_ =	shalt  }
0x40: {  	_ =	shalt  }
0x41: {  	_ =	shalt  }
0x42: {  	_ =	shalt  }
0x43: {  	_ =	shalt  }
0x44: {  	_ =	shalt  }
0x45: {  	_ =	shalt  }
0x46: {  	_ =	shalt  }
0x47: {  	_ =	shalt  }
0x48: {  	_ =	shalt  }
0x49: {  	_ =	shalt  }
0x4a: {  	_ =	shalt  }
0x4b: {  	_ =	shalt  }
0x4c: {  	_ =	shalt  }
0x4d: {  	_ =	shalt  }
0x4e: {  	_ =	shalt  }
0x4f: {  	_ =	shalt  }
0x50: {  	_ =	shalt  }
0x51: {  	_ =	shalt  }
0x52: {  	_ =	shalt  }
0x53: {  	_ =	shalt  }
0x54: {  	_ =	shalt  }
0x55: {  	_ =	shalt  }
0x56: {  	_ =	shalt  }
0x57: {  	_ =	shalt  }
0x58: {  	_ =	shalt  }
0x59: {  	_ =	shalt  }
0x5a: {  	_ =	shalt  }
0x5b: {  	_ =	shalt  }
0x5c: {  	_ =	shalt  }
0x5d: {  	_ =	shalt  }
0x5e: {  	_ =	shalt  }
0x5f: {  	_ =	shalt  }
0x60: {  	_ =	shalt  }
0x61: {  	_ =	shalt  }
0x62: {  	_ =	shalt  }
0x63: {  	_ =	shalt  }
0x64: {  	_ =	shalt  }
0x65: {  	_ =	shalt  }
0x66: {  	_ =	shalt  }
0x67: {  	_ =	shalt  }
0x68: {  	_ =	shalt  }
0x69: {  	_ =	shalt  }
0x6a: {  	_ =	shalt  }
0x6b: {  	_ =	shalt  }
0x6c: {  	_ =	shalt  }
0x6d: {  	_ =	shalt  }
0x6e: {  	_ =	shalt  }
0x6f: {  	_ =	shalt  }
0x70: {  	_ =	shalt  }
0x71: {  	_ =	shalt  }
0x72: {  	_ =	shalt  }
0x73: {  	_ =	shalt  }
0x74: {  	_ =	shalt  }
0x75: {  	_ =	shalt  }
0x76: {  	_ =	shalt  }
0x77: {  	_ =	shalt  }
0x78: {  	_ =	shalt  }
0x79: {  	_ =	shalt  }
0x7a: {  	_ =	shalt  }
0x7b: {  	_ =	shalt  }
0x7c: {  	_ =	shalt  }
0x7d: {  	_ =	shalt  }
0x7e: {  	_ =	shalt  }
0x7f: {  	_ =	shalt  }
0x80: {  	_ =	shalt  }
0x81: {  	_ =	shalt  }
0x82: {  	_ =	shalt  }
0x83: {  	_ =	shalt  }
0x84: {  	_ =	shalt  }
0x85: {  	_ =	shalt  }
0x86: {  	_ =	shalt  }
0x87: {  	_ =	shalt  }
.Lfunc_end0:
.L_simem_size_0:
called_computation.1_lowered:
.L_overlay_start_0:
0x88: {  	s2 =	sld [smem:$0x3FD9]  }
0x89: {  	s3 =	sld [smem:$0x3FFE];
	_ =	sdelay $0x1  }
0x8a: {  	s1 =	srdreg.scid  }
0x8b: {  	s0 =	sand.u32 $0x1, s1  }
0x8c: {  	s17 =	sshll.u32 s0, $0xA;
	s2 =	sadd.s32 s3, s2  }
0x8d: {  	s2 =	sadd.s32 s2, s17  }
0x8e: {  	[smem:$0x3FC6] =	sst s2  }
0x8f: {  	_ = 	snop  }
0x90: {  	s2 =	sld [smem:$0x3FD0];
	(tm) =	ssettm $0x1  }
0x91: {  	s18 =	sld [smem:$0x3FFB];
	_ =	sdelay $0x3  }
0x92: {  	_ =	strace s18  }
0x93: {  	s3 =	sld [smem:$0x3FFC];
	_ =	sdelay $0x3  }
0x94: {  	_ =	strace s3  }
0x95: {  	s3 =	sld [smem:$0x3FFD];
	_ =	sdelay $0x3  }
0x96: {  	_ =	strace s3  }
0x97: {  	_ =	strace $0x8FFFFFFF  }
0x98: {  	s19 =	sld [smem:$0x3FDB];
	_ =	sdelay $0x1  }
0x99: {  	s4 =	simm.s32 $_scs_section_size  }
0x9a: {  	s5 =	simm.s32 $_size__tile_overlayer_lowered;
	s6 =	simm.s32 $_tile_overlayer_lowered  }
0x9b: {  	s22 =	simm.s32 $0x1BFF;
	s21 =	sshll.u32 s6, $0x1;
	s3 =	sadd.s32 s4, s19  }
0x9c: {  	s7 =	simm.s32 $0x0;
	s20 =	sshll.u32 s5, $0x1;
	s5 =	sadd.s32 s21, s3  }
0x9d: {  	[timem:s7], [sflag:s22] =	dma.local [hbm:s5], s20  }
0x9e: {  	_ =	swait.ge [sflag:s22], s20  }
0x9f: {  	s4 =	ssub.s32 $0x0, s20;
	[sflag:s22] =	ssyncset.done $0x0  }
0xa0: {  	[sflag:s22] =	ssyncadd.s32 s4;
	_ =	sdelay $0x1  }
0xa1: {  	s23 =	simm.s32 $0x1B8B  }
0xa2: {  	_ =	swait.ge [sflag:s23], $0x1  }
0xa3: {  	[sflag:s23] =	ssyncset.done $0x0  }
0xa4: {  	s25 =	simm.s32 $0x1B8E;
	s24 =	sld [smem:$0x3FFE];
	[sflag:s23] =	ssyncadd.s32 $0xFFFFFFFF  }
0xa5: {  	s26 =	simm.s32 $execute0_lowered;
	[smem:$0x3FD2] =	sst s25  }
0xa6: {  	s5 =	sshll.u32 s26, $0x1;
	_ =	strace $0x80000049;
	[dreg:$0x1] =	wrdreg $0xFFFFFFFF  }
0xa7: {  	s28 =	simm.s32 $_size_execute0_lowered;
	s3 =	sadd.s32 s3, s5;
	[dreg:$0x0] =	wrdreg $0x0  }
0xa8: {  	s5 =	sshll.u32 s28, $0x1;
	[dreg:$0x2] =	wrdreg s3  }
0xa9: {  	[dreg:$0x3] =	wrdreg s5  }
0xaa: {  	[dreg:$0x4] =	wrdreg $0xC0  }
0xab: {  	_ =	task [dreg:s7], $0x5FFFF  }
0xac: {  	[dreg:$0x1] =	wrdreg $0xFFFFFFFF  }
0xad: {  	[dreg:$0x0] =	wrdreg $0x60  }
0xae: {  	[dreg:$0x2] =	wrdreg s24  }
0xaf: {  	[dreg:$0x3] =	wrdreg s2  }
0xb0: {  	[dreg:$0x4] =	wrdreg $0x9  }
0xb1: {  	_ =	task.clear_ibuf [dreg:s7], $0x5FFFF;
	_ =	strace $0x90000049  }
0xb2: {  	s29 =	simm.s32 $0x9;
	_ =	strace $0x8000004B  }
0xb3: {  	_ =	swait.ge [sflag:s29], $0x1  }
0xb4: {  	[sflag:s29] =	ssyncadd.s32 $0xFFFFFFFF  }
0xb5: {  	_ =	strace $0x9000004B  }
0xb6: {  	_ =	sfence  }
0xb7: {  	s30 =	sld [smem:$0x0];
	_ =	sdelay $0x2  }
0xb8: {  	s31 =	sshll.u32 s1, $0xD;
	s1 =	sshrl.u32 s1, $0x2  }
0xb9: {  	s3 =	sand.u32 $0x4000, s31;
	s1 =	sadd.s32 s1, s30  }
0xba: {  	s0 =	sor.u32 s3, s0;
	s1 =	sshll.u32 s1, $0x11  }
0xbb: {  	s0 =	sor.u32 s1, s0  }
0xbc: {  	s0 =	sadd.s32 $0x8F2B, s0  }
0xbd: {  	[sflag:s0] =	ssyncadd.remote.s32 $0x1  }
0xbe: {  	_ =	sfence.sel $0xFFFF  }
0xbf: {  	[dreg:$0x0] =	wrdreg $0xFFFFFFFF;
	(pc) =	sbr.abs _section_cstart, $3  }
0xc0: {  	[dreg:$0x1] =	wrdreg $0xFFFFFFFF  }
0xc1: {  	_ =	task.clear_ibuf [dreg:s7], $0x2FFFF;
	_ =	strace $0x9FFFFFFF  }
0xc2: {  	(tm) =	ssettm $0x7FFFFFFF  }
0xc3: {  	_ =	shalt  }
tec
execute0_lowered:
.L_overlay_start_1:
0x0: {  	(tag) =	ssettag $0x1  }
0x1: {  	v0 =	vlaneseq.u32  }
0x2: {  	s4 =	rddreg [dreg:$0x0];
	v34 =	vmul.u32 $0x40, v0  }
0x3: {  	vm0 =	vcmask $0x300;
	s2 =	rddreg [dreg:$0x1];
	s3 =	simm.s32 $0x0;
	v0 =	vimm.s32 $0x0  }
0x4: {  	s1 =	srdreg.scid;
	[smem:$0x7FF] =	sst s3;
	v1 =	vsel vm0, $0x3, v0;
	v0 =	vor.u32 $0xC06, v34  }
0x5: {  	s5 =	sand.u32 $0x1, s1;
	s1 =	rddreg [dreg:$0x2];
	_ =	strace $0x8000004A;
	v20 =	vor.u32 $0xC04, v34;
	[tilespmem:$0x1FC60] =	vst v0  }
0x6: {  	v30 =	vor.u32 $0x1004, v34;
	[tilespmem:$0x1FD10] =	vst v20  }
0x7: {  	v40 =	vor.u32 $0x1404, v34;
	[tilespmem:$0x1FD20] =	vst v30  }
0x8: {  	v61 =	vor.u32 $0x1804, v34;
	[tilespmem:$0x1FD30] =	vst v40  }
0x9: {  	v53 =	vor.u32 $0x1C04, v34;
	[tilespmem:$0x1FD40] =	vst v61  }
0xa: {  	v44 =	vor.u32 $0x405, v34;
	[tilespmem:$0x1FD50] =	vst v53  }
0xb: {  	v22 =	vor.u32 $0x805, v34;
	[tilespmem:$0x1FD60] =	vst v44  }
0xc: {  	v23 =	vor.u32 $0xC05, v34;
	[tilespmem:$0x1FD70] =	vst v22  }
0xd: {  	v24 =	vor.u32 $0x1005, v34;
	[tilespmem:$0x1FD80] =	vst v23  }
0xe: {  	v45 =	vor.u32 $0x1405, v34;
	[tilespmem:$0x1FD90] =	vst v24  }
0xf: {  	v46 =	vor.u32 $0x1805, v34;
	[tilespmem:$0x1FDA0] =	vst v45  }
0x10: {  	v12 =	vor.u32 $0x1C05, v34;
	[tilespmem:$0x1FDB0] =	vst v46  }
0x11: {  	v25 =	vor.u32 $0x406, v34;
	[tilespmem:$0x1FDC0] =	vst v12  }
0x12: {  	v29 =	vor.u32 $0x806, v34;
	[tilespmem:$0x1FDD0] =	vst v25  }
0x13: {  	v14 =	vor.u32 $0x1C06, v34;
	[tilespmem:$0x1FDE0] =	vst v29  }
0x14: {  	v36 =	vor.u32 $0x404, v34;
	[tilespmem:$0x1FDF0] =	vst v14  }
0x15: {  	v37 =	vor.u32 $0x804, v34;
	[tilespmem:$0x1FE00] =	vst v36  }
0x16: {  	v28 =	vor.u32 $0x6, v34;
	[tilespmem:$0x1FE10] =	vst v37  }
0x17: {  	v27 =	vor.u32 $0x5, v34;
	[tilespmem:$0x1FE20] =	vst v28  }
0x18: {  	v26 =	vor.u32 $0x4, v34;
	[tilespmem:$0x1FE30] =	vst v27  }
0x19: {  	v5 =	vor.u32 $0x2, v34;
	[tilespmem:$0x1FE40] =	vst v26  }
0x1a: {  	v2 =	vor.u32 $0x1, v34;
	[tilespmem:$0x1FE50] =	vst v5  }
0x1b: {  	v58 =	vor.u32 $0x3, v34;
	[tilespmem:$0x1FE60] =	vst v2  }
0x1c: {  	v33 =	vor.u32 $0x803, v34;
	[tilespmem:$0x1FE70] =	vst v58  }
0x1d: {  	v32 =	vor.u32 $0x403, v34;
	[tilespmem:$0x1FE80] =	vst v33  }
0x1e: {  	v11 =	vor.u32 $0x402, v34;
	[tilespmem:$0x1FE90] =	vst v32  }
0x1f: {  	v9 =	vor.u32 $0x802, v34;
	[tilespmem:$0x1FEA0] =	vst v11  }
0x20: {  	v6 =	vor.u32 $0x401, v34;
	[tilespmem:$0x1FEB0] =	vst v9  }
0x21: {  	v60 =	vor.u32 $0x801, v34;
	[tilespmem:$0x1FEC0] =	vst v6  }
0x22: {  	v3 =	vor.u32 $0x800, v34;
	[tilespmem:$0x1FED0] =	vst v60  }
0x23: {  	v13 =	vor.u32 $0xC03, v34;
	[tilespmem:$0x1FEE0] =	vst v3  }
0x24: {  	v18 =	vor.u32 $0x1003, v34;
	[tilespmem:$0x1FEF0] =	vst v13  }
0x25: {  	v21 =	vor.u32 $0x1403, v34;
	[tilespmem:$0x1FF00] =	vst v18  }
0x26: {  	v19 =	vor.u32 $0x1803, v34;
	[tilespmem:$0x1FF10] =	vst v21  }
0x27: {  	v63 =	vor.u32 $0x1C03, v34;
	[tilespmem:$0x1FF20] =	vst v19  }
0x28: {  	v41 =	vor.u32 $0x1400, v34;
	[tilespmem:$0x1FF30] =	vst v63  }
0x29: {  	v43 =	vor.u32 $0x1C00, v34;
	[tilespmem:$0x1FF40] =	vst v41  }
0x2a: {  	v51 =	vor.u32 $0x1C01, v34;
	[tilespmem:$0x1FF50] =	vst v43  }
0x2b: {  	v50 =	vor.u32 $0x1801, v34;
	[tilespmem:$0x1FF60] =	vst v51  }
0x2c: {  	v10 =	vor.u32 $0x1800, v34;
	[tilespmem:$0x1FF70] =	vst v50  }
0x2d: {  	v42 =	vor.u32 $0x1802, v34;
	[tilespmem:$0x1FF80] =	vst v10  }
0x2e: {  	v49 =	vor.u32 $0x1401, v34;
	[tilespmem:$0x1FF90] =	vst v42  }
0x2f: {  	v57 =	vor.u32 $0x1402, v34;
	[tilespmem:$0x1FFA0] =	vst v49  }
0x30: {  	v48 =	vor.u32 $0x1001, v34;
	[tilespmem:$0x1FFB0] =	vst v57  }
0x31: {  	v56 =	vor.u32 $0x1002, v34;
	[tilespmem:$0x1FFC0] =	vst v48  }
0x32: {  	v7 =	vor.u32 $0x1000, v34;
	[tilespmem:$0x1FFD0] =	vst v56  }
0x33: {  	v39 =	vor.u32 $0xC00, v34;
	[tilespmem:$0x1FFE0] =	vst v7  }
0x34: {  	v0 =	vor.u32 $0x1006, v34;
	[tilespmem:$0x1FFF0] =	vst v39  }
0x35: {  	[tilespmem:$0x1FC70] =	vst v0;
	v0 =	vor.u32 $0x1406, v34  }
0x36: {  	s0 =	stileid.u32;
	[tilespmem:$0x1FC80] =	vst v0;
	v0 =	vor.u32 $0x1806, v34  }
0x37: {  	s9 =	simm.s32 $0x80;
	s10 =	simm.s32 $0x6400;
	s11 =	simm.s32 $0x8400;
	[tilespmem:$0x1FC90] =	vst v0;
	v0 =	vor.u32 $0x7, v34  }
0x38: {  	s12 =	simm.s32 $0x1;
	s13 =	simm.s32 $0x400;
	s14 =	simm.s32 $0x20000;
	[tilespmem:$0x1FCA0] =	vst v0;
	v0 =	vor.u32 $0x407, v34  }
0x39: {  	s15 =	simm.s32 $0xA400;
	s16 =	simm.s32 $0x2;
	s31 =	sshll.u32 s0, $0x1;
	[tilespmem:$0x1FCB0] =	vst v0;
	v0 =	vor.u32 $0x807, v34  }
0x3a: {  	s17 =	simm.s32 $0x4;
	s6 =	sor.u32 s5, s31;
	s5 =	ssub.s32 $0x2, s5;
	[tilespmem:$0x1FCC0] =	vst v0;
	v0 =	vor.u32 $0xC07, v34  }
0x3b: {  	s18 =	simm.s32 $0xC400;
	s7 =	smul.u32 $0xC80, s6;
	s8 =	sshrl.u32 s5, $0x1;
	[tilespmem:$0x1FCD0] =	vst v0;
	v0 =	vor.u32 $0x1007, v34  }
0x3c: {  	s19 =	simm.s32 $0x3;
	s20 =	simm.s32 $0x0;
	s8 =	ssub.s32 s5, s8;
	[tilespmem:$0x1FCE0] =	vst v0;
	v0 =	vor.u32 $0x1407, v34  }
0x3d: {  	v35 =	vor.u32 $0x400, v34;
	s5 =	sshll.u32 s6, $0x2;
	s7 =	sadd.s32 s7, s4;
	s4 =	sadd.s32 $0xF5C000, s4;
	[tilespmem:$0x1FCF0] =	vst v0;
	v0 =	vor.u32 $0x1807, v34  }
0x3e: {  	v47 =	vor.u32 $0xC01, v34;
	v55 =	vor.u32 $0xC02, v34;
	v59 =	vor.u32 $0x1C02, v34;
	s6 =	sadd.s32 $0xF43000, s7;
	s7 =	smax.u32 s8, $0x1;
	s8 =	simm.s32 $0x5;
	[tilespmem:$0x1FD00] =	vst v0  }
.LBB2_1:
0x3f: {  	[tilespmem:s3], [sflag:$0x5] =	stream.linear.gather [hbm4b:s6+s3], $0x6400, $0x38;
	[tilespmem:$0xE400] =	vst v63  }
0x40: {  	_ =	swait.ge [sflag:s8], $0x6400  }
0x41: {  	s22 =	simm.s32 $0x0;
	[sflag:s8] =	ssyncset.done $0x0  }
0x42: {  	s23 =	simm.s32 $0x0;
	s21 =	simm.s32 $0x0;
	[sflag:s8] =	ssyncadd.s32 $0xFFFF9C00  }
0x43: {  	[tilespmem:s10], [sflag:$0x1] =	stream.indirect.gather [hbm4b:s4+s9], $0x40, s3, s9, $0xb8;
	[tilespmem:$0xE400] =	vst v63  }
.LBB2_2:
0x44: {  	s24 =	simm.s32 $0x0  }
0x45: {  	s25 =	sshll.u32 s21, $0x8;
	v0 =	vmov s24  }
0x46: {  	s24 =	sand.u32 $0x3FFFFF00, s25;
	v0 =	vshrl.u32 v0, $0x3  }
0x47: {  	s25 =	sor.u32 $0x80, s24;
	v0 =	vshll.u32 v0, v1  }
0x48: {  	[tilespmem:s11], [sflag:$0x2] =	stream.indirect.gather [hbm4b:s4+s9], $0x40, s25, s9, $0xb8;
	v12 =	vbroadcast v0, $0x0;
	[tilespmem:$0xE400] =	vst v63  }
0x49: {  	_ =	swait.ge [sflag:s12], $0x2000  }
0x4a: {  	p0 =	seq.s32 s21, $0x0;
	[sflag:s12] =	ssyncset.done $0x0;
	v0 =	vor.u32 v34, v12  }
0x4b: {  	s25 =	simm.s32 @!p0 $0x3;
	[sflag:s12] =	ssyncadd.s32 $0xFFFFE000  }
0x4c: {  	_ =	swait.ge @!p0 [sflag:s25], $0x2000  }
0x4d: {  	[sflag:s25] =	ssyncset.done @!p0 $0x0  }
0x4e: {  	[sflag:s25] =	ssyncadd.s32 @!p0 $0xFFFFE000  }
0x4f: {  	v0 =	vld.idx.msk [tilespmem:v0+s10+$0x0], $0xffff  }
0x50: {  	s26 =	simm.s32 $0x8;
	v15 =	vmov v2;
	s29 =	simm.s32 $0x9;
	s28 =	simm.s32 $0xB;
	v43 =	vmov v33  }
0x51: {  	v33 =	vmovc v3;
	s30 =	simm.s32 $0xC;
	v14 =	vmovc v5;
	v2 =	vmov s26;
	v3 =	vmov s29;
	v5 =	vmov s28;
	s28 =	simm.s32 $0xE  }
0x52: {  	v49 =	vmovc v39;
	v39 =	vmovc v6;
	v6 =	vmov s30;
	s29 =	simm.s32 $0xF;
	v8 =	vmov s28;
	v2 =	vshrl.u32 v2, $0x3  }
0x53: {  	v42 =	vmovc v11;
	v11 =	vshrl.u32 v5, $0x3;
	v5 =	vmov s29;
	v10 =	vor.u32 v14, v12  }
0x54: {  	v16 =	vshrl.u32 v8, $0x3;
	v2 =	vshll.u32 v2, v1;
	v8 =	vor.u32 v27, v12;
	[tilespmem:$0x1FC30] =	vst v0;
	v0 =	vld [tilespmem:$0x1FCA0]  }
0x55: {  	v41 =	vmovc v9;
	v31 =	vmovc v14;
	v9 =	vor.u32 v15, v12;
	v14 =	vshrl.u32 v6, $0x3;
	v6 =	vshrl.u32 v5, $0x3  }
0x56: {  	s31 =	simm.s32 $0xD;
	v57 =	vmov v13;
	s26 =	simm.s32 $0xA;
	v56 =	vbroadcast v2, $0x0;
	v2 =	vshll.u32 v6, v1  }
0x57: {  	v51 =	vmovc v18;
	v50 =	vmovc v55;
	v7 =	vmov s31;
	v4 =	vmov s26;
	v2 =	vbroadcast v2, $0x0  }
0x58: {  	v55 =	vmovc v37;
	v37 =	vmovc v20;
	v3 =	vshrl.u32 v3, $0x3;
	v48 =	vshrl.u32 v7, $0x3;
	v13 =	vor.u32 v58, v12;
	v18 =	vld.idx.msk [tilespmem:v10+s10+$0x0], $0xffff  }
0x59: {  	v7 =	vor.u32 v26, v12;
	v10 =	vor.u32 v0, v12;
	v20 =	vor.u32 v0, v2;
	v0 =	vld.idx.msk [tilespmem:v8+s10+$0x0], $0xffff  }
0x5a: {  	v4 =	vshrl.u32 v4, $0x3;
	v3 =	vshll.u32 v3, v1;
	v17 =	vld.idx.msk [tilespmem:v9+s10+$0x0], $0xffff;
	v9 =	vor.u32 v28, v12  }
0x5b: {  	v62 =	vmovc v53;
	v53 =	vmov v21;
	v21 =	vbroadcast v3, $0x0;
	v3 =	vshll.u32 v4, v1  }
0x5c: {  	v54 =	vbroadcast v3, $0x0;
	v6 =	vld [tilespmem:$0x1FCB0]  }
0x5d: {  	v38 =	vmovc v44;
	v44 =	vmov v22;
	v3 =	vshll.u32 v11, v1;
	v22 =	vor.u32 v15, v21;
	v13 =	vld.idx.msk [tilespmem:v13+s10+$0x0], $0xffff  }
0x5e: {  	v5 =	vmov v32;
	v32 =	vmov v23;
	v23 =	vor.u32 v31, v54;
	v4 =	vld.idx.msk [tilespmem:v7+s10+$0x0], $0xffff;
	[tilespmem:$0x1FC40] =	vst v0  }
0x5f: {  	v19 =	vor.u32 v34, v56;
	v8 =	vbroadcast v3, $0x0;
	v3 =	vshll.u32 v14, v1;
	v14 =	vld.idx.msk [tilespmem:v9+s10+$0x0], $0xffff  }
0x60: {  	v15 =	vld.idx.msk [tilespmem:v10+s10+$0x0], $0xffff  }
0x61: {  	v20 =	vld.idx.msk [tilespmem:v20+s10+$0x0], $0xffff  }
0x62: {  	v52 =	vmov v30;
	v9 =	vbroadcast v3, $0x0;
	v22 =	vld.idx.msk [tilespmem:v22+s10+$0x0], $0xffff  }
0x63: {  	v30 =	vmovc v36;
	v36 =	vmov v24;
	v24 =	vor.u32 v58, v8;
	v3 =	vshll.u32 v48, v1;
	v23 =	vld.idx.msk [tilespmem:v23+s10+$0x0], $0xffff  }
0x64: {  	v10 =	vbroadcast v3, $0x0;
	v3 =	vshll.u32 v16, v1;
	v16 =	vld.idx.msk [tilespmem:v19+s10+$0x0], $0xffff;
	v19 =	vor.u32 v26, v9  }
0x65: {  	v26 =	vor.u32 v6, v2  }
0x66: {  	s25 =	simm.s32 $0xA800;
	v7 =	vbroadcast v3, $0x0  }
0x67: {  	v3 =	vor.u32 v27, v10;
	[tilespmem:s25+$0x380] =	vst v20  }
0x68: {  	v11 =	vmov v25;
	v24 =	vld.idx.msk [tilespmem:v24+s10+$0x0], $0xffff;
	v25 =	vor.u32 v28, v7;
	[tilespmem:s25+$0x80] =	vst v22  }
0x69: {  	[tilespmem:s25+$0x100] =	vst v23;
	v19 =	vld.idx.msk [tilespmem:v19+s10+$0x0], $0xffff  }
0x6a: {  	[tilespmem:s25+$0x0] =	vst v16;
	v20 =	vld.idx.msk [tilespmem:v26+s10+$0x0], $0xffff  }
0x6b: {  	v48 =	vmov v30;
	v16 =	vor.u32 v30, v9;
	v30 =	vld [tilespmem:$0x1FCC0]  }
0x6c: {  	v3 =	vld.idx.msk [tilespmem:v3+s10+$0x0], $0xffff  }
0x6d: {  	v0 =	vor.u32 v5, v8;
	v25 =	vld.idx.msk [tilespmem:v25+s10+$0x0], $0xffff  }
0x6e: {  	[tilespmem:s25+$0x180] =	vst v24  }
0x6f: {  	[tilespmem:s25+$0x200] =	vst v19  }
0x70: {  	[tilespmem:s25+$0x390] =	vst v20  }
0x71: {  	[tilespmem:s25+$0x280] =	vst v3  }
0x72: {  	v63 =	vmov v45;
	v45 =	vmov v5;
	v5 =	vld.idx.msk [tilespmem:v0+s10+$0x0], $0xffff;
	v23 =	vor.u32 v30, v2;
	[tilespmem:s25+$0x300] =	vst v25  }
0x73: {  	v0 =	vld [tilespmem:$0x1FC30];
	_ =	sdelay $0x3  }
0x74: {  	v27 =	vor.u32 v35, v56;
	[tilespmem:s25+$0xFFFFFC80] =	vst v17;
	v23 =	vld.idx.msk [tilespmem:v23+s10+$0x0], $0xffff  }
0x75: {  	[tilespmem:s25+$0xFFFFFC00] =	vst v0  }
0x76: {  	v28 =	vor.u32 v39, v21;
	v25 =	vor.u32 v48, v12;
	v48 =	vld [tilespmem:$0x1FCD0];
	[tilespmem:s25+$0xFFFFFD00] =	vst v18  }
0x77: {  	v31 =	vmov v29;
	v29 =	vor.u32 v42, v54;
	[tilespmem:s25+$0xFFFFFD80] =	vst v13  }
0x78: {  	[tilespmem:s25+$0xFFFFFE00] =	vst v4  }
0x79: {  	v22 =	vor.u32 v38, v10;
	v26 =	vld.idx.msk [tilespmem:v27+s10+$0x0], $0xffff;
	[tilespmem:s25+$0x3A0] =	vst v23  }
0x7a: {  	v24 =	vor.u32 v11, v7;
	v4 =	vor.u32 v6, v12;
	v6 =	vld [tilespmem:$0x1FC40]  }
0x7b: {  	v27 =	vld.idx.msk [tilespmem:v28+s10+$0x0], $0xffff  }
0x7c: {  	v28 =	vld.idx.msk [tilespmem:v29+s10+$0x0], $0xffff;
	v19 =	vor.u32 v39, v12  }
0x7d: {  	v29 =	vor.u32 v35, v12;
	v16 =	vld.idx.msk [tilespmem:v16+s10+$0x0], $0xffff;
	[tilespmem:s25+$0xFFFFFF00] =	vst v14  }
0x7e: {  	v22 =	vld.idx.msk [tilespmem:v22+s10+$0x0], $0xffff;
	[tilespmem:s25+$0xFFFFFF80] =	vst v15;
	v17 =	vor.u32 v48, v2  }
0x7f: {  	v3 =	vor.u32 v42, v12;
	v24 =	vld.idx.msk [tilespmem:v24+s10+$0x0], $0xffff;
	[tilespmem:s25+$0xFFFFFE80] =	vst v6  }
0x80: {  	v20 =	vor.u32 v45, v12;
	v18 =	vor.u32 v38, v12;
	v38 =	vld [tilespmem:$0x1FCE0]  }
0x81: {  	v19 =	vld.idx.msk [tilespmem:v19+s10+$0x0], $0xffff  }
0x82: {  	v29 =	vld.idx.msk [tilespmem:v29+s10+$0x0], $0xffff;
	v13 =	vor.u32 v11, v12;
	[tilespmem:s25+$0x10] =	vst v26  }
0x83: {  	[tilespmem:s25+$0x90] =	vst v27;
	v17 =	vld.idx.msk [tilespmem:v17+s10+$0x0], $0xffff  }
0x84: {  	v3 =	vld.idx.msk [tilespmem:v3+s10+$0x0], $0xffff;
	[tilespmem:s25+$0x110] =	vst v28  }
0x85: {  	v20 =	vld.idx.msk [tilespmem:v20+s10+$0x0], $0xffff;
	[tilespmem:s25+$0x190] =	vst v5;
	v15 =	vor.u32 v38, v2  }
0x86: {  	v25 =	vld.idx.msk [tilespmem:v25+s10+$0x0], $0xffff;
	[tilespmem:s25+$0x210] =	vst v16  }
0x87: {  	v0 =	vor.u32 v33, v56;
	v13 =	vld.idx.msk [tilespmem:v13+s10+$0x0], $0xffff;
	[tilespmem:s25+$0x290] =	vst v22  }
0x88: {  	v23 =	vor.u32 v60, v21;
	v4 =	vld.idx.msk [tilespmem:v4+s10+$0x0], $0xffff;
	[tilespmem:s25+$0x3B0] =	vst v17  }
0x89: {  	v14 =	vor.u32 v41, v54;
	v11 =	vld [tilespmem:$0x1FCF0];
	[tilespmem:s25+$0x310] =	vst v24  }
0x8a: {  	v26 =	vor.u32 v43, v8;
	[tilespmem:s25+$0xFFFFFC10] =	vst v29;
	v5 =	vld.idx.msk [tilespmem:v15+s10+$0x0], $0xffff  }
0x8b: {  	v18 =	vld.idx.msk [tilespmem:v18+s10+$0x0], $0xffff;
	[tilespmem:s25+$0xFFFFFC90] =	vst v19  }
0x8c: {  	v27 =	vor.u32 v55, v9;
	v6 =	vld.idx.msk [tilespmem:v0+s10+$0x0], $0xffff;
	[tilespmem:s25+$0xFFFFFD10] =	vst v3  }
0x8d: {  	v28 =	vor.u32 v44, v10;
	v23 =	vld.idx.msk [tilespmem:v23+s10+$0x0], $0xffff;
	[tilespmem:s25+$0xFFFFFD90] =	vst v20  }
0x8e: {  	v14 =	vld.idx.msk [tilespmem:v14+s10+$0x0], $0xffff;
	v0 =	vor.u32 v31, v7;
	[tilespmem:s25+$0xFFFFFE10] =	vst v25  }
0x8f: {  	v26 =	vld.idx.msk [tilespmem:v26+s10+$0x0], $0xffff;
	v22 =	vor.u32 v11, v2;
	[tilespmem:s25+$0x3C0] =	vst v5  }
0x90: {  	v17 =	vor.u32 v33, v12;
	v20 =	vor.u32 v30, v12;
	v30 =	vld [tilespmem:$0x1FD00]  }
0x91: {  	v16 =	vld.idx.msk [tilespmem:v27+s10+$0x0], $0xffff;
	v24 =	vor.u32 v43, v12  }
0x92: {  	v28 =	vld.idx.msk [tilespmem:v28+s10+$0x0], $0xffff;
	v15 =	vor.u32 v60, v12  }
0x93: {  	v19 =	vor.u32 v44, v12;
	v29 =	vld.idx.msk [tilespmem:v0+s10+$0x0], $0xffff  }
0x94: {  	v27 =	vor.u32 v41, v12;
	[tilespmem:s25+$0xFFFFFE90] =	vst v18;
	v5 =	vld.idx.msk [tilespmem:v22+s10+$0x0], $0xffff  }
0x95: {  	v17 =	vld.idx.msk [tilespmem:v17+s10+$0x0], $0xffff;
	[tilespmem:s25+$0xFFFFFF10] =	vst v13;
	v25 =	vor.u32 v30, v2  }
0x96: {  	v0 =	vor.u32 v55, v12;
	v24 =	vld.idx.msk [tilespmem:v24+s10+$0x0], $0xffff;
	[tilespmem:s25+$0xFFFFFF90] =	vst v4  }
0x97: {  	v15 =	vld.idx.msk [tilespmem:v15+s10+$0x0], $0xffff;
	[tilespmem:s25+$0x20] =	vst v6  }
0x98: {  	[tilespmem:s25+$0xA0] =	vst v23;
	v19 =	vld.idx.msk [tilespmem:v19+s10+$0x0], $0xffff  }
0x99: {  	v3 =	vor.u32 v31, v12;
	v22 =	vld.idx.msk [tilespmem:v27+s10+$0x0], $0xffff;
	[tilespmem:s25+$0x3D0] =	vst v5  }
0x9a: {  	v44 =	vor.u32 $0x1C07, v34;
	v18 =	vor.u32 v49, v56;
	[tilespmem:s25+$0x120] =	vst v14;
	v6 =	vld.idx.msk [tilespmem:v25+s10+$0x0], $0xffff  }
0x9b: {  	v14 =	vor.u32 v44, v2;
	[tilespmem:s25+$0x1A0] =	vst v26;
	v27 =	vld.idx.msk [tilespmem:v0+s10+$0x0], $0xffff  }
0x9c: {  	v13 =	vor.u32 v47, v21;
	v0 =	vld [tilespmem:$0x1FC60];
	[tilespmem:s25+$0x220] =	vst v16  }
0x9d: {  	v4 =	vld.idx.msk [tilespmem:v20+s10+$0x0], $0xffff;
	v20 =	vor.u32 v57, v8;
	[tilespmem:s25+$0x2A0] =	vst v28  }
0x9e: {  	v23 =	vor.u32 v32, v10;
	v41 =	vld.idx.msk [tilespmem:v3+s10+$0x0], $0xffff;
	[tilespmem:s25+$0x320] =	vst v29  }
0x9f: {  	v3 =	vor.u32 v50, v54;
	v18 =	vld.idx.msk [tilespmem:v18+s10+$0x0], $0xffff;
	[tilespmem:s25+$0x3E0] =	vst v6  }
0xa0: {  	v5 =	vor.u32 v37, v9;
	[tilespmem:s25+$0xFFFFFC20] =	vst v17;
	v14 =	vld.idx.msk [tilespmem:v14+s10+$0x0], $0xffff  }
0xa1: {  	v13 =	vld.idx.msk [tilespmem:v13+s10+$0x0], $0xffff;
	[tilespmem:s25+$0xFFFFFCA0] =	vst v15  }
0xa2: {  	v20 =	vld.idx.msk [tilespmem:v20+s10+$0x0], $0xffff;
	[tilespmem:s25+$0xFFFFFD20] =	vst v22  }
0xa3: {  	[tilespmem:s25+$0xFFFFFDA0] =	vst v24;
	v23 =	vld.idx.msk [tilespmem:v23+s10+$0x0], $0xffff  }
0xa4: {  	v16 =	vor.u32 v49, v12;
	[tilespmem:s25+$0xFFFFFE20] =	vst v27;
	v25 =	vld.idx.msk [tilespmem:v3+s10+$0x0], $0xffff  }
0xa5: {  	v5 =	vld.idx.msk [tilespmem:v5+s10+$0x0], $0xffff;
	v3 =	vor.u32 v0, v7;
	[tilespmem:s25+$0x3F0] =	vst v14  }
0xa6: {  	s30 =	simm.s32 $0x10;
	v26 =	vor.u32 v47, v12;
	v22 =	vor.u32 v32, v12;
	v32 =	vld [tilespmem:$0x1FFE0];
	[tilespmem:s25+$0xFFFFFEA0] =	vst v19  }
0xa7: {  	v2 =	vmov s30;
	v27 =	vor.u32 v48, v12;
	v48 =	vld [tilespmem:$0x1FFC0];
	[tilespmem:s25+$0xFFFFFF20] =	vst v41  }
0xa8: {  	v2 =	vshrl.u32 v2, $0x3;
	v17 =	vor.u32 v37, v12;
	v6 =	vor.u32 v50, v12;
	v37 =	vld [tilespmem:$0x1FFD0];
	[tilespmem:s25+$0xFFFFFFA0] =	vst v4  }
0xa9: {  	v2 =	vshll.u32 v2, v1;
	v28 =	vor.u32 v57, v12;
	v15 =	vld.idx.msk [tilespmem:v16+s10+$0x0], $0xffff;
	[tilespmem:s25+$0x30] =	vst v18  }
0xaa: {  	v2 =	vbroadcast v2, $0x0;
	v29 =	vld.idx.msk [tilespmem:v3+s10+$0x0], $0xffff;
	[tilespmem:s25+$0xB0] =	vst v13  }
0xab: {  	v16 =	vld.idx.msk [tilespmem:v26+s10+$0x0], $0xffff;
	[tilespmem:s25+$0x130] =	vst v25  }
0xac: {  	v24 =	vor.u32 v0, v12;
	v3 =	vor.u32 v34, v2;
	v0 =	vld [tilespmem:$0x1FC70];
	[tilespmem:s25+$0x1B0] =	vst v20  }
0xad: {  	v6 =	vld.idx.msk [tilespmem:v6+s10+$0x0], $0xffff;
	[tilespmem:s25+$0x230] =	vst v5  }
0xae: {  	v26 =	vld.idx.msk [tilespmem:v28+s10+$0x0], $0xffff;
	[tilespmem:s25+$0x2B0] =	vst v23  }
0xaf: {  	v17 =	vld.idx.msk [tilespmem:v17+s10+$0x0], $0xffff;
	[tilespmem:s25+$0x330] =	vst v29  }
0xb0: {  	[tilespmem:s25+$0xFFFFFC30] =	vst v15  }
0xb1: {  	v3 =	vld.idx.msk [tilespmem:v3+s10+$0x0], $0xffff;
	v4 =	vor.u32 v51, v8;
	[tilespmem:s25+$0xFFFFFCB0] =	vst v16  }
0xb2: {  	v22 =	vld.idx.msk [tilespmem:v22+s10+$0x0], $0xffff;
	v18 =	vor.u32 v52, v9;
	[tilespmem:s25+$0xFFFFFD30] =	vst v6  }
0xb3: {  	v24 =	vld.idx.msk [tilespmem:v24+s10+$0x0], $0xffff;
	v13 =	vor.u32 v36, v10;
	[tilespmem:s25+$0xFFFFFDB0] =	vst v26  }
0xb4: {  	v27 =	vld.idx.msk [tilespmem:v27+s10+$0x0], $0xffff;
	[tilespmem:s25+$0xFFFFFE30] =	vst v17  }
0xb5: {  	v29 =	vor.u32 v51, v12;
	v41 =	vld [tilespmem:$0x1FF40]  }
0xb6: {  	v14 =	vor.u32 v32, v56;
	v4 =	vld.idx.msk [tilespmem:v4+s10+$0x0], $0xffff  }
0xb7: {  	v19 =	vor.u32 v48, v21;
	v18 =	vld.idx.msk [tilespmem:v18+s10+$0x0], $0xffff  }
0xb8: {  	[tilespmem:s25+$0xFFFFFEB0] =	vst v22;
	v28 =	vor.u32 v37, v54;
	v13 =	vld.idx.msk [tilespmem:v13+s10+$0x0], $0xffff  }
0xb9: {  	v39 =	vmov v49;
	v15 =	vor.u32 v52, v12;
	v49 =	vld [tilespmem:$0x1FFA0]  }
0xba: {  	v29 =	vld.idx.msk [tilespmem:v29+s10+$0x0], $0xffff  }
0xbb: {  	v20 =	vor.u32 v32, v12;
	v14 =	vld.idx.msk [tilespmem:v14+s10+$0x0], $0xffff  }
0xbc: {  	v25 =	vor.u32 v0, v7;
	v19 =	vld.idx.msk [tilespmem:v19+s10+$0x0], $0xffff  }
0xbd: {  	v5 =	vor.u32 v48, v12;
	v28 =	vld.idx.msk [tilespmem:v28+s10+$0x0], $0xffff  }
0xbe: {  	[tilespmem:s25+$0xFFFFFF30] =	vst v24;
	v15 =	vld.idx.msk [tilespmem:v15+s10+$0x0], $0xffff  }
0xbf: {  	v60 =	vmov v57;
	v23 =	vor.u32 v37, v12;
	v57 =	vld [tilespmem:$0x1FFB0];
	[tilespmem:s25+$0xFFFFFFB0] =	vst v27  }
0xc0: {  	v16 =	vor.u32 v36, v12;
	v20 =	vld.idx.msk [tilespmem:v20+s10+$0x0], $0xffff;
	[tilespmem:s25+$0x40] =	vst v14  }
0xc1: {  	v26 =	vor.u32 v38, v12;
	v25 =	vld.idx.msk [tilespmem:v25+s10+$0x0], $0xffff;
	[tilespmem:s25+$0xC0] =	vst v19  }
0xc2: {  	v6 =	vor.u32 v0, v12;
	v5 =	vld.idx.msk [tilespmem:v5+s10+$0x0], $0xffff;
	[tilespmem:s25+$0x140] =	vst v28  }
0xc3: {  	v17 =	vor.u32 v41, v56;
	v0 =	vld [tilespmem:$0x1FC80];
	[tilespmem:s25+$0x1C0] =	vst v4  }
0xc4: {  	v23 =	vld.idx.msk [tilespmem:v23+s10+$0x0], $0xffff;
	v22 =	vor.u32 v49, v21;
	[tilespmem:s25+$0x240] =	vst v18  }
0xc5: {  	v16 =	vld.idx.msk [tilespmem:v16+s10+$0x0], $0xffff;
	v24 =	vor.u32 v57, v54;
	[tilespmem:s25+$0x2C0] =	vst v13  }
0xc6: {  	v27 =	vor.u32 v53, v8;
	v26 =	vld.idx.msk [tilespmem:v26+s10+$0x0], $0xffff;
	[tilespmem:s25+$0x340] =	vst v25  }
0xc7: {  	v6 =	vld.idx.msk [tilespmem:v6+s10+$0x0], $0xffff;
	[tilespmem:s25+$0xFFFFFC40] =	vst v20  }
0xc8: {  	v14 =	vor.u32 v40, v9;
	v17 =	vld.idx.msk [tilespmem:v17+s10+$0x0], $0xffff;
	[tilespmem:s25+$0xFFFFFCC0] =	vst v5  }
0xc9: {  	v22 =	vld.idx.msk [tilespmem:v22+s10+$0x0], $0xffff;
	[tilespmem:s25+$0xFFFFFD40] =	vst v23  }
0xca: {  	v19 =	vor.u32 v63, v10;
	v24 =	vld.idx.msk [tilespmem:v24+s10+$0x0], $0xffff;
	[tilespmem:s25+$0xFFFFFDC0] =	vst v29  }
0xcb: {  	[tilespmem:s25+$0xFFFFFE40] =	vst v15;
	v27 =	vld.idx.msk [tilespmem:v27+s10+$0x0], $0xffff  }
0xcc: {  	v42 =	vld [tilespmem:$0x1FF80]  }
0xcd: {  	v4 =	vor.u32 v41, v12;
	[tilespmem:s25+$0xFFFFFEC0] =	vst v16;
	v14 =	vld.idx.msk [tilespmem:v14+s10+$0x0], $0xffff  }
0xce: {  	v55 =	vmov v50;
	v18 =	vor.u32 v49, v12;
	v50 =	vld [tilespmem:$0x1FF70]  }
0xcf: {  	v13 =	vor.u32 v57, v12;
	[tilespmem:s25+$0xFFFFFF40] =	vst v6;
	v19 =	vld.idx.msk [tilespmem:v19+s10+$0x0], $0xffff  }
0xd0: {  	v25 =	vor.u32 v53, v12;
	v36 =	vld [tilespmem:$0x1FF90];
	[tilespmem:s25+$0xFFFFFFC0] =	vst v26  }
0xd1: {  	v20 =	vor.u32 v40, v12;
	v29 =	vor.u32 v11, v12;
	v11 =	vld [tilespmem:$0x1FF20]  }
0xd2: {  	v5 =	vor.u32 v63, v12;
	v4 =	vld.idx.msk [tilespmem:v4+s10+$0x0], $0xffff  }
0xd3: {  	v18 =	vld.idx.msk [tilespmem:v18+s10+$0x0], $0xffff  }
0xd4: {  	v13 =	vld.idx.msk [tilespmem:v13+s10+$0x0], $0xffff  }
0xd5: {  	[tilespmem:s25+$0x50] =	vst v17;
	v17 =	vor.u32 v61, v9;
	v25 =	vld.idx.msk [tilespmem:v25+s10+$0x0], $0xffff  }
0xd6: {  	[tilespmem:s25+$0xD0] =	vst v22;
	v22 =	vor.u32 v46, v10;
	v20 =	vld.idx.msk [tilespmem:v20+s10+$0x0], $0xffff  }
0xd7: {  	v28 =	vor.u32 v0, v7;
	v5 =	vld.idx.msk [tilespmem:v5+s10+$0x0], $0xffff;
	[tilespmem:s25+$0x150] =	vst v24  }
0xd8: {  	v23 =	vor.u32 v0, v12;
	v0 =	vld [tilespmem:$0x1FC90];
	[tilespmem:s25+$0x1D0] =	vst v27  }
0xd9: {  	v29 =	vld.idx.msk [tilespmem:v29+s10+$0x0], $0xffff;
	v15 =	vor.u32 v42, v56;
	[tilespmem:s25+$0x250] =	vst v14  }
0xda: {  	v27 =	vor.u32 v42, v12;
	[tilespmem:s25+$0x2D0] =	vst v19;
	v17 =	vld.idx.msk [tilespmem:v17+s10+$0x0], $0xffff  }
0xdb: {  	v16 =	vor.u32 v50, v21;
	v22 =	vld.idx.msk [tilespmem:v22+s10+$0x0], $0xffff  }
0xdc: {  	v6 =	vor.u32 v36, v54;
	v28 =	vld.idx.msk [tilespmem:v28+s10+$0x0], $0xffff  }
0xdd: {  	v19 =	vor.u32 v36, v12;
	v23 =	vld.idx.msk [tilespmem:v23+s10+$0x0], $0xffff  }
0xde: {  	v14 =	vor.u32 v50, v12;
	[tilespmem:s25+$0xFFFFFC50] =	vst v4;
	v15 =	vld.idx.msk [tilespmem:v15+s10+$0x0], $0xffff  }
0xdf: {  	[tilespmem:s25+$0xFFFFFCD0] =	vst v18;
	v27 =	vld.idx.msk [tilespmem:v27+s10+$0x0], $0xffff  }
0xe0: {  	[tilespmem:s25+$0xFFFFFD50] =	vst v13;
	v16 =	vld.idx.msk [tilespmem:v16+s10+$0x0], $0xffff  }
0xe1: {  	v18 =	vor.u32 v46, v12;
	[tilespmem:s25+$0xFFFFFDD0] =	vst v25;
	v6 =	vld.idx.msk [tilespmem:v6+s10+$0x0], $0xffff  }
0xe2: {  	v26 =	vor.u32 v11, v8;
	[tilespmem:s25+$0xFFFFFE50] =	vst v20;
	v40 =	vld.idx.msk [tilespmem:v19+s10+$0x0], $0xffff  }
0xe3: {  	v13 =	vor.u32 v0, v12;
	[tilespmem:s25+$0x350] =	vst v28;
	v28 =	vor.u32 v11, v12;
	v11 =	vld.idx.msk [tilespmem:v14+s10+$0x0], $0xffff  }
0xe4: {  	v43 =	vld [tilespmem:$0x1FF50];
	[tilespmem:s25+$0xFFFFFED0] =	vst v5  }
0xe5: {  	v14 =	vor.u32 v30, v12;
	v51 =	vld [tilespmem:$0x1FF60];
	[tilespmem:s25+$0xFFFFFF50] =	vst v23  }
0xe6: {  	v4 =	vor.u32 v61, v12;
	v61 =	vld.idx.msk [tilespmem:v18+s10+$0x0], $0xffff;
	[tilespmem:s25+$0xFFFFFFD0] =	vst v29  }
0xe7: {  	v18 =	vld [tilespmem:$0x1FF30];
	[tilespmem:s25+$0x60] =	vst v15  }
0xe8: {  	v24 =	vor.u32 v0, v7;
	v30 =	vld.idx.msk [tilespmem:v13+s10+$0x0], $0xffff;
	[tilespmem:s25+$0xE0] =	vst v16  }
0xe9: {  	v0 =	vld [tilespmem:$0x1FDC0]  }
0xea: {  	[tilespmem:s25+$0x160] =	vst v6;
	v13 =	vld.idx.msk [tilespmem:v14+s10+$0x0], $0xffff  }
0xeb: {  	v14 =	vor.u32 v62, v9;
	v19 =	vld [tilespmem:$0x1FDF0]  }
0xec: {  	v26 =	vld.idx.msk [tilespmem:v26+s10+$0x0], $0xffff;
	v25 =	vor.u32 v43, v56  }
0xed: {  	v24 =	vld.idx.msk [tilespmem:v24+s10+$0x0], $0xffff;
	v16 =	vor.u32 v43, v12  }
0xee: {  	v28 =	vld.idx.msk [tilespmem:v28+s10+$0x0], $0xffff;
	v5 =	vor.u32 v51, v21  }
0xef: {  	[tilespmem:s25+$0x260] =	vst v17;
	v56 =	vld.idx.msk [tilespmem:v4+s10+$0x0], $0xffff;
	v21 =	vor.u32 v59, v54  }
0xf0: {  	v8 =	vor.u32 v18, v8;
	v15 =	vor.u32 v19, v7;
	v7 =	vld.idx.msk [tilespmem:v14+s10+$0x0], $0xffff  }
0xf1: {  	[tilespmem:s25+$0xFFFFFC60] =	vst v27;
	v10 =	vor.u32 v0, v10;
	v4 =	vld.idx.msk [tilespmem:v25+s10+$0x0], $0xffff  }
0xf2: {  	v14 =	vld.idx.msk [tilespmem:v16+s10+$0x0], $0xffff  }
0xf3: {  	[tilespmem:s25+$0x1E0] =	vst v26;
	v5 =	vld.idx.msk [tilespmem:v5+s10+$0x0], $0xffff  }
0xf4: {  	[tilespmem:s25+$0x2E0] =	vst v22;
	v9 =	vld.idx.msk [tilespmem:v21+s10+$0x0], $0xffff  }
0xf5: {  	[tilespmem:s25+$0xFFFFFCE0] =	vst v11;
	v6 =	vld.idx.msk [tilespmem:v8+s10+$0x0], $0xffff  }
0xf6: {  	[tilespmem:s25+$0x360] =	vst v24;
	v8 =	vld.idx.msk [tilespmem:v10+s10+$0x0], $0xffff  }
0xf7: {  	v23 =	vor.u32 v51, v12;
	v10 =	vld.idx.msk [tilespmem:v15+s10+$0x0], $0xffff;
	[tilespmem:$0x1FC50] =	vst v44  }
0xf8: {  	v17 =	vor.u32 v59, v12;
	[tilespmem:s25+$0xFFFFFD60] =	vst v40  }
0xf9: {  	v20 =	vor.u32 v18, v12;
	[tilespmem:s25+$0xFFFFFDE0] =	vst v28  }
0xfa: {  	v62 =	vor.u32 v62, v12;
	[tilespmem:s25+$0xFFFFFE60] =	vst v56  }
0xfb: {  	v63 =	vor.u32 v0, v12;
	v0 =	vld [tilespmem:$0x1FE60]  }
0xfc: {  	v15 =	vld.idx.msk [tilespmem:v23+s10+$0x0], $0xffff  }
0xfd: {  	s28 =	simm.s32 $0x1A;
	v16 =	vld.idx.msk [tilespmem:v17+s10+$0x0], $0xffff  }
0xfe: {  	s31 =	simm.s32 $0x18;
	v11 =	vor.u32 v44, v12;
	v18 =	vmov s28;
	s28 =	simm.s32 $0x1C;
	v17 =	vld.idx.msk [tilespmem:v20+s10+$0x0], $0xffff  }
0xff: {  	v24 =	vmov s31;
	s31 =	simm.s32 $0x1D;
	v22 =	vmov s28;
	v28 =	vshrl.u32 v18, $0x3;
	[tilespmem:s25+$0xFFFFFEE0] =	vst v61;
	v18 =	vld.idx.msk [tilespmem:v62+s10+$0x0], $0xffff  }
0x100: {  	v23 =	vor.u32 v19, v12;
	v19 =	vmov s31;
	v12 =	vor.u32 v0, v2;
	v0 =	vld [tilespmem:$0x1FE50]  }
0x101: {  	s29 =	simm.s32 $0x19;
	v29 =	vshrl.u32 v24, $0x3;
	v24 =	vshrl.u32 v22, $0x3;
	v22 =	vshrl.u32 v19, $0x3;
	v19 =	vld.idx.msk [tilespmem:v63+s10+$0x0], $0xffff;
	[tilespmem:s25+$0xFFFFFF60] =	vst v30  }
0x102: {  	s30 =	simm.s32 $0x1B;
	v26 =	vmov s29;
	v61 =	vld [tilespmem:$0x1FE90]  }
0x103: {  	v33 =	vmov v47;
	v27 =	vshrl.u32 v26, $0x3;
	s28 =	simm.s32 $0x1E;
	v21 =	vmov s30;
	v62 =	vld [tilespmem:$0x1FE80]  }
0x104: {  	v47 =	vmovc v33;
	v25 =	vmov s28;
	v26 =	vshrl.u32 v21, $0x3;
	v21 =	vor.u32 v58, v2;
	v38 =	vld [tilespmem:$0x1FE10]  }
0x105: {  	s26 =	simm.s32 $0x20;
	s28 =	simm.s32 $0x1F;
	v58 =	vmovc v36;
	v40 =	vmovc v32;
	v56 =	vmov v37;
	v63 =	vmov v60;
	v20 =	vor.u32 v0, v2;
	v0 =	vld [tilespmem:$0x1FE00]  }
.LBB2_3:
0x106: {  	_ = 	snop  }
0x107: {  	v45 =	vld [tilespmem:$0x1FE40]  }
0x108: {  	v23 =	vld.idx.msk [tilespmem:v23+s10+$0x0], $0xffff  }
0x109: {  	v37 =	vld [tilespmem:$0x1FE30]  }
0x10a: {  	v32 =	vld.idx.msk [tilespmem:v12+s10+$0x0], $0xffff  }
0x10b: {  	v36 =	vld [tilespmem:$0x1FE20]  }
0x10c: {  	v20 =	vld.idx.msk [tilespmem:v20+s10+$0x0], $0xffff  }
0x10d: {  	v21 =	vld.idx.msk [tilespmem:v21+s10+$0x0], $0xffff  }
0x10e: {  	v53 =	vld [tilespmem:$0x1FE60]  }
0x10f: {  	v54 =	vld [tilespmem:$0x1FE50]  }
0x110: {  	v31 =	vmov s28;
	[tilespmem:s25+$0xFFFFFFE0] =	vst v13;
	v60 =	vld [tilespmem:$0x1FE70]  }
0x111: {  	v29 =	vshll.u32 v29, v1;
	v52 =	vld [tilespmem:$0x1FD60];
	v31 =	vshrl.u32 v31, $0x3;
	[tilespmem:s25+$0x170] =	vst v9;
	v9 =	vshll.u32 v28, v1  }
0x112: {  	v44 =	vld [tilespmem:$0x1FDD0];
	[tilespmem:s25+$0x1F0] =	vst v6;
	v30 =	vor.u32 v45, v2;
	v6 =	vbroadcast v9, $0x0;
	v9 =	vshll.u32 v26, v1  }
0x113: {  	v46 =	vld [tilespmem:$0x1FED0];
	[tilespmem:s25+$0x270] =	vst v7;
	v13 =	vor.u32 v37, v2;
	v7 =	vbroadcast v9, $0x0;
	v9 =	vshll.u32 v24, v1  }
0x114: {  	v12 =	vshll.u32 v31, v1;
	v31 =	vld [tilespmem:$0x1FCA0];
	[tilespmem:s25+$0x2F0] =	vst v8;
	v33 =	vor.u32 v36, v2;
	v8 =	vbroadcast v9, $0x0  }
0x115: {  	v25 =	vshrl.u32 v25, $0x3;
	v11 =	vld.idx.msk [tilespmem:v11+s10+$0x0], $0xffff;
	[tilespmem:s25+$0x70] =	vst v4;
	v4 =	vbroadcast v29, $0x0  }
0x116: {  	[tilespmem:s25+$0x370] =	vst v10;
	v10 =	vshll.u32 v25, v1;
	v25 =	vor.u32 v45, v8;
	v45 =	vld [tilespmem:$0x1FEA0]  }
0x117: {  	[tilespmem:s25+$0xF0] =	vst v5;
	v5 =	vshll.u32 v27, v1;
	v27 =	vor.u32 v34, v4;
	v28 =	vld.idx.msk [tilespmem:v30+s10+$0x0], $0xffff  }
0x118: {  	v12 =	vbroadcast v12, $0x0;
	v9 =	vshll.u32 v22, v1;
	v13 =	vld.idx.msk [tilespmem:v13+s10+$0x0], $0xffff  }
0x119: {  	v29 =	vor.u32 v31, v2;
	v9 =	vbroadcast v9, $0x0;
	v24 =	vld.idx.msk [tilespmem:v33+s10+$0x0], $0xffff  }
0x11a: {  	[tilespmem:s25+$0xFFFFFC70] =	vst v14;
	v26 =	vor.u32 v31, v12;
	v33 =	vld [tilespmem:$0x1FEC0]  }
0x11b: {  	[tilespmem:s25+$0xFFFFFCF0] =	vst v15;
	v10 =	vbroadcast v10, $0x0;
	v31 =	vor.u32 v54, v6;
	v15 =	vor.u32 v37, v9;
	v37 =	vld [tilespmem:$0x1FEE0]  }
0x11c: {  	[tilespmem:s25+$0xFFFFFD70] =	vst v16;
	v14 =	vld.idx.msk [tilespmem:v27+s10+$0x0], $0xffff  }
0x11d: {  	[tilespmem:s25+$0xFFFFFDF0] =	vst v17;
	v5 =	vbroadcast v5, $0x0;
	v27 =	vor.u32 v36, v10;
	v36 =	vld [tilespmem:$0x1FCC0]  }
0x11e: {  	[tilespmem:s25+$0xFFFFFE70] =	vst v18;
	v22 =	vld.idx.msk [tilespmem:v29+s10+$0x0], $0xffff  }
0x11f: {  	v30 =	vor.u32 v53, v5;
	[tilespmem:s25+$0xFFFFFEF0] =	vst v19;
	v26 =	vld.idx.msk [tilespmem:v26+s10+$0x0], $0xffff  }
0x120: {  	[tilespmem:s25+$0xFFFFFF70] =	vst v23;
	v17 =	vld.idx.msk [tilespmem:v31+s10+$0x0], $0xffff  }
0x121: {  	v31 =	vld [tilespmem:$0x1FCB0];
	[tilespmem:s25+$0xFFFFFFF0] =	vst v11;
	s25 =	sadd.s32 $0x800, s25  }
0x122: {  	v29 =	vor.u32 v60, v7;
	[tilespmem:s25+$0xFFFFFC80] =	vst v32;
	v32 =	vld [tilespmem:$0x1FD70]  }
0x123: {  	v18 =	vor.u32 v35, v4;
	v25 =	vld.idx.msk [tilespmem:v25+s10+$0x0], $0xffff  }
0x124: {  	[tilespmem:s25+$0xFFFFFC00] =	vst v3;
	v3 =	vor.u32 v0, v2;
	v16 =	vld.idx.msk [tilespmem:v30+s10+$0x0], $0xffff  }
0x125: {  	[tilespmem:s25+$0xFFFFFD00] =	vst v20;
	v20 =	vor.u32 v52, v2;
	v15 =	vld.idx.msk [tilespmem:v15+s10+$0x0], $0xffff  }
0x126: {  	[tilespmem:s25+$0xFFFFFD80] =	vst v21;
	v21 =	vor.u32 v44, v2;
	v27 =	vld.idx.msk [tilespmem:v27+s10+$0x0], $0xffff  }
0x127: {  	v23 =	vor.u32 v45, v6;
	[tilespmem:s25+$0x0] =	vst v14;
	v29 =	vld.idx.msk [tilespmem:v29+s10+$0x0], $0xffff  }
0x128: {  	[tilespmem:s25+$0xFFFFFE00] =	vst v28;
	v18 =	vld.idx.msk [tilespmem:v18+s10+$0x0], $0xffff  }
0x129: {  	[tilespmem:s25+$0xFFFFFE80] =	vst v13;
	v3 =	vld.idx.msk [tilespmem:v3+s10+$0x0], $0xffff  }
0x12a: {  	[tilespmem:s25+$0xFFFFFF00] =	vst v24;
	v20 =	vld.idx.msk [tilespmem:v20+s10+$0x0], $0xffff  }
0x12b: {  	v19 =	vor.u32 v33, v5;
	[tilespmem:s25+$0x100] =	vst v17;
	v21 =	vld.idx.msk [tilespmem:v21+s10+$0x0], $0xffff  }
0x12c: {  	v14 =	vor.u32 v0, v8;
	v23 =	vld.idx.msk [tilespmem:v23+s10+$0x0], $0xffff  }
0x12d: {  	v30 =	vor.u32 v31, v12;
	[tilespmem:s25+$0x200] =	vst v25;
	v25 =	vor.u32 v33, v2;
	v33 =	vld [tilespmem:$0x1FCD0]  }
0x12e: {  	v28 =	vor.u32 v31, v2;
	[tilespmem:s25+$0x80] =	vst v16;
	v16 =	vor.u32 v52, v9;
	v52 =	vld [tilespmem:$0x1FEB0]  }
0x12f: {  	[tilespmem:s25+$0x280] =	vst v15;
	v15 =	vor.u32 v45, v2;
	v45 =	vld [tilespmem:$0x1FCE0]  }
0x130: {  	v11 =	vor.u32 v61, v7;
	v19 =	vld.idx.msk [tilespmem:v19+s10+$0x0], $0xffff  }
0x131: {  	[tilespmem:s25+$0x380] =	vst v26;
	v14 =	vld.idx.msk [tilespmem:v14+s10+$0x0], $0xffff  }
0x132: {  	[tilespmem:s25+$0xFFFFFF80] =	vst v22;
	v26 =	vld.idx.msk [tilespmem:v30+s10+$0x0], $0xffff  }
0x133: {  	v28 =	vld.idx.msk [tilespmem:v28+s10+$0x0], $0xffff  }
0x134: {  	[tilespmem:s25+$0x180] =	vst v29;
	v29 =	vor.u32 v44, v10;
	v44 =	vld [tilespmem:$0x1FDE0]  }
0x135: {  	v30 =	vor.u32 v35, v2;
	v11 =	vld.idx.msk [tilespmem:v11+s10+$0x0], $0xffff  }
0x136: {  	v13 =	vor.u32 v46, v5;
	[tilespmem:s25+$0x300] =	vst v27;
	v25 =	vld.idx.msk [tilespmem:v25+s10+$0x0], $0xffff  }
0x137: {  	v17 =	vor.u32 v36, v12;
	[tilespmem:s25+$0x10] =	vst v18;
	v16 =	vld.idx.msk [tilespmem:v16+s10+$0x0], $0xffff  }
0x138: {  	v18 =	vor.u32 v62, v7;
	[tilespmem:s25+$0xFFFFFF10] =	vst v21;
	v15 =	vld.idx.msk [tilespmem:v15+s10+$0x0], $0xffff  }
0x139: {  	[tilespmem:s25+$0x110] =	vst v23;
	v24 =	vor.u32 v52, v6;
	v27 =	vld.idx.msk [tilespmem:v29+s10+$0x0], $0xffff  }
0x13a: {  	[tilespmem:s25+$0x90] =	vst v19;
	v19 =	vor.u32 v38, v8;
	v29 =	vld.idx.msk [tilespmem:v30+s10+$0x0], $0xffff  }
0x13b: {  	v23 =	vor.u32 v32, v9;
	[tilespmem:s25+$0x390] =	vst v26;
	v13 =	vld.idx.msk [tilespmem:v13+s10+$0x0], $0xffff  }
0x13c: {  	v17 =	vld.idx.msk [tilespmem:v17+s10+$0x0], $0xffff;
	[tilespmem:s25+$0x190] =	vst v11  }
0x13d: {  	[tilespmem:s25+$0x210] =	vst v14;
	v26 =	vor.u32 v61, v2;
	v18 =	vld.idx.msk [tilespmem:v18+s10+$0x0], $0xffff  }
0x13e: {  	v21 =	vor.u32 v47, v5;
	[tilespmem:s25+$0xFFFFFF90] =	vst v28;
	v24 =	vld.idx.msk [tilespmem:v24+s10+$0x0], $0xffff  }
0x13f: {  	v30 =	vor.u32 v33, v12;
	[tilespmem:s25+$0x290] =	vst v16;
	v14 =	vld.idx.msk [tilespmem:v19+s10+$0x0], $0xffff  }
0x140: {  	v31 =	vor.u32 v37, v4;
	[tilespmem:s25+$0xFFFFFC90] =	vst v25;
	v23 =	vld.idx.msk [tilespmem:v23+s10+$0x0], $0xffff  }
0x141: {  	v25 =	vor.u32 v38, v2;
	v19 =	vor.u32 v52, v2;
	v52 =	vld [tilespmem:$0x1FD80];
	[tilespmem:s25+$0x310] =	vst v27  }
0x142: {  	v28 =	vor.u32 v55, v6;
	v26 =	vld.idx.msk [tilespmem:v26+s10+$0x0], $0xffff;
	[tilespmem:s25+$0xA0] =	vst v13  }
0x143: {  	v27 =	vor.u32 v62, v2;
	[tilespmem:s25+$0x3A0] =	vst v17;
	v21 =	vld.idx.msk [tilespmem:v21+s10+$0x0], $0xffff  }
0x144: {  	v17 =	vld.idx.msk [tilespmem:v30+s10+$0x0], $0xffff  }
0x145: {  	[tilespmem:s25+$0xFFFFFE10] =	vst v3;
	v30 =	vld.idx.msk [tilespmem:v31+s10+$0x0], $0xffff;
	v31 =	vor.u32 v44, v10  }
0x146: {  	v25 =	vld.idx.msk [tilespmem:v25+s10+$0x0], $0xffff;
	[tilespmem:s25+$0x120] =	vst v24  }
0x147: {  	v22 =	vor.u32 v45, v12;
	v28 =	vld.idx.msk [tilespmem:v28+s10+$0x0], $0xffff;
	[tilespmem:s25+$0xFFFFFD90] =	vst v26  }
0x148: {  	[tilespmem:s25+$0xFFFFFE90] =	vst v20;
	v20 =	vor.u32 v39, v4;
	v26 =	vld.idx.msk [tilespmem:v27+s10+$0x0], $0xffff  }
0x149: {  	[tilespmem:s25+$0x3B0] =	vst v17;
	v17 =	vor.u32 v37, v2;
	v37 =	vld [tilespmem:$0x1FCF0]  }
0x14a: {  	[tilespmem:s25+$0xFFFFFC10] =	vst v29;
	v13 =	vor.u32 v52, v9;
	v29 =	vld.idx.msk [tilespmem:v31+s10+$0x0], $0xffff  }
0x14b: {  	[tilespmem:s25+$0x20] =	vst v30;
	v30 =	vld [tilespmem:$0x1FC50]  }
0x14c: {  	v31 =	vor.u32 v32, v2;
	v11 =	vld.idx.msk [tilespmem:v22+s10+$0x0], $0xffff  }
0x14d: {  	v32 =	vor.u32 v63, v7;
	v20 =	vld.idx.msk [tilespmem:v20+s10+$0x0], $0xffff  }
0x14e: {  	[tilespmem:s25+$0x2A0] =	vst v23;
	v22 =	vor.u32 v46, v2;
	v46 =	vld [tilespmem:$0x1FC60]  }
0x14f: {  	v13 =	vld.idx.msk [tilespmem:v13+s10+$0x0], $0xffff  }
0x150: {  	v16 =	vor.u32 v37, v12;
	v17 =	vld.idx.msk [tilespmem:v17+s10+$0x0], $0xffff  }
0x151: {  	[tilespmem:s25+$0x1A0] =	vst v18;
	v27 =	vld.idx.msk [tilespmem:v31+s10+$0x0], $0xffff  }
0x152: {  	v32 =	vld.idx.msk [tilespmem:v32+s10+$0x0], $0xffff  }
0x153: {  	v22 =	vld.idx.msk [tilespmem:v22+s10+$0x0], $0xffff;
	[tilespmem:s25+$0x3C0] =	vst v11;
	v11 =	vor.u32 v44, v2  }
0x154: {  	[tilespmem:s25+$0xFFFFFD10] =	vst v15;
	v44 =	vld [tilespmem:$0x1FD10];
	v18 =	vor.u32 v46, v10  }
0x155: {  	[tilespmem:s25+$0x220] =	vst v14;
	v14 =	vor.u32 v47, v2;
	v15 =	vld.idx.msk [tilespmem:v16+s10+$0x0], $0xffff  }
0x156: {  	[tilespmem:s25+$0x130] =	vst v28;
	v16 =	vld.idx.msk [tilespmem:v19+s10+$0x0], $0xffff;
	v19 =	vor.u32 v36, v2  }
0x157: {  	[tilespmem:s25+$0x320] =	vst v29;
	v36 =	vld [tilespmem:$0x1FD00]  }
0x158: {  	[tilespmem:s25+$0xFFFFFEA0] =	vst v27;
	v31 =	vld.idx.msk [tilespmem:v11+s10+$0x0], $0xffff  }
0x159: {  	v27 =	vor.u32 v56, v6;
	v18 =	vld.idx.msk [tilespmem:v18+s10+$0x0], $0xffff;
	[tilespmem:s25+$0xFFFFFCA0] =	vst v22  }
0x15a: {  	v24 =	vor.u32 v30, v12;
	v11 =	vor.u32 v30, v2;
	v30 =	vor.u32 v39, v2;
	v14 =	vld.idx.msk [tilespmem:v14+s10+$0x0], $0xffff  }
0x15b: {  	v23 =	vor.u32 v55, v2;
	[tilespmem:s25+$0xFFFFFC20] =	vst v17;
	v19 =	vld.idx.msk [tilespmem:v19+s10+$0x0], $0xffff  }
0x15c: {  	v17 =	vor.u32 v44, v2;
	[tilespmem:s25+$0xFFFFFD20] =	vst v16;
	v16 =	vor.u32 v52, v2;
	v52 =	vld [tilespmem:$0x1FF00]  }
0x15d: {  	[tilespmem:s25+$0x3D0] =	vst v15;
	v15 =	vor.u32 v44, v8;
	v44 =	vld [tilespmem:$0x1FD90]  }
0x15e: {  	v3 =	vor.u32 v36, v12;
	v27 =	vld.idx.msk [tilespmem:v27+s10+$0x0], $0xffff  }
0x15f: {  	v30 =	vld.idx.msk [tilespmem:v30+s10+$0x0], $0xffff  }
0x160: {  	[tilespmem:s25+$0xFFFFFE20] =	vst v25;
	v22 =	vld.idx.msk [tilespmem:v23+s10+$0x0], $0xffff  }
0x161: {  	v17 =	vld.idx.msk [tilespmem:v17+s10+$0x0], $0xffff  }
0x162: {  	v23 =	vor.u32 v46, v2;
	v46 =	vld [tilespmem:$0x1FD20]  }
0x163: {  	[tilespmem:s25+$0xB0] =	vst v21;
	v25 =	vor.u32 v33, v2;
	v3 =	vld.idx.msk [tilespmem:v3+s10+$0x0], $0xffff  }
0x164: {  	[tilespmem:s25+$0xFFFFFF20] =	vst v31;
	v15 =	vld.idx.msk [tilespmem:v15+s10+$0x0], $0xffff  }
0x165: {  	v16 =	vld.idx.msk [tilespmem:v16+s10+$0x0], $0xffff;
	[tilespmem:s25+$0xFFFFFFA0] =	vst v19;
	v19 =	vor.u32 v52, v7  }
0x166: {  	[tilespmem:s25+$0xFFFFFCB0] =	vst v14;
	v21 =	vor.u32 v44, v9;
	v14 =	vor.u32 v44, v2;
	v44 =	vld [tilespmem:$0x1FF10]  }
0x167: {  	[tilespmem:s25+$0x30] =	vst v20;
	v12 =	vmov s26;
	v23 =	vld.idx.msk [tilespmem:v23+s10+$0x0], $0xffff  }
0x168: {  	[tilespmem:s25+$0x1B0] =	vst v32;
	v12 =	vshrl.u32 v12, $0x3;
	v25 =	vld.idx.msk [tilespmem:v25+s10+$0x0], $0xffff;
	v20 =	vor.u32 v46, v8  }
0x169: {  	[tilespmem:s25+$0x330] =	vst v18;
	v12 =	vshll.u32 v12, v1;
	v18 =	vor.u32 v46, v2;
	v46 =	vld [tilespmem:$0x1FDA0]  }
0x16a: {  	[tilespmem:s25+$0x2B0] =	vst v13;
	v12 =	vbroadcast v12, $0x0;
	v19 =	vld.idx.msk [tilespmem:v19+s10+$0x0], $0xffff  }
0x16b: {  	[tilespmem:s25+$0x3E0] =	vst v3;
	v3 =	vor.u32 v63, v2;
	v21 =	vld.idx.msk [tilespmem:v21+s10+$0x0], $0xffff  }
0x16c: {  	v29 =	vor.u32 v34, v12;
	[tilespmem:s25+$0x230] =	vst v15;
	v24 =	vld.idx.msk [tilespmem:v24+s10+$0x0], $0xffff  }
0x16d: {  	v33 =	vor.u32 v40, v4;
	[tilespmem:s25+$0xFFFFFE30] =	vst v17;
	v20 =	vld.idx.msk [tilespmem:v20+s10+$0x0], $0xffff  }
0x16e: {  	[tilespmem:s25+$0xFFFFFEB0] =	vst v16;
	v18 =	vld.idx.msk [tilespmem:v18+s10+$0x0], $0xffff  }
0x16f: {  	[tilespmem:s25+$0xFFFFFDA0] =	vst v26;
	v15 =	vor.u32 v56, v2;
	v14 =	vld.idx.msk [tilespmem:v14+s10+$0x0], $0xffff  }
0x170: {  	v26 =	vld.idx.msk [tilespmem:v3+s10+$0x0], $0xffff  }
0x171: {  	v31 =	vor.u32 v40, v2;
	[tilespmem:s25+$0xFFFFFD30] =	vst v22;
	v3 =	vld.idx.msk [tilespmem:v29+s10+$0x0], $0xffff  }
0x172: {  	v32 =	vor.u32 v48, v2;
	[tilespmem:s25+$0xFFFFFF30] =	vst v23;
	v29 =	vld.idx.msk [tilespmem:v33+s10+$0x0], $0xffff  }
0x173: {  	v23 =	vor.u32 v57, v6;
	[tilespmem:s25+$0xFFFFFFB0] =	vst v25;
	v33 =	vld [tilespmem:$0x1FC70]  }
0x174: {  	v25 =	vor.u32 v44, v7;
	[tilespmem:s25+$0xFFFFFC30] =	vst v30;
	v15 =	vld.idx.msk [tilespmem:v15+s10+$0x0], $0xffff  }
0x175: {  	[tilespmem:s25+$0x2C0] =	vst v21;
	v21 =	vor.u32 v44, v2;
	v44 =	vld [tilespmem:$0x1FF20]  }
0x176: {  	[tilespmem:s25+$0x140] =	vst v27;
	v30 =	vld.idx.msk [tilespmem:v31+s10+$0x0], $0xffff  }
0x177: {  	[tilespmem:s25+$0x3F0] =	vst v24;
	v24 =	vor.u32 v48, v5;
	v31 =	vld.idx.msk [tilespmem:v32+s10+$0x0], $0xffff  }
0x178: {  	v13 =	vor.u32 v52, v2;
	[tilespmem:s25+$0x1C0] =	vst v19;
	v23 =	vld.idx.msk [tilespmem:v23+s10+$0x0], $0xffff  }
0x179: {  	v17 =	vor.u32 v41, v4;
	v25 =	vld.idx.msk [tilespmem:v25+s10+$0x0], $0xffff;
	[tilespmem:s25+$0x240] =	vst v20  }
0x17a: {  	v20 =	vor.u32 v57, v2;
	[tilespmem:s25+$0xFFFFFDB0] =	vst v26;
	v26 =	vor.u32 v45, v2;
	v45 =	vld [tilespmem:$0x1FD30]  }
0x17b: {  	v52 =	vor.u32 v41, v2;
	v28 =	vor.u32 v33, v10;
	v22 =	vor.u32 v33, v2;
	v33 =	vld [tilespmem:$0x1FC80]  }
0x17c: {  	v19 =	vor.u32 v49, v2;
	v24 =	vld.idx.msk [tilespmem:v24+s10+$0x0], $0xffff  }
0x17d: {  	[tilespmem:s25+$0x40] =	vst v29;
	v13 =	vld.idx.msk [tilespmem:v13+s10+$0x0], $0xffff  }
0x17e: {  	[tilespmem:s25+$0xFFFFFD40] =	vst v15;
	v17 =	vld.idx.msk [tilespmem:v17+s10+$0x0], $0xffff  }
0x17f: {  	[tilespmem:s25+$0xFFFFFC40] =	vst v30;
	v20 =	vld.idx.msk [tilespmem:v20+s10+$0x0], $0xffff  }
0x180: {  	[tilespmem:s25+$0xFFFFFCC0] =	vst v31;
	v31 =	vor.u32 v46, v2;
	v30 =	vld.idx.msk [tilespmem:v52+s10+$0x0], $0xffff  }
0x181: {  	v19 =	vld.idx.msk [tilespmem:v19+s10+$0x0], $0xffff  }
0x182: {  	v28 =	vld.idx.msk [tilespmem:v28+s10+$0x0], $0xffff  }
0x183: {  	v16 =	vor.u32 v49, v5;
	[tilespmem:s25+$0xFFFFFE40] =	vst v18;
	v22 =	vld.idx.msk [tilespmem:v22+s10+$0x0], $0xffff  }
0x184: {  	[tilespmem:s25+$0xFFFFFEC0] =	vst v14;
	v26 =	vld.idx.msk [tilespmem:v26+s10+$0x0], $0xffff  }
0x185: {  	v18 =	vor.u32 v42, v4;
	[tilespmem:s25+$0x1D0] =	vst v25;
	v31 =	vld.idx.msk [tilespmem:v31+s10+$0x0], $0xffff  }
0x186: {  	v52 =	vor.u32 v42, v2;
	[tilespmem:s25+$0xFFFFFDC0] =	vst v13;
	v13 =	vor.u32 v37, v2;
	v37 =	vld [tilespmem:$0x1FD40]  }
0x187: {  	v25 =	vor.u32 v50, v2;
	[tilespmem:s25+$0xC0] =	vst v24;
	v24 =	vor.u32 v46, v9;
	v46 =	vld [tilespmem:$0x1FC90]  }
0x188: {  	v29 =	vor.u32 v45, v8;
	v16 =	vld.idx.msk [tilespmem:v16+s10+$0x0], $0xffff  }
0x189: {  	[tilespmem:s25+$0x50] =	vst v17;
	v21 =	vld.idx.msk [tilespmem:v21+s10+$0x0], $0xffff  }
0x18a: {  	v18 =	vld.idx.msk [tilespmem:v18+s10+$0x0], $0xffff;
	[tilespmem:s25+$0xFFFFFC50] =	vst v30  }
0x18b: {  	v27 =	vor.u32 v33, v10;
	[tilespmem:s25+$0xFFFFFCD0] =	vst v19;
	v30 =	vld.idx.msk [tilespmem:v52+s10+$0x0], $0xffff  }
0x18c: {  	v15 =	vor.u32 v33, v2;
	v25 =	vld.idx.msk [tilespmem:v25+s10+$0x0], $0xffff  }
0x18d: {  	v29 =	vld.idx.msk [tilespmem:v29+s10+$0x0], $0xffff  }
0x18e: {  	v14 =	vor.u32 v50, v5;
	[tilespmem:s25+$0x340] =	vst v28;
	v28 =	vor.u32 v45, v2;
	v45 =	vld [tilespmem:$0x1FDB0]  }
0x18f: {  	v4 =	vor.u32 v43, v4;
	v24 =	vld.idx.msk [tilespmem:v24+s10+$0x0], $0xffff  }
0x190: {  	[tilespmem:s25+$0xFFFFFF40] =	vst v22;
	v27 =	vld.idx.msk [tilespmem:v27+s10+$0x0], $0xffff  }
0x191: {  	v22 =	vor.u32 v58, v6;
	[tilespmem:s25+$0xFFFFFFC0] =	vst v26;
	v15 =	vld.idx.msk [tilespmem:v15+s10+$0x0], $0xffff  }
0x192: {  	v26 =	vor.u32 v44, v7;
	v13 =	vld.idx.msk [tilespmem:v13+s10+$0x0], $0xffff;
	[tilespmem:s25+$0xD0] =	vst v16  }
0x193: {  	v17 =	vor.u32 v37, v8;
	[tilespmem:s25+$0x60] =	vst v18;
	v14 =	vld.idx.msk [tilespmem:v14+s10+$0x0], $0xffff  }
0x194: {  	v4 =	vld.idx.msk [tilespmem:v4+s10+$0x0], $0xffff  }
0x195: {  	[tilespmem:s25+$0x150] =	vst v23;
	v28 =	vld.idx.msk [tilespmem:v28+s10+$0x0], $0xffff  }
0x196: {  	[tilespmem:s25+$0xFFFFFD50] =	vst v20;
	v23 =	vor.u32 v46, v10;
	v22 =	vld.idx.msk [tilespmem:v22+s10+$0x0], $0xffff  }
0x197: {  	v20 =	vor.u32 v46, v2;
	v26 =	vld.idx.msk [tilespmem:v26+s10+$0x0], $0xffff;
	[tilespmem:s25+$0x250] =	vst v29  }
0x198: {  	[tilespmem:s25+$0xFFFFFDD0] =	vst v21;
	v17 =	vld.idx.msk [tilespmem:v17+s10+$0x0], $0xffff  }
0x199: {  	v21 =	vor.u32 v36, v2;
	[tilespmem:s25+$0x350] =	vst v27;
	v27 =	vor.u32 v37, v2;
	v37 =	vld [tilespmem:$0x1FD50]  }
0x19a: {  	v5 =	vor.u32 v51, v5;
	[tilespmem:s25+$0x2D0] =	vst v24;
	v24 =	vor.u32 v44, v2;
	v44 =	vld [tilespmem:$0x1FDC0]  }
0x19b: {  	v16 =	vor.u32 v45, v9;
	[tilespmem:s25+$0xFFFFFF50] =	vst v15;
	v23 =	vld.idx.msk [tilespmem:v23+s10+$0x0], $0xffff  }
0x19c: {  	[tilespmem:s25+$0xFFFFFED0] =	vst v31;
	v29 =	vor.u32 v58, v2;
	v31 =	vld.idx.msk [tilespmem:v20+s10+$0x0], $0xffff  }
0x19d: {  	v19 =	vor.u32 v45, v2;
	[tilespmem:s25+$0xFFFFFFD0] =	vst v13;
	v20 =	vld [tilespmem:$0x1FF30]  }
0x19e: {  	v13 =	vld.idx.msk [tilespmem:v21+s10+$0x0], $0xffff;
	[tilespmem:s25+$0xE0] =	vst v14  }
0x19f: {  	v5 =	vld.idx.msk [tilespmem:v5+s10+$0x0], $0xffff  }
0x1a0: {  	v16 =	vld.idx.msk [tilespmem:v16+s10+$0x0], $0xffff  }
0x1a1: {  	v6 =	vor.u32 v59, v6;
	v29 =	vld.idx.msk [tilespmem:v29+s10+$0x0], $0xffff  }
0x1a2: {  	v19 =	vld.idx.msk [tilespmem:v19+s10+$0x0], $0xffff;
	[tilespmem:s25+$0x260] =	vst v17;
	v17 =	vor.u32 v59, v2  }
0x1a3: {  	[tilespmem:s25+$0xFFFFFE50] =	vst v28;
	v24 =	vld.idx.msk [tilespmem:v24+s10+$0x0], $0xffff;
	v32 =	vor.u32 v44, v2  }
0x1a4: {  	[tilespmem:s25+$0x160] =	vst v22;
	v28 =	vld.idx.msk [tilespmem:v27+s10+$0x0], $0xffff;
	v7 =	vor.u32 v20, v7  }
0x1a5: {  	v8 =	vor.u32 v37, v8;
	v27 =	vld [tilespmem:$0x1FDF0];
	[tilespmem:s25+$0x2E0] =	vst v16  }
0x1a6: {  	v14 =	vor.u32 v44, v9;
	v9 =	vld.idx.msk [tilespmem:v6+s10+$0x0], $0xffff;
	[tilespmem:s25+$0xFFFFFD60] =	vst v29  }
0x1a7: {  	v15 =	vor.u32 v43, v2;
	[tilespmem:s25+$0xFFFFFEE0] =	vst v19;
	v16 =	vld.idx.msk [tilespmem:v17+s10+$0x0], $0xffff  }
0x1a8: {  	v18 =	vor.u32 v51, v2;
	[tilespmem:s25+$0x1E0] =	vst v26;
	v19 =	vld.idx.msk [tilespmem:v32+s10+$0x0], $0xffff  }
0x1a9: {  	s28 =	sadd.s32 $0x8, s26;
	v20 =	vor.u32 v20, v2;
	v6 =	vld.idx.msk [tilespmem:v7+s10+$0x0], $0xffff  }
0x1aa: {  	s30 =	sadd.s32 $0xC, s26;
	[tilespmem:s25+$0xFFFFFC60] =	vst v30;
	v21 =	vmov s28;
	s28 =	sadd.s32 $0x9, s26;
	v22 =	vor.u32 v37, v2;
	v7 =	vld.idx.msk [tilespmem:v8+s10+$0x0], $0xffff  }
0x1ab: {  	p1 =	slt.u32 s26, $0x30;
	s29 =	sadd.s32 $0xA, s26;
	v46 =	vmov s30;
	[tilespmem:s25+$0xFFFFFCE0] =	vst v25;
	v26 =	vmov s28;
	s28 =	sadd.s32 $0xB, s26;
	v10 =	vor.u32 v27, v10;
	v8 =	vld.idx.msk [tilespmem:v14+s10+$0x0], $0xffff  }
.Ltmp0:
0x1ac: {  	s31 =	sadd.s32 $0xE, s26;
	v30 =	vmov s29;
	v45 =	vmov s28;
	s28 =	sadd.s32 $0xD, s26;
	[tilespmem:s25+$0x360] =	vst v23;
	v14 =	vld.idx.msk [tilespmem:v15+s10+$0x0], $0xffff;
	(pc) =	sbr.rel @p1 .LBB2_3-.Ltmp0, $4  }
0x1ad: {  	v36 =	vmovc v34;
	v25 =	vmov s31;
	v37 =	vmovc v35;
	v52 =	vmov s28;
	v29 =	vshrl.u32 v21, $0x3;
	[tilespmem:s25+$0xFFFFFDE0] =	vst v24;
	v15 =	vld.idx.msk [tilespmem:v18+s10+$0x0], $0xffff  }
0x1ae: {  	v23 =	vor.u32 v27, v2;
	v2 =	vmovc v12;
	v27 =	vshrl.u32 v26, $0x3;
	[tilespmem:s25+$0xFFFFFE60] =	vst v28;
	v28 =	vshrl.u32 v30, $0x3;
	v17 =	vld.idx.msk [tilespmem:v20+s10+$0x0], $0xffff  }
0x1af: {  	v34 =	vmovc v36;
	v35 =	vmovc v37;
	v26 =	vshrl.u32 v45, $0x3;
	v24 =	vshrl.u32 v46, $0x3;
	v12 =	vor.u32 v53, v2;
	v18 =	vld.idx.msk [tilespmem:v22+s10+$0x0], $0xffff  }
0x1b0: {  	s28 =	sadd.s32 $0xF, s26;
	s26 =	sadd.s32 $0x10, s26;
	[tilespmem:s25+$0xFFFFFF60] =	vst v31;
	v20 =	vor.u32 v54, v2;
	v21 =	vor.u32 v60, v2;
	v22 =	vshrl.u32 v52, $0x3;
	v10 =	vld.idx.msk [tilespmem:v10+s10+$0x0], $0xffff  }
0x1b1: {  	[tilespmem:s25+$0xFFFFFFE0] =	vst v13  }
0x1b2: {  	[tilespmem:s25+$0x70] =	vst v4  }
0x1b3: {  	[tilespmem:s25+$0xF0] =	vst v5  }
0x1b4: {  	[tilespmem:s25+$0x170] =	vst v9  }
0x1b5: {  	[tilespmem:s25+$0x1F0] =	vst v6  }
0x1b6: {  	[tilespmem:s25+$0x270] =	vst v7  }
0x1b7: {  	[tilespmem:s25+$0x2F0] =	vst v8  }
0x1b8: {  	v32 =	vmov s28;
	v33 =	vshll.u32 v29, v1;
	v29 =	vld [tilespmem:$0x1FCA0]  }
0x1b9: {  	v4 =	vshrl.u32 v32, $0x3  }
0x1ba: {  	v4 =	vshll.u32 v4, v1  }
0x1bb: {  	[tilespmem:s25+$0xFFFFFC70] =	vst v14;
	v13 =	vbroadcast v4, $0x0  }
0x1bc: {  	v23 =	vld.idx.msk [tilespmem:v23+s10+$0x0], $0xffff;
	[tilespmem:s25+$0x370] =	vst v10  }
0x1bd: {  	v44 =	vshll.u32 v27, v1;
	v31 =	vld [tilespmem:$0x1FE60];
	[tilespmem:s25+$0xFFFFFCF0] =	vst v15;
	v27 =	vor.u32 v29, v13  }
0x1be: {  	v5 =	vbroadcast v33, $0x0;
	v60 =	vld [tilespmem:$0x1FE50];
	[tilespmem:s25+$0xFFFFFD70] =	vst v16  }
0x1bf: {  	v45 =	vshll.u32 v28, v1;
	v32 =	vld [tilespmem:$0x1FE70]  }
0x1c0: {  	v46 =	vshll.u32 v26, v1;
	v11 =	vld.idx.msk [tilespmem:v11+s10+$0x0], $0xffff;
	v4 =	vbroadcast v44, $0x0;
	v10 =	vor.u32 v34, v5;
	[tilespmem:s25+$0xFFFFFDF0] =	vst v17  }
0x1c1: {  	v6 =	vbroadcast v45, $0x0;
	v7 =	vbroadcast v46, $0x0;
	v46 =	vld [tilespmem:$0x1FE40]  }
0x1c2: {  	v52 =	vshll.u32 v24, v1;
	[tilespmem:s25+$0xFFFFFE70] =	vst v18;
	v14 =	vor.u32 v31, v4;
	v24 =	vld.idx.msk [tilespmem:v27+s10+$0x0], $0xffff  }
0x1c3: {  	v15 =	vor.u32 v60, v6;
	v27 =	vld [tilespmem:$0x1FE30];
	[tilespmem:s25+$0xFFFFFEF0] =	vst v19  }
0x1c4: {  	v33 =	vor.u32 v32, v7;
	v26 =	vld [tilespmem:$0x1FCB0]  }
0x1c5: {  	v53 =	vshll.u32 v22, v1;
	v54 =	vshrl.u32 v25, $0x3;
	v8 =	vbroadcast v52, $0x0;
	v25 =	vld.idx.msk [tilespmem:v10+s10+$0x0], $0xffff;
	[tilespmem:s25+$0xFFFFFF70] =	vst v23  }
0x1c6: {  	v9 =	vbroadcast v53, $0x0;
	v28 =	vld [tilespmem:$0x1FE20]  }
0x1c7: {  	v45 =	vor.u32 v46, v8;
	v14 =	vld.idx.msk [tilespmem:v14+s10+$0x0], $0xffff  }
0x1c8: {  	v22 =	vshll.u32 v54, v1;
	v52 =	vor.u32 v27, v9;
	v15 =	vld.idx.msk [tilespmem:v15+s10+$0x0], $0xffff  }
0x1c9: {  	s29 =	sadd.s32 $0x800, s25;
	v10 =	vbroadcast v22, $0x0;
	[tilespmem:s25+$0xFFFFFFF0] =	vst v11;
	v53 =	vor.u32 v26, v13;
	v54 =	vld.idx.msk [tilespmem:v33+s10+$0x0], $0xffff  }
0x1ca: {  	[tilespmem:s29+$0x0] =	vst v25  }
0x1cb: {  	[tilespmem:s29+$0x380] =	vst v24;
	v22 =	vor.u32 v28, v10  }
0x1cc: {  	v23 =	vld.idx.msk [tilespmem:v45+s10+$0x0], $0xffff;
	[tilespmem:s29+$0x80] =	vst v14  }
0x1cd: {  	v33 =	vld.idx.msk [tilespmem:v52+s10+$0x0], $0xffff;
	[tilespmem:s29+$0x100] =	vst v15  }
0x1ce: {  	v44 =	vld.idx.msk [tilespmem:v53+s10+$0x0], $0xffff;
	[tilespmem:s29+$0x180] =	vst v54  }
0x1cf: {  	v24 =	vld [tilespmem:$0x1FCC0]  }
0x1d0: {  	v52 =	vld.idx.msk [tilespmem:v22+s10+$0x0], $0xffff  }
0x1d1: {  	[tilespmem:s29+$0x200] =	vst v23  }
0x1d2: {  	v45 =	vor.u32 v46, v2;
	[tilespmem:s29+$0xFFFFFC00] =	vst v3  }
0x1d3: {  	v12 =	vld.idx.msk [tilespmem:v12+s10+$0x0], $0xffff;
	v17 =	vor.u32 v28, v2;
	[tilespmem:s29+$0x280] =	vst v33  }
0x1d4: {  	v19 =	vld.idx.msk [tilespmem:v20+s10+$0x0], $0xffff;
	[tilespmem:s29+$0x390] =	vst v44;
	v53 =	vor.u32 v24, v13  }
0x1d5: {  	v20 =	vld.idx.msk [tilespmem:v21+s10+$0x0], $0xffff;
	v54 =	vor.u32 v27, v2;
	[tilespmem:s29+$0x300] =	vst v52  }
0x1d6: {  	v33 =	vld [tilespmem:$0x1FEC0]  }
0x1d7: {  	v15 =	vld.idx.msk [tilespmem:v45+s10+$0x0], $0xffff  }
0x1d8: {  	v14 =	vor.u32 v29, v2;
	v17 =	vld.idx.msk [tilespmem:v17+s10+$0x0], $0xffff  }
0x1d9: {  	v44 =	vor.u32 v35, v5;
	v11 =	vld.idx.msk [tilespmem:v53+s10+$0x0], $0xffff  }
0x1da: {  	v16 =	vld.idx.msk [tilespmem:v54+s10+$0x0], $0xffff;
	[tilespmem:s29+$0xFFFFFC80] =	vst v12  }
0x1db: {  	v52 =	vld [tilespmem:$0x1FEA0];
	[tilespmem:s29+$0xFFFFFD00] =	vst v19;
	v3 =	vor.u32 v33, v4  }
0x1dc: {  	v23 =	vld [tilespmem:$0x1FCD0];
	[tilespmem:s29+$0xFFFFFD80] =	vst v20  }
0x1dd: {  	v14 =	vld.idx.msk [tilespmem:v14+s10+$0x0], $0xffff;
	[tilespmem:s29+$0xFFFFFE00] =	vst v15;
	v53 =	vor.u32 v61, v7  }
0x1de: {  	v54 =	vor.u32 v0, v8;
	v18 =	vld.idx.msk [tilespmem:v44+s10+$0x0], $0xffff;
	[tilespmem:s29+$0x3A0] =	vst v11  }
0x1df: {  	v21 =	vld [tilespmem:$0x1FD60]  }
0x1e0: {  	v45 =	vor.u32 v52, v6;
	v3 =	vld.idx.msk [tilespmem:v3+s10+$0x0], $0xffff;
	[tilespmem:s29+$0xFFFFFE80] =	vst v16  }
0x1e1: {  	v19 =	vor.u32 v23, v13;
	v25 =	vld [tilespmem:$0x1FDD0];
	[tilespmem:s29+$0xFFFFFF00] =	vst v17  }
0x1e2: {  	v20 =	vld.idx.msk [tilespmem:v53+s10+$0x0], $0xffff;
	v53 =	vor.u32 v33, v2;
	[tilespmem:s29+$0xFFFFFF80] =	vst v14  }
0x1e3: {  	v15 =	vld.idx.msk [tilespmem:v54+s10+$0x0], $0xffff;
	v17 =	vor.u32 v35, v2;
	[tilespmem:s29+$0x10] =	vst v18  }
0x1e4: {  	v22 =	vld [tilespmem:$0x1FCE0];
	v44 =	vor.u32 v21, v9  }
0x1e5: {  	v12 =	vld.idx.msk [tilespmem:v45+s10+$0x0], $0xffff;
	[tilespmem:s29+$0x90] =	vst v3;
	v3 =	vor.u32 v52, v2  }
0x1e6: {  	v19 =	vld.idx.msk [tilespmem:v19+s10+$0x0], $0xffff;
	v45 =	vor.u32 v25, v10  }
0x1e7: {  	v14 =	vld.idx.msk [tilespmem:v53+s10+$0x0], $0xffff;
	v53 =	vor.u32 v21, v2  }
0x1e8: {  	[tilespmem:s29+$0x210] =	vst v15;
	v17 =	vld.idx.msk [tilespmem:v17+s10+$0x0], $0xffff;
	v15 =	vor.u32 v25, v2  }
0x1e9: {  	v54 =	vor.u32 v22, v13;
	v11 =	vld.idx.msk [tilespmem:v44+s10+$0x0], $0xffff  }
0x1ea: {  	v44 =	vor.u32 v61, v2;
	v3 =	vld.idx.msk [tilespmem:v3+s10+$0x0], $0xffff  }
0x1eb: {  	v16 =	vld.idx.msk [tilespmem:v45+s10+$0x0], $0xffff;
	v45 =	vor.u32 v0, v2  }
0x1ec: {  	[tilespmem:s29+$0x190] =	vst v20;
	v20 =	vld.idx.msk [tilespmem:v53+s10+$0x0], $0xffff  }
0x1ed: {  	[tilespmem:s29+$0x3B0] =	vst v19;
	v15 =	vld.idx.msk [tilespmem:v15+s10+$0x0], $0xffff  }
0x1ee: {  	[tilespmem:s29+$0x110] =	vst v12;
	v18 =	vld.idx.msk [tilespmem:v54+s10+$0x0], $0xffff  }
0x1ef: {  	[tilespmem:s29+$0x290] =	vst v11;
	v12 =	vld.idx.msk [tilespmem:v44+s10+$0x0], $0xffff  }
0x1f0: {  	[tilespmem:s29+$0x310] =	vst v16;
	v19 =	vld.idx.msk [tilespmem:v45+s10+$0x0], $0xffff  }
0x1f1: {  	v11 =	vor.u32 v26, v2;
	v21 =	vld [tilespmem:$0x1FCF0];
	[tilespmem:s29+$0xFFFFFC10] =	vst v17  }
0x1f2: {  	v44 =	vld [tilespmem:$0x1FEE0];
	[tilespmem:s29+$0xFFFFFC90] =	vst v14  }
0x1f3: {  	v45 =	vld [tilespmem:$0x1FED0];
	[tilespmem:s29+$0x3C0] =	vst v18  }
0x1f4: {  	v53 =	vld [tilespmem:$0x1FEB0];
	[tilespmem:s29+$0xFFFFFD10] =	vst v3  }
0x1f5: {  	v3 =	vor.u32 v62, v7;
	[tilespmem:s29+$0xFFFFFD90] =	vst v12  }
0x1f6: {  	v11 =	vld.idx.msk [tilespmem:v11+s10+$0x0], $0xffff;
	[tilespmem:s29+$0xFFFFFE10] =	vst v19;
	v16 =	vor.u32 v21, v13  }
0x1f7: {  	v26 =	vld [tilespmem:$0x1FD70];
	[tilespmem:s29+$0xFFFFFE90] =	vst v20;
	v17 =	vor.u32 v44, v5  }
0x1f8: {  	v0 =	vld [tilespmem:$0x1FD00];
	[tilespmem:s29+$0xFFFFFF10] =	vst v15;
	v14 =	vor.u32 v45, v4  }
0x1f9: {  	v30 =	vld [tilespmem:$0x1FDE0];
	v54 =	vor.u32 v53, v6  }
0x1fa: {  	v3 =	vld.idx.msk [tilespmem:v3+s10+$0x0], $0xffff  }
0x1fb: {  	v16 =	vld.idx.msk [tilespmem:v16+s10+$0x0], $0xffff  }
0x1fc: {  	v17 =	vld.idx.msk [tilespmem:v17+s10+$0x0], $0xffff  }
0x1fd: {  	v12 =	vor.u32 v38, v8;
	v14 =	vld.idx.msk [tilespmem:v14+s10+$0x0], $0xffff  }
0x1fe: {  	[tilespmem:s29+$0xFFFFFF90] =	vst v11;
	v11 =	vor.u32 v44, v2;
	v18 =	vld.idx.msk [tilespmem:v54+s10+$0x0], $0xffff  }
0x1ff: {  	[tilespmem:s29+$0x1A0] =	vst v3  }
0x200: {  	v19 =	vor.u32 v26, v9;
	[tilespmem:s29+$0x3D0] =	vst v16  }
0x201: {  	v20 =	vor.u32 v0, v13;
	[tilespmem:s29+$0x20] =	vst v17  }
0x202: {  	v12 =	vld.idx.msk [tilespmem:v12+s10+$0x0], $0xffff;
	v15 =	vor.u32 v30, v10;
	[tilespmem:s29+$0xA0] =	vst v14  }
0x203: {  	v3 =	vld.idx.msk [tilespmem:v11+s10+$0x0], $0xffff;
	v17 =	vor.u32 v53, v2;
	[tilespmem:s29+$0x120] =	vst v18  }
0x204: {  	v14 =	vor.u32 v62, v2;
	v25 =	vld [tilespmem:$0x1FC50]  }
0x205: {  	v54 =	vor.u32 v45, v2;
	v19 =	vld.idx.msk [tilespmem:v19+s10+$0x0], $0xffff  }
0x206: {  	v20 =	vld.idx.msk [tilespmem:v20+s10+$0x0], $0xffff  }
0x207: {  	v15 =	vld.idx.msk [tilespmem:v15+s10+$0x0], $0xffff  }
0x208: {  	v18 =	vor.u32 v38, v2;
	v17 =	vld.idx.msk [tilespmem:v17+s10+$0x0], $0xffff  }
0x209: {  	[tilespmem:s29+$0x220] =	vst v12;
	v14 =	vld.idx.msk [tilespmem:v14+s10+$0x0], $0xffff;
	v11 =	vor.u32 v25, v13  }
0x20a: {  	[tilespmem:s29+$0xFFFFFC20] =	vst v3;
	v13 =	vld.idx.msk [tilespmem:v54+s10+$0x0], $0xffff;
	v54 =	vor.u32 v26, v2  }
0x20b: {  	[tilespmem:s29+$0x2A0] =	vst v19  }
0x20c: {  	[tilespmem:s29+$0x3E0] =	vst v20  }
0x20d: {  	v16 =	vor.u32 v30, v2;
	[tilespmem:s29+$0x320] =	vst v15;
	v18 =	vld.idx.msk [tilespmem:v18+s10+$0x0], $0xffff  }
0x20e: {  	[tilespmem:s29+$0xFFFFFD20] =	vst v17;
	v11 =	vld.idx.msk [tilespmem:v11+s10+$0x0], $0xffff  }
0x20f: {  	[tilespmem:s29+$0xFFFFFDA0] =	vst v14;
	v12 =	vld.idx.msk [tilespmem:v54+s10+$0x0], $0xffff;
	v54 =	vor.u32 v55, v6  }
0x210: {  	[tilespmem:s29+$0xFFFFFCA0] =	vst v13  }
0x211: {  	v38 =	vor.u32 v24, v2;
	v24 =	vld [tilespmem:$0x1FD10]  }
0x212: {  	v3 =	vor.u32 v47, v4;
	v16 =	vld.idx.msk [tilespmem:v16+s10+$0x0], $0xffff;
	[tilespmem:s29+$0xFFFFFE20] =	vst v18  }
0x213: {  	v17 =	vor.u32 v63, v7;
	v26 =	vld [tilespmem:$0x1FD80]  }
0x214: {  	[tilespmem:s29+$0x3F0] =	vst v11;
	v13 =	vld.idx.msk [tilespmem:v54+s10+$0x0], $0xffff;
	v54 =	vor.u32 v39, v2  }
0x215: {  	v15 =	vor.u32 v39, v5;
	v20 =	vld [tilespmem:$0x1FC60]  }
0x216: {  	v19 =	vld.idx.msk [tilespmem:v38+s10+$0x0], $0xffff;
	v38 =	vor.u32 v24, v8  }
0x217: {  	v3 =	vld.idx.msk [tilespmem:v3+s10+$0x0], $0xffff;
	[tilespmem:s29+$0xFFFFFF20] =	vst v16;
	v16 =	vor.u32 v47, v2  }
0x218: {  	v17 =	vld.idx.msk [tilespmem:v17+s10+$0x0], $0xffff;
	v18 =	vor.u32 v26, v9  }
0x219: {  	[tilespmem:s29+$0xFFFFFEA0] =	vst v12;
	v12 =	vld.idx.msk [tilespmem:v54+s10+$0x0], $0xffff;
	v54 =	vor.u32 v26, v2  }
0x21a: {  	v15 =	vld.idx.msk [tilespmem:v15+s10+$0x0], $0xffff;
	v11 =	vor.u32 v20, v10  }
0x21b: {  	v14 =	vld.idx.msk [tilespmem:v38+s10+$0x0], $0xffff;
	v38 =	vor.u32 v55, v2  }
0x21c: {  	v39 =	vor.u32 v63, v2;
	[tilespmem:s29+$0xB0] =	vst v3;
	v16 =	vld.idx.msk [tilespmem:v16+s10+$0x0], $0xffff  }
0x21d: {  	v3 =	vor.u32 v24, v2;
	[tilespmem:s29+$0x1B0] =	vst v17;
	v18 =	vld.idx.msk [tilespmem:v18+s10+$0x0], $0xffff  }
0x21e: {  	[tilespmem:s29+$0x130] =	vst v13;
	v17 =	vor.u32 v20, v2;
	v13 =	vld.idx.msk [tilespmem:v54+s10+$0x0], $0xffff  }
0x21f: {  	[tilespmem:s29+$0xFFFFFFA0] =	vst v19;
	v54 =	vor.u32 v56, v6;
	v11 =	vld.idx.msk [tilespmem:v11+s10+$0x0], $0xffff  }
0x220: {  	[tilespmem:s29+$0x30] =	vst v15;
	v19 =	vld.idx.msk [tilespmem:v38+s10+$0x0], $0xffff;
	v38 =	vor.u32 v23, v2  }
0x221: {  	v15 =	vld.idx.msk [tilespmem:v39+s10+$0x0], $0xffff;
	[tilespmem:s29+$0xFFFFFC30] =	vst v12  }
0x222: {  	v3 =	vld.idx.msk [tilespmem:v3+s10+$0x0], $0xffff;
	[tilespmem:s29+$0x230] =	vst v14  }
0x223: {  	v17 =	vld.idx.msk [tilespmem:v17+s10+$0x0], $0xffff;
	[tilespmem:s29+$0xFFFFFCB0] =	vst v16  }
0x224: {  	v39 =	vor.u32 v48, v4;
	[tilespmem:s29+$0x2B0] =	vst v18;
	v12 =	vld.idx.msk [tilespmem:v54+s10+$0x0], $0xffff  }
0x225: {  	[tilespmem:s29+$0x330] =	vst v11;
	v14 =	vld.idx.msk [tilespmem:v38+s10+$0x0], $0xffff  }
0x226: {  	v26 =	vld [tilespmem:$0x1FF00];
	[tilespmem:s29+$0xFFFFFD30] =	vst v19  }
0x227: {  	v18 =	vor.u32 v40, v5;
	v23 =	vld [tilespmem:$0x1FD20];
	[tilespmem:s29+$0xFFFFFDB0] =	vst v15  }
0x228: {  	v54 =	vor.u32 v48, v2;
	v24 =	vld [tilespmem:$0x1FD90]  }
0x229: {  	v11 =	vld.idx.msk [tilespmem:v39+s10+$0x0], $0xffff;
	v39 =	vor.u32 v40, v2;
	[tilespmem:s29+$0xFFFFFE30] =	vst v3  }
0x22a: {  	v20 =	vld [tilespmem:$0x1FC70];
	[tilespmem:s29+$0xFFFFFFB0] =	vst v14;
	v14 =	vor.u32 v56, v2  }
0x22b: {  	v16 =	vor.u32 v26, v7  }
0x22c: {  	v18 =	vld.idx.msk [tilespmem:v18+s10+$0x0], $0xffff;
	v38 =	vor.u32 v23, v8  }
0x22d: {  	[tilespmem:s29+$0xFFFFFF30] =	vst v17;
	v17 =	vld.idx.msk [tilespmem:v54+s10+$0x0], $0xffff;
	v15 =	vor.u32 v24, v9  }
0x22e: {  	[tilespmem:s29+$0xFFFFFEB0] =	vst v13;
	v13 =	vld.idx.msk [tilespmem:v39+s10+$0x0], $0xffff;
	v39 =	vor.u32 v24, v2  }
0x22f: {  	v3 =	vor.u32 v20, v10;
	v14 =	vld.idx.msk [tilespmem:v14+s10+$0x0], $0xffff  }
0x230: {  	[tilespmem:s29+$0xC0] =	vst v11;
	v11 =	vor.u32 v23, v2;
	v16 =	vld.idx.msk [tilespmem:v16+s10+$0x0], $0xffff  }
0x231: {  	v19 =	vld.idx.msk [tilespmem:v38+s10+$0x0], $0xffff;
	v38 =	vor.u32 v26, v2  }
0x232: {  	[tilespmem:s29+$0x140] =	vst v12;
	v54 =	vor.u32 v20, v2;
	v15 =	vld.idx.msk [tilespmem:v15+s10+$0x0], $0xffff  }
0x233: {  	[tilespmem:s29+$0x40] =	vst v18;
	v23 =	vor.u32 v22, v2;
	v12 =	vld.idx.msk [tilespmem:v39+s10+$0x0], $0xffff  }
0x234: {  	[tilespmem:s29+$0xFFFFFCC0] =	vst v17;
	v39 =	vor.u32 v57, v6;
	v3 =	vld.idx.msk [tilespmem:v3+s10+$0x0], $0xffff  }
0x235: {  	[tilespmem:s29+$0xFFFFFC40] =	vst v13;
	v11 =	vld.idx.msk [tilespmem:v11+s10+$0x0], $0xffff  }
0x236: {  	[tilespmem:s29+$0x1C0] =	vst v16;
	v18 =	vld.idx.msk [tilespmem:v38+s10+$0x0], $0xffff  }
0x237: {  	v16 =	vld.idx.msk [tilespmem:v54+s10+$0x0], $0xffff;
	[tilespmem:s29+$0x240] =	vst v19  }
0x238: {  	v19 =	vld.idx.msk [tilespmem:v23+s10+$0x0], $0xffff;
	[tilespmem:s29+$0x2C0] =	vst v15  }
0x239: {  	v38 =	vor.u32 v41, v5;
	v13 =	vld.idx.msk [tilespmem:v39+s10+$0x0], $0xffff;
	[tilespmem:s29+$0x340] =	vst v3  }
0x23a: {  	v24 =	vld [tilespmem:$0x1FF10];
	[tilespmem:s29+$0xFFFFFD40] =	vst v14  }
0x23b: {  	v22 =	vld [tilespmem:$0x1FD30];
	[tilespmem:s29+$0xFFFFFDC0] =	vst v18  }
0x23c: {  	v3 =	vor.u32 v49, v4;
	v23 =	vld [tilespmem:$0x1FDA0];
	[tilespmem:s29+$0xFFFFFE40] =	vst v11  }
0x23d: {  	v39 =	vor.u32 v49, v2;
	v20 =	vld [tilespmem:$0x1FC80]  }
0x23e: {  	v15 =	vld.idx.msk [tilespmem:v38+s10+$0x0], $0xffff;
	v38 =	vor.u32 v41, v2  }
0x23f: {  	v17 =	vor.u32 v24, v7  }
0x240: {  	v54 =	vor.u32 v22, v8  }
0x241: {  	v3 =	vld.idx.msk [tilespmem:v3+s10+$0x0], $0xffff;
	[tilespmem:s29+$0xFFFFFEC0] =	vst v12;
	v18 =	vor.u32 v23, v9  }
0x242: {  	[tilespmem:s29+$0xFFFFFF40] =	vst v16;
	v16 =	vld.idx.msk [tilespmem:v39+s10+$0x0], $0xffff;
	v11 =	vor.u32 v20, v10  }
0x243: {  	v41 =	vor.u32 v57, v2;
	[tilespmem:s29+$0xFFFFFFC0] =	vst v19;
	v12 =	vld.idx.msk [tilespmem:v38+s10+$0x0], $0xffff  }
0x244: {  	[tilespmem:s29+$0x150] =	vst v13;
	v23 =	vor.u32 v23, v2;
	v17 =	vld.idx.msk [tilespmem:v17+s10+$0x0], $0xffff  }
0x245: {  	[tilespmem:s29+$0x50] =	vst v15;
	v14 =	vld.idx.msk [tilespmem:v54+s10+$0x0], $0xffff;
	v54 =	vor.u32 v24, v2  }
0x246: {  	[tilespmem:s29+$0xD0] =	vst v3;
	v3 =	vor.u32 v22, v2;
	v18 =	vld.idx.msk [tilespmem:v18+s10+$0x0], $0xffff  }
0x247: {  	v38 =	vor.u32 v20, v2;
	[tilespmem:s29+$0xFFFFFCD0] =	vst v16;
	v11 =	vld.idx.msk [tilespmem:v11+s10+$0x0], $0xffff  }
0x248: {  	v19 =	vld.idx.msk [tilespmem:v41+s10+$0x0], $0xffff;
	[tilespmem:s29+$0xFFFFFC50] =	vst v12  }
0x249: {  	v13 =	vld.idx.msk [tilespmem:v23+s10+$0x0], $0xffff;
	[tilespmem:s29+$0x1D0] =	vst v17  }
0x24a: {  	[tilespmem:s29+$0x250] =	vst v14;
	v15 =	vld.idx.msk [tilespmem:v54+s10+$0x0], $0xffff;
	v54 =	vor.u32 v50, v4  }
0x24b: {  	v3 =	vld.idx.msk [tilespmem:v3+s10+$0x0], $0xffff;
	[tilespmem:s29+$0x2D0] =	vst v18  }
0x24c: {  	v17 =	vld.idx.msk [tilespmem:v38+s10+$0x0], $0xffff;
	[tilespmem:s29+$0x350] =	vst v11  }
0x24d: {  	v39 =	vor.u32 v21, v2;
	v23 =	vld [tilespmem:$0x1FF20];
	[tilespmem:s29+$0xFFFFFD50] =	vst v19  }
0x24e: {  	v41 =	vor.u32 v42, v5;
	v21 =	vld [tilespmem:$0x1FD40]  }
0x24f: {  	v12 =	vor.u32 v58, v6;
	[tilespmem:s29+$0xFFFFFDD0] =	vst v15;
	v11 =	vld.idx.msk [tilespmem:v54+s10+$0x0], $0xffff  }
0x250: {  	v22 =	vld [tilespmem:$0x1FDB0];
	[tilespmem:s29+$0xFFFFFE50] =	vst v3  }
0x251: {  	v54 =	vor.u32 v42, v2;
	v20 =	vld [tilespmem:$0x1FC90]  }
0x252: {  	v14 =	vld.idx.msk [tilespmem:v39+s10+$0x0], $0xffff;
	[tilespmem:s29+$0xFFFFFF50] =	vst v17;
	v17 =	vor.u32 v50, v2  }
0x253: {  	v18 =	vld.idx.msk [tilespmem:v41+s10+$0x0], $0xffff;
	v38 =	vor.u32 v23, v7  }
0x254: {  	v12 =	vld.idx.msk [tilespmem:v12+s10+$0x0], $0xffff;
	v39 =	vor.u32 v21, v8  }
0x255: {  	v41 =	vor.u32 v22, v9  }
0x256: {  	[tilespmem:s29+$0xFFFFFED0] =	vst v13;
	v13 =	vld.idx.msk [tilespmem:v54+s10+$0x0], $0xffff;
	v3 =	vor.u32 v20, v10  }
0x257: {  	v5 =	vor.u32 v43, v5;
	[tilespmem:s29+$0xFFFFFFD0] =	vst v14;
	v17 =	vld.idx.msk [tilespmem:v17+s10+$0x0], $0xffff  }
0x258: {  	[tilespmem:s29+$0x60] =	vst v18;
	v16 =	vld.idx.msk [tilespmem:v38+s10+$0x0], $0xffff;
	v38 =	vor.u32 v58, v2  }
0x259: {  	[tilespmem:s29+$0x160] =	vst v12;
	v54 =	vor.u32 v22, v2;
	v19 =	vld.idx.msk [tilespmem:v39+s10+$0x0], $0xffff  }
0x25a: {  	[tilespmem:s29+$0xE0] =	vst v11;
	v39 =	vor.u32 v23, v2;
	v15 =	vld.idx.msk [tilespmem:v41+s10+$0x0], $0xffff  }
0x25b: {  	[tilespmem:s29+$0xFFFFFC60] =	vst v13;
	v41 =	vor.u32 v21, v2;
	v3 =	vld.idx.msk [tilespmem:v3+s10+$0x0], $0xffff  }
0x25c: {  	v5 =	vld.idx.msk [tilespmem:v5+s10+$0x0], $0xffff;
	[tilespmem:s29+$0xFFFFFCE0] =	vst v17  }
0x25d: {  	v21 =	vor.u32 v20, v2;
	[tilespmem:s29+$0x1E0] =	vst v16;
	v14 =	vld.idx.msk [tilespmem:v38+s10+$0x0], $0xffff  }
0x25e: {  	v22 =	vor.u32 v0, v2;
	v38 =	vld.idx.msk [tilespmem:v54+s10+$0x0], $0xffff;
	[tilespmem:s29+$0x260] =	vst v19  }
0x25f: {  	v23 =	vld.idx.msk [tilespmem:v39+s10+$0x0], $0xffff;
	[tilespmem:s29+$0x2E0] =	vst v15  }
0x260: {  	[tilespmem:s29+$0x360] =	vst v3;
	v3 =	vld.idx.msk [tilespmem:v41+s10+$0x0], $0xffff  }
0x261: {  	v4 =	vor.u32 v51, v4;
	v17 =	vld [tilespmem:$0x1FF30]  }
0x262: {  	v39 =	vld.idx.msk [tilespmem:v21+s10+$0x0], $0xffff  }
0x263: {  	v6 =	vor.u32 v59, v6;
	v41 =	vld.idx.msk [tilespmem:v22+s10+$0x0], $0xffff;
	[tilespmem:s29+$0xFFFFFD60] =	vst v14  }
0x264: {  	v20 =	vor.u32 v51, v2;
	v54 =	vld [tilespmem:$0x1FD50];
	[tilespmem:s29+$0xFFFFFDE0] =	vst v23  }
0x265: {  	v21 =	vor.u32 v59, v2;
	v14 =	vld [tilespmem:$0x1FDC0]  }
0x266: {  	[tilespmem:s29+$0xFFFFFE60] =	vst v3;
	v3 =	vld.idx.msk [tilespmem:v4+s10+$0x0], $0xffff;
	v7 =	vor.u32 v17, v7  }
0x267: {  	v19 =	vor.u32 v43, v2;
	v0 =	vld [tilespmem:$0x1FDF0]  }
0x268: {  	v6 =	vld.idx.msk [tilespmem:v6+s10+$0x0], $0xffff;
	[tilespmem:s29+$0xFFFFFEE0] =	vst v38;
	v22 =	vor.u32 v17, v2  }
0x269: {  	v11 =	vld.idx.msk [tilespmem:v20+s10+$0x0], $0xffff;
	[tilespmem:s29+$0xFFFFFF60] =	vst v39;
	v8 =	vor.u32 v54, v8  }
0x26a: {  	[tilespmem:s29+$0xFFFFFFE0] =	vst v41;
	v39 =	vld.idx.msk [tilespmem:v21+s10+$0x0], $0xffff;
	v9 =	vor.u32 v14, v9  }
0x26b: {  	[tilespmem:s29+$0x70] =	vst v5;
	v23 =	vor.u32 v14, v2;
	v7 =	vld.idx.msk [tilespmem:v7+s10+$0x0], $0xffff  }
0x26c: {  	[tilespmem:s29+$0xF0] =	vst v3;
	v3 =	vor.u32 v54, v2;
	v18 =	vor.u32 v0, v10;
	v10 =	vld.idx.msk [tilespmem:v19+s10+$0x0], $0xffff  }
0x26d: {  	[tilespmem:s29+$0x170] =	vst v6;
	v5 =	vld.idx.msk [tilespmem:v22+s10+$0x0], $0xffff  }
0x26e: {  	[tilespmem:s29+$0xFFFFFCF0] =	vst v11;
	v38 =	vor.u32 v0, v2;
	v8 =	vld.idx.msk [tilespmem:v8+s10+$0x0], $0xffff  }
0x26f: {  	v2 =	vor.u32 v25, v2;
	[tilespmem:s29+$0xFFFFFD70] =	vst v39;
	v9 =	vld.idx.msk [tilespmem:v9+s10+$0x0], $0xffff  }
0x270: {  	v41 =	vld.idx.msk [tilespmem:v23+s10+$0x0], $0xffff;
	[tilespmem:s29+$0x1F0] =	vst v7  }
0x271: {  	v3 =	vld.idx.msk [tilespmem:v3+s10+$0x0], $0xffff;
	[tilespmem:s29+$0xFFFFFC70] =	vst v10  }
0x272: {  	v4 =	vld.idx.msk [tilespmem:v18+s10+$0x0], $0xffff;
	[tilespmem:s29+$0xFFFFFDF0] =	vst v5  }
0x273: {  	v54 =	vld.idx.msk [tilespmem:v38+s10+$0x0], $0xffff;
	[tilespmem:s29+$0x270] =	vst v8  }
0x274: {  	v2 =	vld.idx.msk [tilespmem:v2+s10+$0x0], $0xffff;
	[tilespmem:s29+$0x2F0] =	vst v9  }
0x275: {  	s26 =	sadd.s32 s5, s22;
	p1 =	sne.s32 s21, $0x63;
	[tilespmem:s29+$0xFFFFFEF0] =	vst v41  }
.Ltmp1:
0x276: {  	s30 =	sshll.u32 s23, $0x14;
	s26 =	sshll.u32 s26, $0xA;
	[tilespmem:s29+$0xFFFFFE70] =	vst v3;
	(pc) =	sbr.rel @p1 .LBB2_6-.Ltmp1, $4  }
0x277: {  	s26 =	sadd.s32 s30, s26;
	[tilespmem:s29+$0x370] =	vst v4  }
0x278: {  	s26 =	sshrl.u32 s26, $0x3;
	[tilespmem:s29+$0xFFFFFF70] =	vst v54  }
0x279: {  	s31 =	sadd.s32 s2, s26;
	[tilespmem:s29+$0xFFFFFFF0] =	vst v2  }
0x27a: {  	v30 =	vmovc v60;
	v26 =	vmovc v46;
	v0 =	vmov v52;
	v41 =	vmov v33;
	v33 =	vmov v61;
	[hbm4b:s31+s13] =	stream.strided.scatter [tilespmem:s15], [sflag:$0x3], $0x2000, s14, s13, $0x38;
	[tilespmem:$0xE400] =	vst v63  }
.Ltmp2:
0x27b: {  	(pc) =	sbr.rel .LBB2_7-.Ltmp2, $4  }
0x27c: {  	_ = 	snop  }
0x27d: {  	_ =	swait.ge [sflag:s16], $0x2000  }
0x27e: {  	[sflag:s16] =	ssyncset.done $0x0  }
0x27f: {  	[sflag:s16] =	ssyncadd.s32 $0xFFFFE000  }
.LBB2_6:
.Ltmp3:
0x280: {  	s24 =	sadd.s32 $0x100, s24;
	(pc) =	sbr.rel @p0 .LBB2_8-.Ltmp3, $4  }
0x281: {  	[tilespmem:s10], [sflag:$0x1] =	stream.indirect.gather [hbm4b:s4+s9], $0x40, s24, s9, $0xb8;
	[tilespmem:$0xE400] =	vst v63  }
0x282: {  	_ =	swait.ge [sflag:s16], $0x2000  }
0x283: {  	[sflag:s16] =	ssyncset.done $0x0  }
0x284: {  	[sflag:s16] =	ssyncadd.s32 $0xFFFFE000  }
.LBB2_7:
0x285: {  	_ =	swait.ge [sflag:s17], $0x2000  }
0x286: {  	[sflag:s17] =	ssyncset.done $0x0  }
0x287: {  	[sflag:s17] =	ssyncadd.s32 $0xFFFFE000  }
.LBB2_8:
0x288: {  	s24 =	simm.s32 $0x0  }
0x289: {  	v2 =	vmov s24  }
0x28a: {  	v2 =	vshrl.u32 v2, $0x3  }
0x28b: {  	s26 =	simm.s32 $0x8;
	v2 =	vshll.u32 v2, v1  }
0x28c: {  	s28 =	simm.s32 $0x9;
	s25 =	simm.s32 $0xA;
	s29 =	simm.s32 $0xC;
	v3 =	vmov s26;
	v11 =	vbroadcast v2, $0x0  }
0x28d: {  	s30 =	simm.s32 $0xD;
	s26 =	simm.s32 $0xB;
	v4 =	vmov s28;
	v5 =	vmov s25;
	v7 =	vmov s29  }
0x28e: {  	s31 =	simm.s32 $0xE;
	v8 =	vmov s30;
	v6 =	vmov s26;
	v2 =	vor.u32 v34, v11  }
0x28f: {  	v9 =	vmov s31;
	v14 =	vshrl.u32 v6, $0x3;
	v6 =	vor.u32 v32, v11  }
0x290: {  	v3 =	vshrl.u32 v3, $0x3;
	v4 =	vshrl.u32 v4, $0x3;
	v10 =	vor.u32 v31, v11  }
0x291: {  	v13 =	vshrl.u32 v5, $0x3;
	v15 =	vshrl.u32 v7, $0x3;
	v16 =	vshrl.u32 v8, $0x3;
	s26 =	simm.s32 $0xF  }
0x292: {  	v9 =	vshrl.u32 v9, $0x3;
	v5 =	vmov s26;
	v7 =	vor.u32 v26, v11  }
0x293: {  	v4 =	vshll.u32 v4, v1;
	v12 =	vor.u32 v30, v11;
	v8 =	vor.u32 v27, v11;
	v17 =	vld.idx.msk [tilespmem:v2+s11+$0x0], $0xffff  }
0x294: {  	v2 =	vshll.u32 v3, v1;
	v3 =	vshrl.u32 v5, $0x3;
	v19 =	vld.idx.msk [tilespmem:v6+s11+$0x0], $0xffff;
	v6 =	vbroadcast v4, $0x0  }
0x295: {  	v18 =	vld.idx.msk [tilespmem:v10+s11+$0x0], $0xffff;
	v10 =	vor.u32 v28, v11;
	v5 =	vbroadcast v2, $0x0;
	v2 =	vshll.u32 v3, v1  }
0x296: {  	v46 =	vld [tilespmem:$0x1FCB0];
	v4 =	vshll.u32 v13, v1;
	v2 =	vbroadcast v2, $0x0;
	v22 =	vor.u32 v31, v6  }
0x297: {  	v13 =	vld.idx.msk [tilespmem:v7+s11+$0x0], $0xffff;
	v7 =	vbroadcast v4, $0x0;
	v4 =	vshll.u32 v14, v1;
	v20 =	vor.u32 v34, v5  }
0x298: {  	v21 =	vld.idx.msk [tilespmem:v8+s11+$0x0], $0xffff;
	v8 =	vbroadcast v4, $0x0;
	v4 =	vshll.u32 v15, v1;
	v14 =	vor.u32 v29, v2  }
0x299: {  	v9 =	vshll.u32 v9, v1;
	v3 =	vld.idx.msk [tilespmem:v12+s11+$0x0], $0xffff;
	v23 =	vor.u32 v30, v7;
	v4 =	vbroadcast v4, $0x0  }
0x29a: {  	v9 =	vbroadcast v9, $0x0;
	v15 =	vld.idx.msk [tilespmem:v10+s11+$0x0], $0xffff;
	v10 =	vshll.u32 v16, v1;
	v16 =	vor.u32 v32, v8  }
0x29b: {  	v24 =	vor.u32 v26, v4;
	v10 =	vbroadcast v10, $0x0;
	v22 =	vld.idx.msk [tilespmem:v22+s11+$0x0], $0xffff  }
0x29c: {  	v26 =	vor.u32 v28, v9;
	v20 =	vld.idx.msk [tilespmem:v20+s11+$0x0], $0xffff  }
0x29d: {  	v25 =	vor.u32 v27, v10;
	v14 =	vld.idx.msk [tilespmem:v14+s11+$0x0], $0xffff  }
0x29e: {  	v23 =	vld.idx.msk [tilespmem:v23+s11+$0x0], $0xffff  }
0x29f: {  	v27 =	vor.u32 v46, v2;
	v16 =	vld.idx.msk [tilespmem:v16+s11+$0x0], $0xffff  }
0x2a0: {  	s24 =	simm.s32 $0xC800;
	v24 =	vld.idx.msk [tilespmem:v24+s11+$0x0], $0xffff  }
0x2a1: {  	v26 =	vld.idx.msk [tilespmem:v26+s11+$0x0], $0xffff;
	[tilespmem:s24+$0x0] =	vst v20  }
0x2a2: {  	v25 =	vld.idx.msk [tilespmem:v25+s11+$0x0], $0xffff;
	[tilespmem:s24+$0x380] =	vst v14  }
0x2a3: {  	v12 =	vor.u32 v29, v11;
	v54 =	vld [tilespmem:$0x1FE00]  }
0x2a4: {  	v28 =	vor.u32 v35, v5;
	v27 =	vld.idx.msk [tilespmem:v27+s11+$0x0], $0xffff;
	[tilespmem:s24+$0x80] =	vst v22  }
0x2a5: {  	v29 =	vor.u32 v41, v6;
	v60 =	vld [tilespmem:$0x1FD60];
	[tilespmem:s24+$0x100] =	vst v23  }
0x2a6: {  	v30 =	vor.u32 v0, v7;
	v31 =	vld [tilespmem:$0x1FCC0];
	[tilespmem:s24+$0x180] =	vst v16  }
0x2a7: {  	v14 =	vor.u32 v33, v8;
	v38 =	vld [tilespmem:$0x1FDD0];
	[tilespmem:s24+$0x200] =	vst v24  }
0x2a8: {  	v12 =	vld.idx.msk [tilespmem:v12+s11+$0x0], $0xffff;
	[tilespmem:s24+$0x280] =	vst v25  }
0x2a9: {  	v28 =	vld.idx.msk [tilespmem:v28+s11+$0x0], $0xffff;
	v24 =	vor.u32 v35, v11;
	[tilespmem:s24+$0x300] =	vst v26  }
0x2aa: {  	v29 =	vld.idx.msk [tilespmem:v29+s11+$0x0], $0xffff;
	v25 =	vor.u32 v41, v11;
	[tilespmem:s24+$0xFFFFFC00] =	vst v17  }
0x2ab: {  	v30 =	vld.idx.msk [tilespmem:v30+s11+$0x0], $0xffff;
	v26 =	vor.u32 v33, v11;
	[tilespmem:s24+$0xFFFFFC80] =	vst v18  }
0x2ac: {  	v14 =	vld.idx.msk [tilespmem:v14+s11+$0x0], $0xffff;
	v20 =	vor.u32 v54, v4;
	[tilespmem:s24+$0x390] =	vst v27  }
0x2ad: {  	v61 =	vld [tilespmem:$0x1FCD0];
	v23 =	vor.u32 v31, v2  }
0x2ae: {  	v27 =	vor.u32 v0, v11;
	v24 =	vld.idx.msk [tilespmem:v24+s11+$0x0], $0xffff  }
0x2af: {  	v17 =	vor.u32 v54, v11;
	[tilespmem:s24+$0xFFFFFD80] =	vst v19;
	v25 =	vld.idx.msk [tilespmem:v25+s11+$0x0], $0xffff  }
0x2b0: {  	v22 =	vor.u32 v60, v10;
	v26 =	vld.idx.msk [tilespmem:v26+s11+$0x0], $0xffff  }
0x2b1: {  	[tilespmem:s24+$0xFFFFFD00] =	vst v3;
	v3 =	vor.u32 v60, v11;
	v20 =	vld.idx.msk [tilespmem:v20+s11+$0x0], $0xffff  }
0x2b2: {  	[tilespmem:s24+$0xFFFFFE00] =	vst v13;
	v13 =	vor.u32 v46, v11;
	v23 =	vld.idx.msk [tilespmem:v23+s11+$0x0], $0xffff  }
0x2b3: {  	v27 =	vld.idx.msk [tilespmem:v27+s11+$0x0], $0xffff;
	v18 =	vor.u32 v61, v2  }
0x2b4: {  	v17 =	vld.idx.msk [tilespmem:v17+s11+$0x0], $0xffff  }
0x2b5: {  	[tilespmem:s24+$0xFFFFFE80] =	vst v21;
	v16 =	vor.u32 v38, v9;
	v22 =	vld.idx.msk [tilespmem:v22+s11+$0x0], $0xffff  }
0x2b6: {  	[tilespmem:s24+$0xFFFFFF80] =	vst v12;
	v3 =	vld.idx.msk [tilespmem:v3+s11+$0x0], $0xffff  }
0x2b7: {  	v19 =	vor.u32 v38, v11;
	v13 =	vld.idx.msk [tilespmem:v13+s11+$0x0], $0xffff;
	[tilespmem:s24+$0x3A0] =	vst v23  }
0x2b8: {  	[tilespmem:s24+$0xFFFFFF00] =	vst v15;
	v18 =	vld.idx.msk [tilespmem:v18+s11+$0x0], $0xffff  }
0x2b9: {  	v60 =	vld [tilespmem:$0x1FCE0];
	[tilespmem:s24+$0x10] =	vst v28  }
0x2ba: {  	v21 =	vor.u32 v45, v6;
	v16 =	vld.idx.msk [tilespmem:v16+s11+$0x0], $0xffff;
	[tilespmem:s24+$0x90] =	vst v29  }
0x2bb: {  	v15 =	vor.u32 v53, v7;
	v38 =	vld [tilespmem:$0x1FE10]  }
0x2bc: {  	v19 =	vld.idx.msk [tilespmem:v19+s11+$0x0], $0xffff;
	[tilespmem:s24+$0x110] =	vst v30  }
0x2bd: {  	v23 =	vor.u32 v44, v5;
	v33 =	vld [tilespmem:$0x1FD70];
	[tilespmem:s24+$0x3B0] =	vst v18  }
0x2be: {  	v28 =	vor.u32 v62, v8;
	v39 =	vld [tilespmem:$0x1FDE0];
	[tilespmem:s24+$0x190] =	vst v14  }
0x2bf: {  	v21 =	vld.idx.msk [tilespmem:v21+s11+$0x0], $0xffff;
	v12 =	vor.u32 v60, v2;
	[tilespmem:s24+$0x210] =	vst v20  }
0x2c0: {  	v15 =	vld.idx.msk [tilespmem:v15+s11+$0x0], $0xffff;
	v29 =	vor.u32 v38, v4;
	[tilespmem:s24+$0x290] =	vst v22  }
0x2c1: {  	v14 =	vor.u32 v44, v11;
	v46 =	vld [tilespmem:$0x1FCF0]  }
0x2c2: {  	v23 =	vld.idx.msk [tilespmem:v23+s11+$0x0], $0xffff;
	v20 =	vor.u32 v45, v11  }
0x2c3: {  	v30 =	vor.u32 v33, v10;
	v28 =	vld.idx.msk [tilespmem:v28+s11+$0x0], $0xffff  }
0x2c4: {  	[tilespmem:s24+$0x310] =	vst v16;
	v16 =	vor.u32 v53, v11;
	v12 =	vld.idx.msk [tilespmem:v12+s11+$0x0], $0xffff  }
0x2c5: {  	[tilespmem:s24+$0xFFFFFC10] =	vst v24;
	v24 =	vor.u32 v62, v11;
	v29 =	vld.idx.msk [tilespmem:v29+s11+$0x0], $0xffff  }
0x2c6: {  	[tilespmem:s24+$0xFFFFFC90] =	vst v25;
	v14 =	vld.idx.msk [tilespmem:v14+s11+$0x0], $0xffff;
	v22 =	vor.u32 v46, v2  }
0x2c7: {  	v20 =	vld.idx.msk [tilespmem:v20+s11+$0x0], $0xffff  }
0x2c8: {  	[tilespmem:s24+$0xFFFFFD10] =	vst v27;
	v30 =	vld.idx.msk [tilespmem:v30+s11+$0x0], $0xffff  }
0x2c9: {  	v25 =	vor.u32 v38, v11;
	[tilespmem:s24+$0xFFFFFD90] =	vst v26;
	v16 =	vld.idx.msk [tilespmem:v16+s11+$0x0], $0xffff  }
0x2ca: {  	v18 =	vor.u32 v39, v9;
	v24 =	vld.idx.msk [tilespmem:v24+s11+$0x0], $0xffff;
	[tilespmem:s24+$0x3C0] =	vst v12  }
0x2cb: {  	[tilespmem:s24+$0xFFFFFE10] =	vst v17;
	v27 =	vor.u32 v39, v11;
	v22 =	vld.idx.msk [tilespmem:v22+s11+$0x0], $0xffff  }
0x2cc: {  	v54 =	vld [tilespmem:$0x1FD00];
	[tilespmem:s24+$0xFFFFFE90] =	vst v3  }
0x2cd: {  	v52 =	vld [tilespmem:$0x1FFF0];
	[tilespmem:s24+$0xFFFFFF10] =	vst v19  }
0x2ce: {  	v25 =	vld.idx.msk [tilespmem:v25+s11+$0x0], $0xffff;
	[tilespmem:s24+$0xFFFFFF90] =	vst v13  }
0x2cf: {  	v26 =	vor.u32 v31, v11;
	v18 =	vld.idx.msk [tilespmem:v18+s11+$0x0], $0xffff;
	[tilespmem:s24+$0x20] =	vst v23  }
0x2d0: {  	v12 =	vor.u32 v33, v11;
	v27 =	vld.idx.msk [tilespmem:v27+s11+$0x0], $0xffff;
	[tilespmem:s24+$0x3D0] =	vst v22  }
0x2d1: {  	v62 =	vld [tilespmem:$0x1FD10];
	[tilespmem:s24+$0xA0] =	vst v21  }
0x2d2: {  	v17 =	vor.u32 v54, v2;
	v53 =	vld [tilespmem:$0x1FD80];
	[tilespmem:s24+$0x120] =	vst v15  }
0x2d3: {  	v19 =	vor.u32 v47, v6;
	v38 =	vld [tilespmem:$0x1FC50]  }
0x2d4: {  	v13 =	vor.u32 v55, v7;
	v26 =	vld.idx.msk [tilespmem:v26+s11+$0x0], $0xffff  }
0x2d5: {  	v12 =	vld.idx.msk [tilespmem:v12+s11+$0x0], $0xffff;
	v3 =	vor.u32 v52, v5;
	[tilespmem:s24+$0x1A0] =	vst v28  }
0x2d6: {  	v22 =	vor.u32 v63, v8;
	v0 =	vld [tilespmem:$0x1FC60];
	[tilespmem:s24+$0x220] =	vst v29  }
0x2d7: {  	v17 =	vld.idx.msk [tilespmem:v17+s11+$0x0], $0xffff;
	[tilespmem:s24+$0xFFFFFE20] =	vst v25;
	v25 =	vor.u32 v61, v11  }
0x2d8: {  	v19 =	vld.idx.msk [tilespmem:v19+s11+$0x0], $0xffff;
	[tilespmem:s24+$0x2A0] =	vst v30;
	v15 =	vor.u32 v38, v2  }
0x2d9: {  	v13 =	vld.idx.msk [tilespmem:v13+s11+$0x0], $0xffff;
	[tilespmem:s24+$0x320] =	vst v18;
	v23 =	vor.u32 v62, v4  }
0x2da: {  	[tilespmem:s24+$0xFFFFFC20] =	vst v14;
	v31 =	vld.idx.msk [tilespmem:v3+s11+$0x0], $0xffff;
	v3 =	vor.u32 v53, v10  }
0x2db: {  	[tilespmem:s24+$0xFFFFFFA0] =	vst v26;
	v22 =	vld.idx.msk [tilespmem:v22+s11+$0x0], $0xffff;
	v21 =	vor.u32 v0, v9  }
0x2dc: {  	v28 =	vor.u32 v52, v11;
	[tilespmem:s24+$0x3E0] =	vst v17;
	v25 =	vld.idx.msk [tilespmem:v25+s11+$0x0], $0xffff  }
0x2dd: {  	v29 =	vor.u32 v47, v11;
	[tilespmem:s24+$0xFFFFFCA0] =	vst v20;
	v15 =	vld.idx.msk [tilespmem:v15+s11+$0x0], $0xffff  }
0x2de: {  	[tilespmem:s24+$0xFFFFFD20] =	vst v16;
	v23 =	vld.idx.msk [tilespmem:v23+s11+$0x0], $0xffff  }
0x2df: {  	[tilespmem:s24+$0xFFFFFDA0] =	vst v24;
	v30 =	vld.idx.msk [tilespmem:v3+s11+$0x0], $0xffff  }
0x2e0: {  	[tilespmem:s24+$0xFFFFFEA0] =	vst v12;
	v18 =	vld.idx.msk [tilespmem:v21+s11+$0x0], $0xffff  }
0x2e1: {  	s28 =	simm.s32 $0x10;
	[tilespmem:s24+$0xFFFFFF20] =	vst v27;
	v21 =	vld.idx.msk [tilespmem:v28+s11+$0x0], $0xffff  }
0x2e2: {  	v2 =	vmov s28;
	v17 =	vor.u32 v55, v11;
	v28 =	vld.idx.msk [tilespmem:v29+s11+$0x0], $0xffff;
	[tilespmem:s24+$0x3F0] =	vst v15  }
0x2e3: {  	v2 =	vshrl.u32 v2, $0x3;
	v3 =	vor.u32 v63, v11;
	v61 =	vld [tilespmem:$0x1FF00];
	[tilespmem:s24+$0x30] =	vst v31  }
0x2e4: {  	v14 =	vor.u32 v62, v11;
	v2 =	vshll.u32 v2, v1;
	v31 =	vld [tilespmem:$0x1FD20];
	[tilespmem:s24+$0xB0] =	vst v19  }
0x2e5: {  	v16 =	vor.u32 v53, v11;
	v2 =	vbroadcast v2, $0x0;
	v62 =	vld [tilespmem:$0x1FD90];
	[tilespmem:s24+$0x130] =	vst v13  }
0x2e6: {  	v24 =	vor.u32 v0, v11;
	v0 =	vld [tilespmem:$0x1FC70];
	[tilespmem:s24+$0x1B0] =	vst v22  }
0x2e7: {  	v20 =	vor.u32 v34, v2;
	v17 =	vld.idx.msk [tilespmem:v17+s11+$0x0], $0xffff;
	[tilespmem:s24+$0x230] =	vst v23  }
0x2e8: {  	v29 =	vld.idx.msk [tilespmem:v3+s11+$0x0], $0xffff;
	[tilespmem:s24+$0x2B0] =	vst v30  }
0x2e9: {  	v12 =	vor.u32 v48, v6;
	v14 =	vld.idx.msk [tilespmem:v14+s11+$0x0], $0xffff;
	[tilespmem:s24+$0x330] =	vst v18  }
0x2ea: {  	v16 =	vld.idx.msk [tilespmem:v16+s11+$0x0], $0xffff;
	[tilespmem:s24+$0xFFFFFC30] =	vst v21  }
0x2eb: {  	v24 =	vld.idx.msk [tilespmem:v24+s11+$0x0], $0xffff;
	v15 =	vor.u32 v40, v5;
	[tilespmem:s24+$0xFFFFFCB0] =	vst v28  }
0x2ec: {  	v3 =	vld.idx.msk [tilespmem:v20+s11+$0x0], $0xffff;
	v20 =	vor.u32 v56, v7;
	[tilespmem:s24+$0xFFFFFD30] =	vst v17  }
0x2ed: {  	[tilespmem:s24+$0xFFFFFDB0] =	vst v29  }
0x2ee: {  	v12 =	vld.idx.msk [tilespmem:v12+s11+$0x0], $0xffff;
	v22 =	vor.u32 v40, v11;
	[tilespmem:s24+$0xFFFFFE30] =	vst v14  }
0x2ef: {  	v23 =	vor.u32 v48, v11;
	v41 =	vld [tilespmem:$0x1FF40];
	[tilespmem:s24+$0xFFFFFEB0] =	vst v16  }
0x2f0: {  	v30 =	vor.u32 v56, v11;
	v15 =	vld.idx.msk [tilespmem:v15+s11+$0x0], $0xffff;
	[tilespmem:s24+$0xFFFFFF30] =	vst v24  }
0x2f1: {  	v29 =	vor.u32 v60, v11;
	v20 =	vld.idx.msk [tilespmem:v20+s11+$0x0], $0xffff;
	[tilespmem:s24+$0xFFFFFFB0] =	vst v25  }
0x2f2: {  	v26 =	vor.u32 v61, v8;
	v63 =	vld [tilespmem:$0x1FF10]  }
0x2f3: {  	v18 =	vor.u32 v61, v11;
	v22 =	vld.idx.msk [tilespmem:v22+s11+$0x0], $0xffff  }
0x2f4: {  	v23 =	vld.idx.msk [tilespmem:v23+s11+$0x0], $0xffff  }
0x2f5: {  	v30 =	vld.idx.msk [tilespmem:v30+s11+$0x0], $0xffff  }
0x2f6: {  	v29 =	vld.idx.msk [tilespmem:v29+s11+$0x0], $0xffff  }
0x2f7: {  	v27 =	vor.u32 v31, v4;
	v26 =	vld.idx.msk [tilespmem:v26+s11+$0x0], $0xffff  }
0x2f8: {  	v21 =	vor.u32 v31, v11;
	[tilespmem:s24+$0x40] =	vst v15;
	v18 =	vld.idx.msk [tilespmem:v18+s11+$0x0], $0xffff  }
0x2f9: {  	v19 =	vor.u32 v62, v10;
	v31 =	vld [tilespmem:$0x1FD30];
	[tilespmem:s24+$0xC0] =	vst v12  }
0x2fa: {  	v28 =	vor.u32 v62, v11;
	v39 =	vld [tilespmem:$0x1FDA0];
	[tilespmem:s24+$0x140] =	vst v20  }
0x2fb: {  	v13 =	vor.u32 v0, v9;
	v17 =	vor.u32 v0, v11;
	v0 =	vld [tilespmem:$0x1FC80];
	[tilespmem:s24+$0xFFFFFC40] =	vst v22  }
0x2fc: {  	v27 =	vld.idx.msk [tilespmem:v27+s11+$0x0], $0xffff;
	[tilespmem:s24+$0xFFFFFCC0] =	vst v23  }
0x2fd: {  	v21 =	vld.idx.msk [tilespmem:v21+s11+$0x0], $0xffff;
	[tilespmem:s24+$0xFFFFFD40] =	vst v30  }
0x2fe: {  	v16 =	vor.u32 v49, v6;
	v19 =	vld.idx.msk [tilespmem:v19+s11+$0x0], $0xffff;
	[tilespmem:s24+$0xFFFFFFC0] =	vst v29  }
0x2ff: {  	v24 =	vor.u32 v57, v7;
	v28 =	vld.idx.msk [tilespmem:v28+s11+$0x0], $0xffff;
	[tilespmem:s24+$0x1C0] =	vst v26  }
0x300: {  	v14 =	vor.u32 v41, v5;
	v13 =	vld.idx.msk [tilespmem:v13+s11+$0x0], $0xffff;
	[tilespmem:s24+$0xFFFFFDC0] =	vst v18  }
0x301: {  	v25 =	vor.u32 v63, v8;
	v17 =	vld.idx.msk [tilespmem:v17+s11+$0x0], $0xffff;
	[tilespmem:s24+$0x240] =	vst v27  }
0x302: {  	[tilespmem:s24+$0xFFFFFE40] =	vst v21  }
0x303: {  	v16 =	vld.idx.msk [tilespmem:v16+s11+$0x0], $0xffff;
	v15 =	vor.u32 v31, v4;
	[tilespmem:s24+$0x2C0] =	vst v19  }
0x304: {  	v24 =	vld.idx.msk [tilespmem:v24+s11+$0x0], $0xffff;
	v26 =	vor.u32 v41, v11;
	[tilespmem:s24+$0xFFFFFEC0] =	vst v28  }
0x305: {  	v14 =	vld.idx.msk [tilespmem:v14+s11+$0x0], $0xffff;
	v22 =	vor.u32 v31, v11;
	[tilespmem:s24+$0x340] =	vst v13  }
0x306: {  	v18 =	vor.u32 v46, v11;
	v25 =	vld.idx.msk [tilespmem:v25+s11+$0x0], $0xffff;
	[tilespmem:s24+$0xFFFFFF40] =	vst v17  }
0x307: {  	v46 =	vld [tilespmem:$0x1FF20]  }
0x308: {  	v12 =	vor.u32 v39, v10;
	v15 =	vld.idx.msk [tilespmem:v15+s11+$0x0], $0xffff  }
0x309: {  	v26 =	vld.idx.msk [tilespmem:v26+s11+$0x0], $0xffff  }
0x30a: {  	v22 =	vld.idx.msk [tilespmem:v22+s11+$0x0], $0xffff  }
0x30b: {  	v27 =	vor.u32 v49, v11;
	[tilespmem:s24+$0x50] =	vst v14;
	v18 =	vld.idx.msk [tilespmem:v18+s11+$0x0], $0xffff  }
0x30c: {  	v23 =	vor.u32 v39, v11;
	v31 =	vld [tilespmem:$0x1FD40]  }
0x30d: {  	v20 =	vor.u32 v0, v9;
	[tilespmem:s24+$0xD0] =	vst v16;
	v12 =	vld.idx.msk [tilespmem:v12+s11+$0x0], $0xffff  }
0x30e: {  	v19 =	vor.u32 v57, v11;
	v53 =	vld [tilespmem:$0x1FDB0];
	[tilespmem:s24+$0x150] =	vst v24  }
0x30f: {  	v30 =	vor.u32 v0, v11;
	v0 =	vld [tilespmem:$0x1FC90];
	[tilespmem:s24+$0x1D0] =	vst v25  }
0x310: {  	v13 =	vor.u32 v63, v11;
	v27 =	vld.idx.msk [tilespmem:v27+s11+$0x0], $0xffff;
	[tilespmem:s24+$0x250] =	vst v15  }
0x311: {  	v21 =	vor.u32 v42, v5;
	v23 =	vld.idx.msk [tilespmem:v23+s11+$0x0], $0xffff;
	[tilespmem:s24+$0xFFFFFC50] =	vst v26  }
0x312: {  	v28 =	vor.u32 v50, v6;
	v20 =	vld.idx.msk [tilespmem:v20+s11+$0x0], $0xffff;
	[tilespmem:s24+$0xFFFFFE50] =	vst v22  }
0x313: {  	v17 =	vor.u32 v58, v7;
	v19 =	vld.idx.msk [tilespmem:v19+s11+$0x0], $0xffff;
	[tilespmem:s24+$0xFFFFFFD0] =	vst v18  }
0x314: {  	v30 =	vld.idx.msk [tilespmem:v30+s11+$0x0], $0xffff;
	v25 =	vor.u32 v42, v11;
	[tilespmem:s24+$0x2D0] =	vst v12  }
0x315: {  	v13 =	vld.idx.msk [tilespmem:v13+s11+$0x0], $0xffff;
	v29 =	vor.u32 v46, v8;
	[tilespmem:s24+$0xFFFFFCD0] =	vst v27  }
0x316: {  	v21 =	vld.idx.msk [tilespmem:v21+s11+$0x0], $0xffff;
	[tilespmem:s24+$0xFFFFFED0] =	vst v23  }
0x317: {  	v28 =	vld.idx.msk [tilespmem:v28+s11+$0x0], $0xffff;
	v14 =	vor.u32 v31, v4;
	[tilespmem:s24+$0x350] =	vst v20  }
0x318: {  	v17 =	vld.idx.msk [tilespmem:v17+s11+$0x0], $0xffff;
	v15 =	vor.u32 v50, v11;
	[tilespmem:s24+$0xFFFFFD50] =	vst v19  }
0x319: {  	v26 =	vor.u32 v31, v11;
	v25 =	vld.idx.msk [tilespmem:v25+s11+$0x0], $0xffff;
	[tilespmem:s24+$0xFFFFFF50] =	vst v30  }
0x31a: {  	[tilespmem:s24+$0xFFFFFDD0] =	vst v13;
	v29 =	vld.idx.msk [tilespmem:v29+s11+$0x0], $0xffff  }
0x31b: {  	v16 =	vor.u32 v53, v10;
	v63 =	vld [tilespmem:$0x1FF30]  }
0x31c: {  	v12 =	vor.u32 v58, v11;
	v14 =	vld.idx.msk [tilespmem:v14+s11+$0x0], $0xffff  }
0x31d: {  	v27 =	vor.u32 v53, v11;
	v15 =	vld.idx.msk [tilespmem:v15+s11+$0x0], $0xffff  }
0x31e: {  	[tilespmem:s24+$0x60] =	vst v21;
	v26 =	vld.idx.msk [tilespmem:v26+s11+$0x0], $0xffff  }
0x31f: {  	v24 =	vor.u32 v0, v9;
	v19 =	vor.u32 v0, v11;
	v0 =	vld [tilespmem:$0x1FD50]  }
0x320: {  	v16 =	vld.idx.msk [tilespmem:v16+s11+$0x0], $0xffff  }
0x321: {  	v20 =	vor.u32 v46, v11;
	v31 =	vld.idx.msk [tilespmem:v12+s11+$0x0], $0xffff  }
0x322: {  	[tilespmem:s24+$0xE0] =	vst v28;
	v23 =	vld.idx.msk [tilespmem:v27+s11+$0x0], $0xffff  }
0x323: {  	v5 =	vor.u32 v43, v5;
	v22 =	vld [tilespmem:$0x1FDC0];
	[tilespmem:s24+$0x160] =	vst v17  }
0x324: {  	v6 =	vor.u32 v51, v6;
	v60 =	vld [tilespmem:$0x1FDF0];
	[tilespmem:s24+$0xFFFFFC60] =	vst v25  }
0x325: {  	v12 =	vor.u32 v54, v11;
	v24 =	vld.idx.msk [tilespmem:v24+s11+$0x0], $0xffff;
	[tilespmem:s24+$0x1E0] =	vst v29  }
0x326: {  	v7 =	vor.u32 v59, v7;
	v20 =	vld.idx.msk [tilespmem:v20+s11+$0x0], $0xffff;
	[tilespmem:s24+$0x260] =	vst v14  }
0x327: {  	v30 =	vld.idx.msk [tilespmem:v19+s11+$0x0], $0xffff;
	v19 =	vor.u32 v51, v11;
	[tilespmem:s24+$0xFFFFFCE0] =	vst v15  }
0x328: {  	v13 =	vor.u32 v0, v4;
	v4 =	vld.idx.msk [tilespmem:v5+s11+$0x0], $0xffff;
	[tilespmem:s24+$0xFFFFFE60] =	vst v26  }
0x329: {  	v21 =	vor.u32 v59, v11;
	v5 =	vld.idx.msk [tilespmem:v6+s11+$0x0], $0xffff;
	[tilespmem:s24+$0x2E0] =	vst v16  }
0x32a: {  	v8 =	vor.u32 v63, v8;
	v12 =	vld.idx.msk [tilespmem:v12+s11+$0x0], $0xffff;
	[tilespmem:s24+$0xFFFFFD60] =	vst v31  }
0x32b: {  	v18 =	vor.u32 v22, v10;
	v10 =	vld.idx.msk [tilespmem:v7+s11+$0x0], $0xffff;
	[tilespmem:s24+$0x360] =	vst v24  }
0x32c: {  	v17 =	vor.u32 v43, v11;
	v14 =	vld.idx.msk [tilespmem:v19+s11+$0x0], $0xffff;
	[tilespmem:s24+$0xFFFFFDE0] =	vst v20  }
0x32d: {  	v25 =	vor.u32 v0, v11;
	v0 =	vld [tilespmem:$0x1FE60]  }
0x32e: {  	v15 =	vld.idx.msk [tilespmem:v21+s11+$0x0], $0xffff  }
0x32f: {  	v16 =	vor.u32 v63, v11;
	v6 =	vld.idx.msk [tilespmem:v8+s11+$0x0], $0xffff  }
0x330: {  	s31 =	simm.s32 $0x1A;
	v7 =	vld.idx.msk [tilespmem:v13+s11+$0x0], $0xffff  }
0x331: {  	s30 =	simm.s32 $0x19;
	v28 =	vmov s31;
	v9 =	vor.u32 v60, v9;
	[tilespmem:s24+$0xFFFFFEE0] =	vst v23;
	v13 =	vld.idx.msk [tilespmem:v17+s11+$0x0], $0xffff  }
0x332: {  	v27 =	vmov s30;
	s30 =	simm.s32 $0x1D;
	v61 =	vor.u32 v22, v11;
	v19 =	vor.u32 v0, v2;
	v0 =	vld [tilespmem:$0x1FE50]  }
0x333: {  	s28 =	simm.s32 $0x1B;
	s31 =	simm.s32 $0x1E;
	v28 =	vshrl.u32 v28, $0x3;
	v27 =	vshrl.u32 v27, $0x3;
	v31 =	vmov s30;
	v8 =	vld.idx.msk [tilespmem:v18+s11+$0x0], $0xffff  }
0x334: {  	p0 =	seq.s32 s23, $0x31;
	s29 =	simm.s32 $0x18;
	v22 =	vor.u32 v60, v11;
	v24 =	vmov s31;
	v17 =	vmov s28;
	v16 =	vld.idx.msk [tilespmem:v16+s11+$0x0], $0xffff  }
0x335: {  	s23 =	sadd.s32 $0x1, s23;
	s25 =	simm.s32 $0x1;
	v45 =	vmovc v32;
	v21 =	vor.u32 v38, v11;
	v18 =	vmov s29;
	s29 =	simm.s32 $0x1C;
	v26 =	vshrl.u32 v17, $0x3;
	v17 =	vld.idx.msk [tilespmem:v25+s11+$0x0], $0xffff  }
0x336: {  	s23 =	simm.s32 @p0 $0x0;
	s25 =	simm.s32 @!p0 $0x0;
	v20 =	vor.u32 v45, v2;
	v23 =	vshrl.u32 v31, $0x3;
	v9 =	vld.idx.msk [tilespmem:v9+s11+$0x0], $0xffff;
	v62 =	vmov s29  }
0x337: {  	s22 =	sadd.s32 s25, s22;
	s26 =	simm.s32 $0x1F;
	s25 =	simm.s32 $0x20;
	v39 =	vmovc v52;
	v29 =	vshrl.u32 v18, $0x3;
	v18 =	vld.idx.msk [tilespmem:v61+s11+$0x0], $0xffff;
	[tilespmem:s24+$0xFFFFFF60] =	vst v30;
	v25 =	vshrl.u32 v62, $0x3;
	v11 =	vor.u32 v0, v2  }
.LBB2_9:
0x338: {  	v61 =	vld [tilespmem:$0x1FE40]  }
0x339: {  	v22 =	vld.idx.msk [tilespmem:v22+s11+$0x0], $0xffff  }
0x33a: {  	v46 =	vld [tilespmem:$0x1FE30]  }
0x33b: {  	v19 =	vld.idx.msk [tilespmem:v19+s11+$0x0], $0xffff  }
0x33c: {  	v45 =	vld [tilespmem:$0x1FE20]  }
0x33d: {  	v38 =	vld [tilespmem:$0x1FCA0]  }
0x33e: {  	v20 =	vld.idx.msk [tilespmem:v20+s11+$0x0], $0xffff  }
0x33f: {  	v54 =	vld [tilespmem:$0x1FE60]  }
0x340: {  	v53 =	vld [tilespmem:$0x1FE50]  }
0x341: {  	v60 =	vld [tilespmem:$0x1FE70]  }
0x342: {  	v24 =	vshrl.u32 v24, $0x3;
	v31 =	vmov s26;
	[tilespmem:s24+$0xFFFFFFE0] =	vst v12;
	v44 =	vld [tilespmem:$0x1FEC0]  }
0x343: {  	v29 =	vshll.u32 v29, v1;
	v25 =	vshll.u32 v25, v1;
	v0 =	vld [tilespmem:$0x1FE90];
	v31 =	vshrl.u32 v31, $0x3;
	[tilespmem:s24+$0x70] =	vst v4  }
0x344: {  	v23 =	vshll.u32 v23, v1;
	v52 =	vld [tilespmem:$0x1FDD0];
	v4 =	vbroadcast v29, $0x0;
	v29 =	vshll.u32 v31, v1;
	[tilespmem:s24+$0xF0] =	vst v5  }
0x345: {  	v21 =	vld.idx.msk [tilespmem:v21+s11+$0x0], $0xffff;
	v5 =	vshll.u32 v27, v1;
	[tilespmem:s24+$0x370] =	vst v9;
	v9 =	vbroadcast v23, $0x0;
	v30 =	vor.u32 v61, v2  }
0x346: {  	v31 =	vld.idx.msk [tilespmem:v11+s11+$0x0], $0xffff;
	v27 =	vshll.u32 v28, v1;
	[tilespmem:s24+$0x2F0] =	vst v8;
	v8 =	vbroadcast v25, $0x0;
	v12 =	vor.u32 v46, v2  }
0x347: {  	[tilespmem:s24+$0xFFFFFCF0] =	vst v14;
	v32 =	vor.u32 v45, v2;
	v11 =	vbroadcast v29, $0x0;
	v14 =	vor.u32 v46, v9;
	v46 =	vld [tilespmem:$0x1FD60]  }
0x348: {  	v23 =	vshll.u32 v24, v1;
	v33 =	vor.u32 v38, v2;
	v24 =	vor.u32 v61, v8;
	v61 =	vld [tilespmem:$0x1FD70]  }
0x349: {  	[tilespmem:s24+$0x1F0] =	vst v6;
	v6 =	vbroadcast v27, $0x0;
	v27 =	vor.u32 v38, v11;
	v38 =	vld [tilespmem:$0x1FC50]  }
0x34a: {  	v28 =	vld.idx.msk [tilespmem:v30+s11+$0x0], $0xffff  }
0x34b: {  	v26 =	vshll.u32 v26, v1;
	[tilespmem:s24+$0x170] =	vst v10;
	v10 =	vor.u32 v34, v4;
	v12 =	vld.idx.msk [tilespmem:v12+s11+$0x0], $0xffff  }
0x34c: {  	[tilespmem:s24+$0x270] =	vst v7;
	v7 =	vbroadcast v26, $0x0;
	v26 =	vld.idx.msk [tilespmem:v32+s11+$0x0], $0xffff  }
0x34d: {  	v5 =	vbroadcast v5, $0x0;
	v25 =	vld.idx.msk [tilespmem:v33+s11+$0x0], $0xffff  }
0x34e: {  	v32 =	vld [tilespmem:$0x1FE00]  }
0x34f: {  	[tilespmem:s24+$0xFFFFFC70] =	vst v13;
	v29 =	vor.u32 v54, v5;
	v33 =	vld [tilespmem:$0x1FCC0]  }
0x350: {  	[tilespmem:s24+$0xFFFFFD70] =	vst v15;
	v13 =	vld.idx.msk [tilespmem:v10+s11+$0x0], $0xffff  }
0x351: {  	[tilespmem:s24+$0xFFFFFDF0] =	vst v16;
	v30 =	vor.u32 v53, v6;
	v24 =	vld.idx.msk [tilespmem:v24+s11+$0x0], $0xffff  }
0x352: {  	v62 =	vor.u32 v60, v7;
	[tilespmem:s24+$0xFFFFFE70] =	vst v17;
	v14 =	vld.idx.msk [tilespmem:v14+s11+$0x0], $0xffff  }
0x353: {  	[tilespmem:s24+$0xFFFFFEF0] =	vst v18;
	v10 =	vbroadcast v23, $0x0;
	v23 =	vld.idx.msk [tilespmem:v27+s11+$0x0], $0xffff  }
0x354: {  	[tilespmem:s24+$0xFFFFFF70] =	vst v22;
	v15 =	vld.idx.msk [tilespmem:v29+s11+$0x0], $0xffff  }
0x355: {  	[tilespmem:s24+$0xFFFFFFF0] =	vst v21;
	s24 =	sadd.s32 $0x800, s24;
	v27 =	vor.u32 v45, v10;
	v45 =	vld [tilespmem:$0x1FCB0]  }
0x356: {  	[tilespmem:s24+$0xFFFFFD80] =	vst v20;
	v20 =	vor.u32 v52, v2;
	v16 =	vld.idx.msk [tilespmem:v30+s11+$0x0], $0xffff  }
0x357: {  	v17 =	vor.u32 v35, v4;
	[tilespmem:s24+$0xFFFFFC00] =	vst v3;
	v30 =	vld.idx.msk [tilespmem:v62+s11+$0x0], $0xffff  }
0x358: {  	v62 =	vld [tilespmem:$0x1FEA0];
	[tilespmem:s24+$0xFFFFFF00] =	vst v26  }
0x359: {  	v18 =	vor.u32 v44, v5;
	v3 =	vor.u32 v32, v2;
	[tilespmem:s24+$0x0] =	vst v13;
	v13 =	vor.u32 v32, v8;
	v32 =	vld [tilespmem:$0x1FCD0]  }
0x35a: {  	[tilespmem:s24+$0x200] =	vst v24;
	v24 =	vor.u32 v44, v2;
	v44 =	vld [tilespmem:$0x1FEB0]  }
0x35b: {  	v20 =	vld.idx.msk [tilespmem:v20+s11+$0x0], $0xffff  }
0x35c: {  	v17 =	vld.idx.msk [tilespmem:v17+s11+$0x0], $0xffff  }
0x35d: {  	[tilespmem:s24+$0x80] =	vst v15;
	v27 =	vld.idx.msk [tilespmem:v27+s11+$0x0], $0xffff  }
0x35e: {  	v21 =	vor.u32 v0, v7;
	v18 =	vld.idx.msk [tilespmem:v18+s11+$0x0], $0xffff  }
0x35f: {  	[tilespmem:s24+$0xFFFFFE00] =	vst v28;
	v29 =	vor.u32 v45, v11;
	v28 =	vor.u32 v45, v2;
	v45 =	vld [tilespmem:$0x1FCE0]  }
0x360: {  	v3 =	vld.idx.msk [tilespmem:v3+s11+$0x0], $0xffff  }
0x361: {  	v15 =	vor.u32 v46, v9;
	[tilespmem:s24+$0x180] =	vst v30;
	v30 =	vor.u32 v35, v2;
	v35 =	vld [tilespmem:$0x1FED0]  }
0x362: {  	[tilespmem:s24+$0x280] =	vst v14;
	v22 =	vor.u32 v62, v6;
	v14 =	vor.u32 v62, v2;
	v62 =	vld [tilespmem:$0x1FDE0]  }
0x363: {  	v21 =	vld.idx.msk [tilespmem:v21+s11+$0x0], $0xffff  }
0x364: {  	[tilespmem:s24+$0xFFFFFC80] =	vst v19;
	v13 =	vld.idx.msk [tilespmem:v13+s11+$0x0], $0xffff  }
0x365: {  	v24 =	vld.idx.msk [tilespmem:v24+s11+$0x0], $0xffff  }
0x366: {  	[tilespmem:s24+$0x380] =	vst v23;
	v15 =	vld.idx.msk [tilespmem:v15+s11+$0x0], $0xffff  }
0x367: {  	v23 =	vld.idx.msk [tilespmem:v29+s11+$0x0], $0xffff;
	v29 =	vor.u32 v52, v10  }
0x368: {  	[tilespmem:s24+$0xFFFFFF80] =	vst v25;
	v52 =	vld [tilespmem:$0x1FEE0]  }
0x369: {  	[tilespmem:s24+$0x100] =	vst v16;
	v28 =	vld.idx.msk [tilespmem:v28+s11+$0x0], $0xffff  }
0x36a: {  	[tilespmem:s24+$0xFFFFFD00] =	vst v31;
	v16 =	vor.u32 v33, v11;
	v22 =	vld.idx.msk [tilespmem:v22+s11+$0x0], $0xffff  }
0x36b: {  	[tilespmem:s24+$0x300] =	vst v27;
	v14 =	vld.idx.msk [tilespmem:v14+s11+$0x0], $0xffff  }
0x36c: {  	[tilespmem:s24+$0xFFFFFE80] =	vst v12;
	v12 =	vor.u32 v35, v5;
	v27 =	vld.idx.msk [tilespmem:v29+s11+$0x0], $0xffff  }
0x36d: {  	v26 =	vor.u32 v44, v6;
	v29 =	vld.idx.msk [tilespmem:v30+s11+$0x0], $0xffff  }
0x36e: {  	[tilespmem:s24+$0x390] =	vst v23;
	v23 =	vor.u32 v0, v2;
	v0 =	vld [tilespmem:$0x1FE80]  }
0x36f: {  	[tilespmem:s24+$0x10] =	vst v17;
	v16 =	vld.idx.msk [tilespmem:v16+s11+$0x0], $0xffff  }
0x370: {  	v19 =	vor.u32 v32, v11;
	[tilespmem:s24+$0x90] =	vst v18;
	v30 =	vor.u32 v46, v2;
	v46 =	vld [tilespmem:$0x1FE10]  }
0x371: {  	v12 =	vld.idx.msk [tilespmem:v12+s11+$0x0], $0xffff;
	[tilespmem:s24+$0x110] =	vst v22  }
0x372: {  	v31 =	vor.u32 v52, v4;
	[tilespmem:s24+$0xFFFFFD10] =	vst v14;
	v26 =	vld.idx.msk [tilespmem:v26+s11+$0x0], $0xffff  }
0x373: {  	v22 =	vor.u32 v61, v9;
	v23 =	vld.idx.msk [tilespmem:v23+s11+$0x0], $0xffff;
	[tilespmem:s24+$0x310] =	vst v27  }
0x374: {  	v14 =	vor.u32 v62, v2;
	v17 =	vor.u32 v0, v7;
	v27 =	vor.u32 v0, v2;
	v0 =	vld [tilespmem:$0x1FEF0];
	[tilespmem:s24+$0x3A0] =	vst v16  }
0x375: {  	[tilespmem:s24+$0xFFFFFF10] =	vst v20;
	v16 =	vld.idx.msk [tilespmem:v19+s11+$0x0], $0xffff  }
0x376: {  	v20 =	vor.u32 v47, v5;
	[tilespmem:s24+$0x290] =	vst v15;
	v19 =	vld.idx.msk [tilespmem:v30+s11+$0x0], $0xffff  }
0x377: {  	[tilespmem:s24+$0xFFFFFF90] =	vst v28;
	v28 =	vor.u32 v55, v6;
	v30 =	vld.idx.msk [tilespmem:v31+s11+$0x0], $0xffff  }
0x378: {  	v22 =	vld.idx.msk [tilespmem:v22+s11+$0x0], $0xffff  }
0x379: {  	[tilespmem:s24+$0xFFFFFC90] =	vst v24;
	v18 =	vor.u32 v46, v8;
	v14 =	vld.idx.msk [tilespmem:v14+s11+$0x0], $0xffff  }
0x37a: {  	v24 =	vor.u32 v46, v2;
	v31 =	vor.u32 v62, v10;
	[tilespmem:s24+$0xA0] =	vst v12;
	v62 =	vld [tilespmem:$0x1FD80]  }
0x37b: {  	v20 =	vld.idx.msk [tilespmem:v20+s11+$0x0], $0xffff;
	[tilespmem:s24+$0x120] =	vst v26  }
0x37c: {  	[tilespmem:s24+$0x190] =	vst v21;
	v28 =	vld.idx.msk [tilespmem:v28+s11+$0x0], $0xffff  }
0x37d: {  	[tilespmem:s24+$0x210] =	vst v13;
	v17 =	vld.idx.msk [tilespmem:v17+s11+$0x0], $0xffff  }
0x37e: {  	[tilespmem:s24+$0xFFFFFE10] =	vst v3;
	v13 =	vld.idx.msk [tilespmem:v18+s11+$0x0], $0xffff  }
0x37f: {  	v24 =	vld.idx.msk [tilespmem:v24+s11+$0x0], $0xffff  }
0x380: {  	v25 =	vor.u32 v45, v11;
	v18 =	vor.u32 v44, v2;
	[tilespmem:s24+$0xFFFFFD90] =	vst v23;
	v44 =	vld [tilespmem:$0x1FDB0]  }
0x381: {  	v23 =	vld.idx.msk [tilespmem:v27+s11+$0x0], $0xffff  }
0x382: {  	[tilespmem:s24+$0xFFFFFC10] =	vst v29;
	v29 =	vld.idx.msk [tilespmem:v31+s11+$0x0], $0xffff  }
0x383: {  	[tilespmem:s24+$0x3B0] =	vst v16;
	v16 =	vor.u32 v52, v2;
	v31 =	vor.u32 v61, v2;
	v61 =	vld [tilespmem:$0x1FD10]  }
0x384: {  	v52 =	vld [tilespmem:$0x1FC60]  }
0x385: {  	[tilespmem:s24+$0xFFFFFE90] =	vst v19;
	v19 =	vor.u32 v39, v4;
	v21 =	vld.idx.msk [tilespmem:v25+s11+$0x0], $0xffff  }
0x386: {  	v12 =	vor.u32 v62, v9;
	v25 =	vor.u32 v35, v2;
	v35 =	vld [tilespmem:$0x1FCF0]  }
0x387: {  	[tilespmem:s24+$0x20] =	vst v30;
	v18 =	vld.idx.msk [tilespmem:v18+s11+$0x0], $0xffff  }
0x388: {  	[tilespmem:s24+$0xFFFFFF20] =	vst v14;
	v14 =	vor.u32 v56, v6;
	v16 =	vld.idx.msk [tilespmem:v16+s11+$0x0], $0xffff  }
0x389: {  	[tilespmem:s24+$0x2A0] =	vst v22;
	v27 =	vld.idx.msk [tilespmem:v31+s11+$0x0], $0xffff  }
0x38a: {  	[tilespmem:s24+$0x130] =	vst v28;
	v19 =	vld.idx.msk [tilespmem:v19+s11+$0x0], $0xffff  }
0x38b: {  	[tilespmem:s24+$0x1A0] =	vst v17;
	v12 =	vld.idx.msk [tilespmem:v12+s11+$0x0], $0xffff  }
0x38c: {  	v22 =	vor.u32 v55, v2;
	[tilespmem:s24+$0xFFFFFDA0] =	vst v23;
	v17 =	vor.u32 v52, v10;
	v23 =	vor.u32 v52, v2;
	v52 =	vld [tilespmem:$0x1FD90]  }
0x38d: {  	v31 =	vor.u32 v0, v7;
	v14 =	vld.idx.msk [tilespmem:v14+s11+$0x0], $0xffff  }
0x38e: {  	v25 =	vld.idx.msk [tilespmem:v25+s11+$0x0], $0xffff  }
0x38f: {  	[tilespmem:s24+$0x3C0] =	vst v21;
	v21 =	vor.u32 v33, v2;
	v33 =	vld [tilespmem:$0x1FD00]  }
0x390: {  	v15 =	vor.u32 v35, v11;
	[tilespmem:s24+$0xFFFFFD20] =	vst v18;
	v18 =	vor.u32 v62, v2;
	v62 =	vld [tilespmem:$0x1FF00]  }
0x391: {  	v22 =	vld.idx.msk [tilespmem:v22+s11+$0x0], $0xffff  }
0x392: {  	v30 =	vor.u32 v39, v2;
	[tilespmem:s24+$0x320] =	vst v29;
	v31 =	vld.idx.msk [tilespmem:v31+s11+$0x0], $0xffff  }
0x393: {  	[tilespmem:s24+$0x220] =	vst v13;
	v13 =	vor.u32 v47, v2;
	v17 =	vld.idx.msk [tilespmem:v17+s11+$0x0], $0xffff  }
0x394: {  	[tilespmem:s24+$0xB0] =	vst v20;
	v23 =	vld.idx.msk [tilespmem:v23+s11+$0x0], $0xffff  }
0x395: {  	[tilespmem:s24+$0xFFFFFC20] =	vst v16;
	v16 =	vor.u32 v61, v2;
	v15 =	vld.idx.msk [tilespmem:v15+s11+$0x0], $0xffff  }
0x396: {  	[tilespmem:s24+$0xFFFFFE20] =	vst v24;
	v20 =	vor.u32 v52, v9;
	v21 =	vld.idx.msk [tilespmem:v21+s11+$0x0], $0xffff  }
0x397: {  	v30 =	vld.idx.msk [tilespmem:v30+s11+$0x0], $0xffff;
	[tilespmem:s24+$0xFFFFFCA0] =	vst v25  }
0x398: {  	[tilespmem:s24+$0xFFFFFEA0] =	vst v27;
	v3 =	vor.u32 v33, v11;
	v13 =	vld.idx.msk [tilespmem:v13+s11+$0x0], $0xffff  }
0x399: {  	v24 =	vor.u32 v32, v2;
	[tilespmem:s24+$0x2B0] =	vst v12;
	v18 =	vld.idx.msk [tilespmem:v18+s11+$0x0], $0xffff  }
0x39a: {  	v16 =	vld.idx.msk [tilespmem:v16+s11+$0x0], $0xffff;
	[tilespmem:s24+$0xFFFFFF30] =	vst v23  }
0x39b: {  	v20 =	vld.idx.msk [tilespmem:v20+s11+$0x0], $0xffff;
	v23 =	vor.u32 v57, v6;
	[tilespmem:s24+$0x3D0] =	vst v15  }
0x39c: {  	v12 =	vor.u32 v62, v2;
	v15 =	vor.u32 v61, v8;
	[tilespmem:s24+$0xFFFFFFA0] =	vst v21;
	v21 =	vor.u32 v62, v7;
	v62 =	vld [tilespmem:$0x1FF10]  }
0x39d: {  	v61 =	vor.u32 v40, v4;
	v3 =	vld.idx.msk [tilespmem:v3+s11+$0x0], $0xffff  }
0x39e: {  	[tilespmem:s24+$0x140] =	vst v14;
	v24 =	vld.idx.msk [tilespmem:v24+s11+$0x0], $0xffff  }
0x39f: {  	[tilespmem:s24+$0xFFFFFCB0] =	vst v13;
	v13 =	vor.u32 v52, v2;
	v52 =	vld [tilespmem:$0x1FDA0]  }
0x3a0: {  	v23 =	vld.idx.msk [tilespmem:v23+s11+$0x0], $0xffff  }
0x3a1: {  	v26 =	vor.u32 v38, v11;
	[tilespmem:s24+$0x30] =	vst v19;
	v11 =	vmov s25;
	v15 =	vld.idx.msk [tilespmem:v15+s11+$0x0], $0xffff  }
0x3a2: {  	v11 =	vshrl.u32 v11, $0x3;
	v27 =	vld.idx.msk [tilespmem:v61+s11+$0x0], $0xffff  }
0x3a3: {  	v11 =	vshll.u32 v11, v1;
	[tilespmem:s24+$0x1B0] =	vst v31;
	v61 =	vld [tilespmem:$0x1FC70]  }
0x3a4: {  	v11 =	vbroadcast v11, $0x0;
	[tilespmem:s24+$0xFFFFFEB0] =	vst v18;
	v21 =	vld.idx.msk [tilespmem:v21+s11+$0x0], $0xffff  }
0x3a5: {  	[tilespmem:s24+$0x3E0] =	vst v3;
	v3 =	vor.u32 v0, v2;
	v0 =	vld [tilespmem:$0x1FD20]  }
0x3a6: {  	v29 =	vor.u32 v34, v11;
	[tilespmem:s24+$0x2C0] =	vst v20;
	v13 =	vld.idx.msk [tilespmem:v13+s11+$0x0], $0xffff  }
0x3a7: {  	v31 =	vor.u32 v48, v2;
	v20 =	vor.u32 v62, v2;
	[tilespmem:s24+$0xFFFFFFB0] =	vst v24;
	v24 =	vor.u32 v62, v7;
	v62 =	vld [tilespmem:$0x1FF20]  }
0x3a8: {  	[tilespmem:s24+$0xFFFFFD30] =	vst v22;
	v26 =	vld.idx.msk [tilespmem:v26+s11+$0x0], $0xffff  }
0x3a9: {  	[tilespmem:s24+$0xFFFFFE30] =	vst v16;
	v16 =	vor.u32 v41, v4;
	v28 =	vor.u32 v61, v10;
	v22 =	vor.u32 v61, v2;
	v61 =	vld [tilespmem:$0x1FC80]  }
0x3aa: {  	[tilespmem:s24+$0x330] =	vst v17;
	v25 =	vld.idx.msk [tilespmem:v3+s11+$0x0], $0xffff  }
0x3ab: {  	[tilespmem:s24+$0x230] =	vst v15;
	v3 =	vld.idx.msk [tilespmem:v29+s11+$0x0], $0xffff  }
0x3ac: {  	v15 =	vor.u32 v56, v2;
	[tilespmem:s24+$0xFFFFFC30] =	vst v30;
	v30 =	vld.idx.msk [tilespmem:v31+s11+$0x0], $0xffff  }
0x3ad: {  	[tilespmem:s24+$0x40] =	vst v27;
	v19 =	vor.u32 v0, v8;
	v17 =	vor.u32 v0, v2;
	v0 =	vld [tilespmem:$0x1FD30]  }
0x3ae: {  	[tilespmem:s24+$0x1C0] =	vst v21;
	v16 =	vld.idx.msk [tilespmem:v16+s11+$0x0], $0xffff  }
0x3af: {  	v29 =	vor.u32 v40, v2;
	v24 =	vld.idx.msk [tilespmem:v24+s11+$0x0], $0xffff  }
0x3b0: {  	v28 =	vld.idx.msk [tilespmem:v28+s11+$0x0], $0xffff  }
0x3b1: {  	v15 =	vld.idx.msk [tilespmem:v15+s11+$0x0], $0xffff  }
0x3b2: {  	[tilespmem:s24+$0x3F0] =	vst v26;
	v26 =	vor.u32 v48, v5;
	v22 =	vld.idx.msk [tilespmem:v22+s11+$0x0], $0xffff  }
0x3b3: {  	v19 =	vld.idx.msk [tilespmem:v19+s11+$0x0], $0xffff  }
0x3b4: {  	v21 =	vor.u32 v49, v2;
	v29 =	vld.idx.msk [tilespmem:v29+s11+$0x0], $0xffff  }
0x3b5: {  	v17 =	vld.idx.msk [tilespmem:v17+s11+$0x0], $0xffff  }
0x3b6: {  	[tilespmem:s24+$0xFFFFFDB0] =	vst v25;
	v25 =	vor.u32 v45, v2;
	v45 =	vld [tilespmem:$0x1FC90]  }
0x3b7: {  	[tilespmem:s24+$0xFFFFFEC0] =	vst v13;
	v14 =	vor.u32 v61, v10;
	v26 =	vld.idx.msk [tilespmem:v26+s11+$0x0], $0xffff  }
0x3b8: {  	[tilespmem:s24+$0xFFFFFCC0] =	vst v30;
	v30 =	vor.u32 v52, v2;
	v12 =	vld.idx.msk [tilespmem:v12+s11+$0x0], $0xffff  }
0x3b9: {  	v27 =	vor.u32 v0, v8;
	[tilespmem:s24+$0x1D0] =	vst v24;
	v21 =	vld.idx.msk [tilespmem:v21+s11+$0x0], $0xffff  }
0x3ba: {  	v31 =	vor.u32 v41, v2;
	[tilespmem:s24+$0x340] =	vst v28;
	v28 =	vor.u32 v0, v2;
	v0 =	vld [tilespmem:$0x1FD40]  }
0x3bb: {  	v18 =	vor.u32 v49, v5;
	[tilespmem:s24+$0xFFFFFD40] =	vst v15;
	v25 =	vld.idx.msk [tilespmem:v25+s11+$0x0], $0xffff  }
0x3bc: {  	[tilespmem:s24+$0xFFFFFF40] =	vst v22;
	v14 =	vld.idx.msk [tilespmem:v14+s11+$0x0], $0xffff  }
0x3bd: {  	v24 =	vor.u32 v50, v2;
	[tilespmem:s24+$0x240] =	vst v19;
	v30 =	vld.idx.msk [tilespmem:v30+s11+$0x0], $0xffff  }
0x3be: {  	[tilespmem:s24+$0xFFFFFC40] =	vst v29;
	v27 =	vld.idx.msk [tilespmem:v27+s11+$0x0], $0xffff  }
0x3bf: {  	v15 =	vor.u32 v61, v2;
	[tilespmem:s24+$0xC0] =	vst v26;
	v29 =	vld.idx.msk [tilespmem:v31+s11+$0x0], $0xffff  }
0x3c0: {  	v22 =	vor.u32 v58, v6;
	[tilespmem:s24+$0xFFFFFDC0] =	vst v12;
	v18 =	vld.idx.msk [tilespmem:v18+s11+$0x0], $0xffff  }
0x3c1: {  	v19 =	vor.u32 v57, v2;
	[tilespmem:s24+$0xFFFFFCD0] =	vst v21;
	v20 =	vld.idx.msk [tilespmem:v20+s11+$0x0], $0xffff  }
0x3c2: {  	[tilespmem:s24+$0xFFFFFE40] =	vst v17;
	v17 =	vor.u32 v42, v4;
	v24 =	vld.idx.msk [tilespmem:v24+s11+$0x0], $0xffff  }
0x3c3: {  	v28 =	vld.idx.msk [tilespmem:v28+s11+$0x0], $0xffff  }
0x3c4: {  	[tilespmem:s24+$0x150] =	vst v23;
	v26 =	vor.u32 v52, v9;
	v15 =	vld.idx.msk [tilespmem:v15+s11+$0x0], $0xffff  }
0x3c5: {  	v12 =	vor.u32 v35, v2;
	v22 =	vld.idx.msk [tilespmem:v22+s11+$0x0], $0xffff  }
0x3c6: {  	[tilespmem:s24+$0x50] =	vst v16;
	v23 =	vor.u32 v45, v10;
	v19 =	vld.idx.msk [tilespmem:v19+s11+$0x0], $0xffff  }
0x3c7: {  	v21 =	vor.u32 v44, v2;
	v17 =	vld.idx.msk [tilespmem:v17+s11+$0x0], $0xffff  }
0x3c8: {  	v16 =	vor.u32 v0, v8;
	[tilespmem:s24+$0x350] =	vst v14;
	v14 =	vor.u32 v0, v2;
	v0 =	vld [tilespmem:$0x1FD50]  }
0x3c9: {  	v31 =	vor.u32 v42, v2;
	[tilespmem:s24+$0xFFFFFFC0] =	vst v25;
	v26 =	vld.idx.msk [tilespmem:v26+s11+$0x0], $0xffff  }
0x3ca: {  	v13 =	vor.u32 v50, v5;
	v12 =	vld.idx.msk [tilespmem:v12+s11+$0x0], $0xffff  }
0x3cb: {  	[tilespmem:s24+$0xFFFFFED0] =	vst v30;
	v23 =	vld.idx.msk [tilespmem:v23+s11+$0x0], $0xffff  }
0x3cc: {  	v25 =	vor.u32 v62, v7;
	[tilespmem:s24+$0xFFFFFC50] =	vst v29;
	v30 =	vld.idx.msk [tilespmem:v21+s11+$0x0], $0xffff  }
0x3cd: {  	v21 =	vld [tilespmem:$0x1FDF0];
	[tilespmem:s24+$0xD0] =	vst v18  }
0x3ce: {  	v29 =	vld.idx.msk [tilespmem:v31+s11+$0x0], $0xffff;
	[tilespmem:s24+$0xFFFFFD50] =	vst v19;
	v19 =	vor.u32 v45, v2  }
0x3cf: {  	[tilespmem:s24+$0x250] =	vst v27;
	v13 =	vld.idx.msk [tilespmem:v13+s11+$0x0], $0xffff  }
0x3d0: {  	v27 =	vor.u32 v58, v2;
	v16 =	vld.idx.msk [tilespmem:v16+s11+$0x0], $0xffff  }
0x3d1: {  	v4 =	vor.u32 v43, v4;
	[tilespmem:s24+$0xFFFFFE50] =	vst v28;
	v25 =	vld.idx.msk [tilespmem:v25+s11+$0x0], $0xffff  }
0x3d2: {  	v18 =	vor.u32 v44, v9;
	[tilespmem:s24+$0xFFFFFF50] =	vst v15;
	v28 =	vld.idx.msk [tilespmem:v14+s11+$0x0], $0xffff  }
0x3d3: {  	[tilespmem:s24+$0xFFFFFDD0] =	vst v20;
	v20 =	vor.u32 v33, v2;
	v31 =	vld.idx.msk [tilespmem:v19+s11+$0x0], $0xffff  }
0x3d4: {  	v6 =	vor.u32 v59, v6;
	v19 =	vld [tilespmem:$0x1FDC0]  }
0x3d5: {  	v5 =	vor.u32 v51, v5;
	[tilespmem:s24+$0x60] =	vst v17;
	v27 =	vld.idx.msk [tilespmem:v27+s11+$0x0], $0xffff  }
0x3d6: {  	[tilespmem:s24+$0x2D0] =	vst v26;
	v26 =	vor.u32 v62, v2;
	v4 =	vld.idx.msk [tilespmem:v4+s11+$0x0], $0xffff  }
0x3d7: {  	v7 =	vor.u32 v63, v7;
	[tilespmem:s24+$0xFFFFFFD0] =	vst v12;
	v18 =	vld.idx.msk [tilespmem:v18+s11+$0x0], $0xffff  }
0x3d8: {  	[tilespmem:s24+$0x160] =	vst v22;
	v8 =	vor.u32 v0, v8;
	v12 =	vld.idx.msk [tilespmem:v20+s11+$0x0], $0xffff  }
0x3d9: {  	[tilespmem:s24+$0xE0] =	vst v13;
	v13 =	vor.u32 v21, v10;
	v10 =	vld.idx.msk [tilespmem:v6+s11+$0x0], $0xffff;
	v9 =	vor.u32 v19, v9  }
0x3da: {  	v5 =	vld.idx.msk [tilespmem:v5+s11+$0x0], $0xffff  }
0x3db: {  	v14 =	vor.u32 v43, v2;
	[tilespmem:s24+$0x1E0] =	vst v25;
	v26 =	vld.idx.msk [tilespmem:v26+s11+$0x0], $0xffff  }
0x3dc: {  	v15 =	vor.u32 v51, v2;
	[tilespmem:s24+$0x260] =	vst v16;
	v6 =	vld.idx.msk [tilespmem:v7+s11+$0x0], $0xffff  }
0x3dd: {  	v16 =	vor.u32 v59, v2;
	v7 =	vld.idx.msk [tilespmem:v8+s11+$0x0], $0xffff;
	[tilespmem:s24+$0x2E0] =	vst v18  }
0x3de: {  	s31 =	sadd.s32 $0xB, s25;
	v17 =	vor.u32 v63, v2;
	[tilespmem:s24+$0x360] =	vst v23;
	v8 =	vld.idx.msk [tilespmem:v9+s11+$0x0], $0xffff  }
0x3df: {  	s30 =	sadd.s32 $0x9, s25;
	v52 =	vmov s31;
	s31 =	sadd.s32 $0xE, s25;
	[tilespmem:s24+$0xFFFFFC60] =	vst v29;
	v20 =	vor.u32 v0, v2;
	v9 =	vld.idx.msk [tilespmem:v13+s11+$0x0], $0xffff  }
0x3e0: {  	p0 =	slt.u32 s25, $0x30;
	[tilespmem:s24+$0xFFFFFCE0] =	vst v24;
	v24 =	vmov s31;
	v23 =	vmov s30;
	s30 =	sadd.s32 $0xD, s25;
	v46 =	vor.u32 v19, v2;
	v13 =	vld.idx.msk [tilespmem:v14+s11+$0x0], $0xffff  }
.Ltmp4:
0x3e1: {  	s29 =	sadd.s32 $0x8, s25;
	s28 =	sadd.s32 $0xA, s25;
	v22 =	vor.u32 v21, v2;
	v62 =	vmov s30;
	v21 =	vor.u32 v38, v2;
	[tilespmem:s24+$0xFFFFFD60] =	vst v27;
	v14 =	vld.idx.msk [tilespmem:v15+s11+$0x0], $0xffff;
	(pc) =	sbr.rel @p0 .LBB2_9-.Ltmp4, $4  }
0x3e2: {  	v25 =	vmov s28;
	v27 =	vshrl.u32 v23, $0x3;
	v18 =	vmov s29;
	s29 =	sadd.s32 $0xC, s25;
	[tilespmem:s24+$0xFFFFFDE0] =	vst v26;
	v15 =	vld.idx.msk [tilespmem:v16+s11+$0x0], $0xffff  }
0x3e3: {  	v34 =	vmovc v36;
	[tilespmem:s24+$0xFFFFFE60] =	vst v28;
	v28 =	vshrl.u32 v25, $0x3;
	v23 =	vshrl.u32 v62, $0x3;
	v61 =	vmov s29;
	v2 =	vmovc v11;
	v16 =	vld.idx.msk [tilespmem:v17+s11+$0x0], $0xffff  }
0x3e4: {  	v35 =	vmovc v37;
	[tilespmem:s24+$0xFFFFFEE0] =	vst v30;
	v29 =	vshrl.u32 v18, $0x3;
	v25 =	vshrl.u32 v61, $0x3;
	v19 =	vor.u32 v54, v2;
	v17 =	vld.idx.msk [tilespmem:v20+s11+$0x0], $0xffff  }
0x3e5: {  	s26 =	sadd.s32 $0xF, s25;
	s25 =	sadd.s32 $0x10, s25;
	[tilespmem:s24+$0xFFFFFF60] =	vst v31;
	v11 =	vor.u32 v53, v2;
	v26 =	vshrl.u32 v52, $0x3;
	v20 =	vor.u32 v60, v2;
	v18 =	vld.idx.msk [tilespmem:v46+s11+$0x0], $0xffff  }
0x3e6: {  	[tilespmem:s24+$0xFFFFFFE0] =	vst v12  }
0x3e7: {  	[tilespmem:s24+$0x70] =	vst v4  }
0x3e8: {  	[tilespmem:s24+$0xF0] =	vst v5  }
0x3e9: {  	[tilespmem:s24+$0x170] =	vst v10  }
0x3ea: {  	[tilespmem:s24+$0x1F0] =	vst v6  }
0x3eb: {  	[tilespmem:s24+$0x270] =	vst v7  }
0x3ec: {  	[tilespmem:s24+$0x2F0] =	vst v8  }
0x3ed: {  	v6 =	vshll.u32 v28, v1;
	v28 =	vld [tilespmem:$0x1FCA0];
	[tilespmem:s24+$0x370] =	vst v9  }
0x3ee: {  	v4 =	vmov s26;
	[tilespmem:s24+$0xFFFFFC70] =	vst v13  }
0x3ef: {  	v4 =	vshrl.u32 v4, $0x3;
	v0 =	vld [tilespmem:$0x1FE60]  }
0x3f0: {  	v4 =	vshll.u32 v4, v1  }
0x3f1: {  	v12 =	vbroadcast v4, $0x0;
	v4 =	vshll.u32 v27, v1  }
0x3f2: {  	v4 =	vbroadcast v4, $0x0  }
0x3f3: {  	[tilespmem:s24+$0xFFFFFCF0] =	vst v14  }
0x3f4: {  	v5 =	vshll.u32 v29, v1;
	v13 =	vor.u32 v0, v4;
	v0 =	vld [tilespmem:$0x1FE50]  }
0x3f5: {  	v5 =	vbroadcast v5, $0x0;
	_ =	sdelay $0x1  }
0x3f6: {  	v6 =	vbroadcast v6, $0x0;
	v27 =	vor.u32 v34, v5  }
0x3f7: {  	v10 =	vor.u32 v28, v12;
	[tilespmem:s24+$0xFFFFFD70] =	vst v15  }
0x3f8: {  	v14 =	vor.u32 v0, v6;
	v0 =	vld [tilespmem:$0x1FE70]  }
0x3f9: {  	v22 =	vld.idx.msk [tilespmem:v22+s11+$0x0], $0xffff  }
0x3fa: {  	v7 =	vshll.u32 v26, v1;
	v21 =	vld.idx.msk [tilespmem:v21+s11+$0x0], $0xffff  }
0x3fb: {  	v8 =	vshll.u32 v25, v1;
	v7 =	vbroadcast v7, $0x0;
	v25 =	vld.idx.msk [tilespmem:v27+s11+$0x0], $0xffff  }
0x3fc: {  	v9 =	vshll.u32 v23, v1;
	v23 =	vshrl.u32 v24, $0x3;
	v24 =	vld.idx.msk [tilespmem:v10+s11+$0x0], $0xffff;
	[tilespmem:s24+$0xFFFFFDF0] =	vst v16  }
0x3fd: {  	v23 =	vshll.u32 v23, v1;
	v15 =	vor.u32 v0, v7;
	v0 =	vld [tilespmem:$0x1FE40];
	[tilespmem:s24+$0xFFFFFE70] =	vst v17  }
0x3fe: {  	v10 =	vbroadcast v23, $0x0;
	v23 =	vld [tilespmem:$0x1FE30]  }
0x3ff: {  	v13 =	vld.idx.msk [tilespmem:v13+s11+$0x0], $0xffff;
	[tilespmem:s24+$0xFFFFFEF0] =	vst v18  }
0x400: {  	v8 =	vbroadcast v8, $0x0;
	v26 =	vld [tilespmem:$0x1FCB0];
	[tilespmem:s24+$0xFFFFFF70] =	vst v22  }
0x401: {  	v9 =	vbroadcast v9, $0x0;
	v27 =	vld [tilespmem:$0x1FE20]  }
0x402: {  	v14 =	vld.idx.msk [tilespmem:v14+s11+$0x0], $0xffff;
	v16 =	vor.u32 v0, v8  }
0x403: {  	s29 =	sadd.s32 $0x800, s24;
	[tilespmem:s24+$0xFFFFFFF0] =	vst v21;
	v15 =	vld.idx.msk [tilespmem:v15+s11+$0x0], $0xffff;
	v17 =	vor.u32 v23, v9  }
0x404: {  	[tilespmem:s29+$0x380] =	vst v24  }
0x405: {  	[tilespmem:s29+$0x0] =	vst v25;
	v18 =	vor.u32 v26, v12  }
0x406: {  	[tilespmem:s29+$0x80] =	vst v13;
	v22 =	vor.u32 v27, v10  }
0x407: {  	[tilespmem:s29+$0x100] =	vst v14;
	v16 =	vld.idx.msk [tilespmem:v16+s11+$0x0], $0xffff  }
0x408: {  	[tilespmem:s29+$0x180] =	vst v15;
	v17 =	vld.idx.msk [tilespmem:v17+s11+$0x0], $0xffff  }
0x409: {  	v25 =	vld [tilespmem:$0x1FCC0]  }
0x40a: {  	v13 =	vld.idx.msk [tilespmem:v18+s11+$0x0], $0xffff  }
0x40b: {  	v14 =	vor.u32 v0, v2;
	v18 =	vld.idx.msk [tilespmem:v22+s11+$0x0], $0xffff  }
0x40c: {  	[tilespmem:s29+$0xFFFFFC00] =	vst v3  }
0x40d: {  	v19 =	vld.idx.msk [tilespmem:v19+s11+$0x0], $0xffff;
	[tilespmem:s29+$0x200] =	vst v16;
	v16 =	vor.u32 v23, v2  }
0x40e: {  	v11 =	vld.idx.msk [tilespmem:v11+s11+$0x0], $0xffff;
	[tilespmem:s29+$0x280] =	vst v17  }
0x40f: {  	v20 =	vld.idx.msk [tilespmem:v20+s11+$0x0], $0xffff;
	v15 =	vor.u32 v25, v12;
	[tilespmem:s29+$0x390] =	vst v13  }
0x410: {  	v14 =	vld.idx.msk [tilespmem:v14+s11+$0x0], $0xffff;
	v17 =	vor.u32 v27, v2;
	[tilespmem:s29+$0x300] =	vst v18  }
0x411: {  	v33 =	vld [tilespmem:$0x1FEC0]  }
0x412: {  	v13 =	vor.u32 v28, v2;
	[tilespmem:s29+$0xFFFFFC80] =	vst v19;
	v16 =	vld.idx.msk [tilespmem:v16+s11+$0x0], $0xffff  }
0x413: {  	v53 =	vld [tilespmem:$0x1FEA0]  }
0x414: {  	v18 =	vor.u32 v35, v5;
	v15 =	vld.idx.msk [tilespmem:v15+s11+$0x0], $0xffff  }
0x415: {  	[tilespmem:s29+$0xFFFFFD00] =	vst v11;
	v17 =	vld.idx.msk [tilespmem:v17+s11+$0x0], $0xffff  }
0x416: {  	v24 =	vld [tilespmem:$0x1FCD0]  }
0x417: {  	[tilespmem:s29+$0xFFFFFD80] =	vst v20;
	v13 =	vld.idx.msk [tilespmem:v13+s11+$0x0], $0xffff  }
0x418: {  	v32 =	vld [tilespmem:$0x1FE90]  }
0x419: {  	[tilespmem:s29+$0xFFFFFE00] =	vst v14;
	v18 =	vld.idx.msk [tilespmem:v18+s11+$0x0], $0xffff  }
0x41a: {  	v36 =	vld [tilespmem:$0x1FE00];
	[tilespmem:s29+$0x3A0] =	vst v15  }
0x41b: {  	v3 =	vor.u32 v33, v4;
	v44 =	vld [tilespmem:$0x1FD60];
	[tilespmem:s29+$0xFFFFFE80] =	vst v16  }
0x41c: {  	v19 =	vor.u32 v53, v6;
	v0 =	vld [tilespmem:$0x1FDD0];
	[tilespmem:s29+$0xFFFFFF00] =	vst v17  }
0x41d: {  	v11 =	vor.u32 v24, v12;
	[tilespmem:s29+$0xFFFFFF80] =	vst v13  }
0x41e: {  	v20 =	vor.u32 v32, v7;
	[tilespmem:s29+$0x10] =	vst v18  }
0x41f: {  	v14 =	vor.u32 v36, v8;
	v23 =	vld [tilespmem:$0x1FCE0]  }
0x420: {  	v17 =	vor.u32 v35, v2;
	v3 =	vld.idx.msk [tilespmem:v3+s11+$0x0], $0xffff  }
0x421: {  	v13 =	vor.u32 v33, v2;
	v19 =	vld.idx.msk [tilespmem:v19+s11+$0x0], $0xffff  }
0x422: {  	v11 =	vld.idx.msk [tilespmem:v11+s11+$0x0], $0xffff;
	v15 =	vor.u32 v44, v9  }
0x423: {  	v20 =	vld.idx.msk [tilespmem:v20+s11+$0x0], $0xffff;
	v16 =	vor.u32 v0, v10  }
0x424: {  	v14 =	vld.idx.msk [tilespmem:v14+s11+$0x0], $0xffff;
	v18 =	vor.u32 v23, v12  }
0x425: {  	v17 =	vld.idx.msk [tilespmem:v17+s11+$0x0], $0xffff;
	[tilespmem:s29+$0x90] =	vst v3;
	v3 =	vor.u32 v53, v2  }
0x426: {  	v13 =	vld.idx.msk [tilespmem:v13+s11+$0x0], $0xffff;
	[tilespmem:s29+$0x110] =	vst v19;
	v19 =	vor.u32 v32, v2  }
0x427: {  	[tilespmem:s29+$0x3B0] =	vst v11;
	v11 =	vor.u32 v36, v2;
	v15 =	vld.idx.msk [tilespmem:v15+s11+$0x0], $0xffff  }
0x428: {  	[tilespmem:s29+$0x190] =	vst v20;
	v20 =	vor.u32 v44, v2;
	v16 =	vld.idx.msk [tilespmem:v16+s11+$0x0], $0xffff  }
0x429: {  	[tilespmem:s29+$0x210] =	vst v14;
	v14 =	vor.u32 v0, v2;
	v18 =	vld.idx.msk [tilespmem:v18+s11+$0x0], $0xffff  }
0x42a: {  	v3 =	vld.idx.msk [tilespmem:v3+s11+$0x0], $0xffff  }
0x42b: {  	v19 =	vld.idx.msk [tilespmem:v19+s11+$0x0], $0xffff  }
0x42c: {  	v11 =	vld.idx.msk [tilespmem:v11+s11+$0x0], $0xffff  }
0x42d: {  	[tilespmem:s29+$0x290] =	vst v15;
	v20 =	vld.idx.msk [tilespmem:v20+s11+$0x0], $0xffff  }
0x42e: {  	[tilespmem:s29+$0x310] =	vst v16;
	v14 =	vld.idx.msk [tilespmem:v14+s11+$0x0], $0xffff  }
0x42f: {  	v22 =	vld [tilespmem:$0x1FCF0];
	[tilespmem:s29+$0xFFFFFC10] =	vst v17  }
0x430: {  	v61 =	vld [tilespmem:$0x1FEE0];
	[tilespmem:s29+$0xFFFFFC90] =	vst v13  }
0x431: {  	v60 =	vld [tilespmem:$0x1FED0];
	[tilespmem:s29+$0x3C0] =	vst v18  }
0x432: {  	v54 =	vld [tilespmem:$0x1FEB0];
	[tilespmem:s29+$0xFFFFFD10] =	vst v3  }
0x433: {  	v15 =	vor.u32 v26, v2;
	v30 =	vld [tilespmem:$0x1FE80];
	[tilespmem:s29+$0xFFFFFD90] =	vst v19  }
0x434: {  	v16 =	vor.u32 v22, v12;
	v37 =	vld [tilespmem:$0x1FE10];
	[tilespmem:s29+$0xFFFFFE10] =	vst v11  }
0x435: {  	v17 =	vor.u32 v61, v5;
	v45 =	vld [tilespmem:$0x1FD70];
	[tilespmem:s29+$0xFFFFFE90] =	vst v20  }
0x436: {  	v13 =	vor.u32 v60, v4;
	v29 =	vld [tilespmem:$0x1FD00];
	[tilespmem:s29+$0xFFFFFF10] =	vst v14  }
0x437: {  	v18 =	vor.u32 v54, v6;
	v31 =	vld [tilespmem:$0x1FDE0]  }
0x438: {  	v15 =	vld.idx.msk [tilespmem:v15+s11+$0x0], $0xffff;
	v3 =	vor.u32 v30, v7  }
0x439: {  	v19 =	vor.u32 v37, v8;
	v16 =	vld.idx.msk [tilespmem:v16+s11+$0x0], $0xffff  }
0x43a: {  	v17 =	vld.idx.msk [tilespmem:v17+s11+$0x0], $0xffff;
	v11 =	vor.u32 v45, v9  }
0x43b: {  	v13 =	vld.idx.msk [tilespmem:v13+s11+$0x0], $0xffff;
	v20 =	vor.u32 v29, v12  }
0x43c: {  	v18 =	vld.idx.msk [tilespmem:v18+s11+$0x0], $0xffff;
	v14 =	vor.u32 v31, v10  }
0x43d: {  	[tilespmem:s29+$0xFFFFFF90] =	vst v15;
	v15 =	vor.u32 v61, v2;
	v3 =	vld.idx.msk [tilespmem:v3+s11+$0x0], $0xffff  }
0x43e: {  	[tilespmem:s29+$0x3D0] =	vst v16;
	v16 =	vor.u32 v60, v2;
	v19 =	vld.idx.msk [tilespmem:v19+s11+$0x0], $0xffff  }
0x43f: {  	[tilespmem:s29+$0x20] =	vst v17;
	v17 =	vor.u32 v54, v2;
	v11 =	vld.idx.msk [tilespmem:v11+s11+$0x0], $0xffff  }
0x440: {  	[tilespmem:s29+$0xA0] =	vst v13;
	v13 =	vor.u32 v30, v2;
	v20 =	vld.idx.msk [tilespmem:v20+s11+$0x0], $0xffff  }
0x441: {  	v14 =	vld.idx.msk [tilespmem:v14+s11+$0x0], $0xffff;
	[tilespmem:s29+$0x120] =	vst v18;
	v18 =	vor.u32 v37, v2  }
0x442: {  	v12 =	vor.u32 v38, v12;
	[tilespmem:s29+$0x1A0] =	vst v3;
	v3 =	vld.idx.msk [tilespmem:v15+s11+$0x0], $0xffff  }
0x443: {  	v15 =	vld.idx.msk [tilespmem:v16+s11+$0x0], $0xffff;
	[tilespmem:s29+$0x220] =	vst v19;
	v16 =	vor.u32 v45, v2  }
0x444: {  	[tilespmem:s29+$0x2A0] =	vst v11;
	v11 =	vor.u32 v31, v2;
	v17 =	vld.idx.msk [tilespmem:v17+s11+$0x0], $0xffff  }
0x445: {  	[tilespmem:s29+$0x3E0] =	vst v20;
	v13 =	vld.idx.msk [tilespmem:v13+s11+$0x0], $0xffff  }
0x446: {  	v18 =	vld.idx.msk [tilespmem:v18+s11+$0x0], $0xffff;
	[tilespmem:s29+$0x320] =	vst v14  }
0x447: {  	v12 =	vld.idx.msk [tilespmem:v12+s11+$0x0], $0xffff;
	[tilespmem:s29+$0xFFFFFC20] =	vst v3  }
0x448: {  	v16 =	vld.idx.msk [tilespmem:v16+s11+$0x0], $0xffff;
	[tilespmem:s29+$0xFFFFFCA0] =	vst v15  }
0x449: {  	v19 =	vor.u32 v25, v2;
	v11 =	vld.idx.msk [tilespmem:v11+s11+$0x0], $0xffff;
	[tilespmem:s29+$0xFFFFFD20] =	vst v17  }
0x44a: {  	v14 =	vor.u32 v39, v5;
	v26 =	vld [tilespmem:$0x1FEF0];
	[tilespmem:s29+$0xFFFFFDA0] =	vst v13  }
0x44b: {  	v3 =	vor.u32 v47, v4;
	v27 =	vld [tilespmem:$0x1FD10];
	[tilespmem:s29+$0xFFFFFE20] =	vst v18  }
0x44c: {  	v15 =	vor.u32 v55, v6;
	v28 =	vld [tilespmem:$0x1FD80];
	[tilespmem:s29+$0x3F0] =	vst v12  }
0x44d: {  	v20 =	vld [tilespmem:$0x1FC60];
	[tilespmem:s29+$0xFFFFFEA0] =	vst v16;
	v16 =	vor.u32 v39, v2  }
0x44e: {  	v19 =	vld.idx.msk [tilespmem:v19+s11+$0x0], $0xffff;
	[tilespmem:s29+$0xFFFFFF20] =	vst v11;
	v11 =	vor.u32 v47, v2  }
0x44f: {  	v14 =	vld.idx.msk [tilespmem:v14+s11+$0x0], $0xffff;
	v17 =	vor.u32 v26, v7  }
0x450: {  	v3 =	vld.idx.msk [tilespmem:v3+s11+$0x0], $0xffff;
	v13 =	vor.u32 v27, v8  }
0x451: {  	v15 =	vld.idx.msk [tilespmem:v15+s11+$0x0], $0xffff;
	v18 =	vor.u32 v28, v9  }
0x452: {  	v12 =	vor.u32 v20, v10;
	v16 =	vld.idx.msk [tilespmem:v16+s11+$0x0], $0xffff  }
0x453: {  	[tilespmem:s29+$0xFFFFFFA0] =	vst v19;
	v19 =	vor.u32 v55, v2;
	v11 =	vld.idx.msk [tilespmem:v11+s11+$0x0], $0xffff  }
0x454: {  	[tilespmem:s29+$0x30] =	vst v14;
	v17 =	vld.idx.msk [tilespmem:v17+s11+$0x0], $0xffff  }
0x455: {  	v14 =	vor.u32 v26, v2;
	[tilespmem:s29+$0xB0] =	vst v3;
	v13 =	vld.idx.msk [tilespmem:v13+s11+$0x0], $0xffff  }
0x456: {  	v3 =	vor.u32 v27, v2;
	[tilespmem:s29+$0x130] =	vst v15;
	v18 =	vld.idx.msk [tilespmem:v18+s11+$0x0], $0xffff  }
0x457: {  	v15 =	vor.u32 v28, v2;
	v12 =	vld.idx.msk [tilespmem:v12+s11+$0x0], $0xffff;
	[tilespmem:s29+$0xFFFFFC30] =	vst v16  }
0x458: {  	v19 =	vld.idx.msk [tilespmem:v19+s11+$0x0], $0xffff;
	[tilespmem:s29+$0xFFFFFCB0] =	vst v11  }
0x459: {  	[tilespmem:s29+$0x1B0] =	vst v17  }
0x45a: {  	v14 =	vld.idx.msk [tilespmem:v14+s11+$0x0], $0xffff;
	v17 =	vor.u32 v20, v2;
	[tilespmem:s29+$0x230] =	vst v13  }
0x45b: {  	v3 =	vld.idx.msk [tilespmem:v3+s11+$0x0], $0xffff;
	[tilespmem:s29+$0x2B0] =	vst v18  }
0x45c: {  	v15 =	vld.idx.msk [tilespmem:v15+s11+$0x0], $0xffff;
	[tilespmem:s29+$0x330] =	vst v12  }
0x45d: {  	v13 =	vor.u32 v24, v2;
	v25 =	vld [tilespmem:$0x1FF00];
	[tilespmem:s29+$0xFFFFFD30] =	vst v19  }
0x45e: {  	v16 =	vor.u32 v56, v6;
	v24 =	vld [tilespmem:$0x1FD20]  }
0x45f: {  	v18 =	vor.u32 v40, v5;
	v17 =	vld.idx.msk [tilespmem:v17+s11+$0x0], $0xffff;
	[tilespmem:s29+$0xFFFFFDB0] =	vst v14  }
0x460: {  	v12 =	vor.u32 v48, v4;
	v52 =	vld [tilespmem:$0x1FD90];
	[tilespmem:s29+$0xFFFFFE30] =	vst v3  }
0x461: {  	v20 =	vld [tilespmem:$0x1FC70];
	[tilespmem:s29+$0xFFFFFEB0] =	vst v15;
	v15 =	vor.u32 v40, v2  }
0x462: {  	v13 =	vld.idx.msk [tilespmem:v13+s11+$0x0], $0xffff;
	v11 =	vor.u32 v25, v7  }
0x463: {  	v16 =	vld.idx.msk [tilespmem:v16+s11+$0x0], $0xffff;
	v19 =	vor.u32 v24, v8  }
0x464: {  	v18 =	vld.idx.msk [tilespmem:v18+s11+$0x0], $0xffff;
	[tilespmem:s29+$0xFFFFFF30] =	vst v17;
	v17 =	vor.u32 v48, v2  }
0x465: {  	v12 =	vld.idx.msk [tilespmem:v12+s11+$0x0], $0xffff;
	v14 =	vor.u32 v52, v9  }
0x466: {  	v3 =	vor.u32 v20, v10;
	v15 =	vld.idx.msk [tilespmem:v15+s11+$0x0], $0xffff  }
0x467: {  	[tilespmem:s29+$0xFFFFFFB0] =	vst v13;
	v13 =	vor.u32 v56, v2;
	v11 =	vld.idx.msk [tilespmem:v11+s11+$0x0], $0xffff  }
0x468: {  	[tilespmem:s29+$0x140] =	vst v16;
	v19 =	vld.idx.msk [tilespmem:v19+s11+$0x0], $0xffff  }
0x469: {  	[tilespmem:s29+$0x40] =	vst v18;
	v18 =	vor.u32 v25, v2;
	v17 =	vld.idx.msk [tilespmem:v17+s11+$0x0], $0xffff  }
0x46a: {  	[tilespmem:s29+$0xC0] =	vst v12;
	v12 =	vor.u32 v24, v2;
	v14 =	vld.idx.msk [tilespmem:v14+s11+$0x0], $0xffff  }
0x46b: {  	v16 =	vor.u32 v52, v2;
	v3 =	vld.idx.msk [tilespmem:v3+s11+$0x0], $0xffff;
	[tilespmem:s29+$0xFFFFFC40] =	vst v15  }
0x46c: {  	v13 =	vld.idx.msk [tilespmem:v13+s11+$0x0], $0xffff;
	[tilespmem:s29+$0x1C0] =	vst v11  }
0x46d: {  	[tilespmem:s29+$0x240] =	vst v19  }
0x46e: {  	v18 =	vld.idx.msk [tilespmem:v18+s11+$0x0], $0xffff;
	v11 =	vor.u32 v20, v2;
	[tilespmem:s29+$0xFFFFFCC0] =	vst v17  }
0x46f: {  	v12 =	vld.idx.msk [tilespmem:v12+s11+$0x0], $0xffff;
	[tilespmem:s29+$0x2C0] =	vst v14  }
0x470: {  	v16 =	vld.idx.msk [tilespmem:v16+s11+$0x0], $0xffff;
	[tilespmem:s29+$0x340] =	vst v3  }
0x471: {  	v19 =	vor.u32 v23, v2;
	v21 =	vld [tilespmem:$0x1FF10];
	[tilespmem:s29+$0xFFFFFD40] =	vst v13  }
0x472: {  	v15 =	vor.u32 v57, v6;
	v40 =	vld [tilespmem:$0x1FD30]  }
0x473: {  	v14 =	vor.u32 v41, v5;
	v11 =	vld.idx.msk [tilespmem:v11+s11+$0x0], $0xffff;
	[tilespmem:s29+$0xFFFFFDC0] =	vst v18  }
0x474: {  	v3 =	vor.u32 v49, v4;
	v62 =	vld [tilespmem:$0x1FDA0];
	[tilespmem:s29+$0xFFFFFE40] =	vst v12  }
0x475: {  	v20 =	vld [tilespmem:$0x1FC80];
	[tilespmem:s29+$0xFFFFFEC0] =	vst v16;
	v16 =	vor.u32 v41, v2  }
0x476: {  	v19 =	vld.idx.msk [tilespmem:v19+s11+$0x0], $0xffff;
	v17 =	vor.u32 v21, v7  }
0x477: {  	v15 =	vld.idx.msk [tilespmem:v15+s11+$0x0], $0xffff;
	v13 =	vor.u32 v40, v8  }
0x478: {  	v14 =	vld.idx.msk [tilespmem:v14+s11+$0x0], $0xffff;
	[tilespmem:s29+$0xFFFFFF40] =	vst v11;
	v11 =	vor.u32 v49, v2  }
0x479: {  	v3 =	vld.idx.msk [tilespmem:v3+s11+$0x0], $0xffff;
	v18 =	vor.u32 v62, v9  }
0x47a: {  	v12 =	vor.u32 v20, v10;
	v16 =	vld.idx.msk [tilespmem:v16+s11+$0x0], $0xffff  }
0x47b: {  	[tilespmem:s29+$0xFFFFFFC0] =	vst v19;
	v19 =	vor.u32 v57, v2;
	v17 =	vld.idx.msk [tilespmem:v17+s11+$0x0], $0xffff  }
0x47c: {  	[tilespmem:s29+$0x150] =	vst v15;
	v15 =	vor.u32 v62, v2;
	v13 =	vld.idx.msk [tilespmem:v13+s11+$0x0], $0xffff  }
0x47d: {  	[tilespmem:s29+$0x50] =	vst v14;
	v14 =	vor.u32 v21, v2;
	v11 =	vld.idx.msk [tilespmem:v11+s11+$0x0], $0xffff  }
0x47e: {  	[tilespmem:s29+$0xD0] =	vst v3;
	v3 =	vor.u32 v40, v2;
	v18 =	vld.idx.msk [tilespmem:v18+s11+$0x0], $0xffff  }
0x47f: {  	v12 =	vld.idx.msk [tilespmem:v12+s11+$0x0], $0xffff;
	[tilespmem:s29+$0xFFFFFC50] =	vst v16;
	v16 =	vor.u32 v58, v6  }
0x480: {  	v19 =	vld.idx.msk [tilespmem:v19+s11+$0x0], $0xffff;
	[tilespmem:s29+$0x1D0] =	vst v17  }
0x481: {  	v15 =	vld.idx.msk [tilespmem:v15+s11+$0x0], $0xffff;
	[tilespmem:s29+$0x250] =	vst v13  }
0x482: {  	v14 =	vld.idx.msk [tilespmem:v14+s11+$0x0], $0xffff;
	v17 =	vor.u32 v20, v2;
	[tilespmem:s29+$0xFFFFFCD0] =	vst v11  }
0x483: {  	v3 =	vld.idx.msk [tilespmem:v3+s11+$0x0], $0xffff;
	[tilespmem:s29+$0x2D0] =	vst v18  }
0x484: {  	[tilespmem:s29+$0x350] =	vst v12;
	v16 =	vld.idx.msk [tilespmem:v16+s11+$0x0], $0xffff  }
0x485: {  	v13 =	vor.u32 v22, v2;
	v0 =	vld [tilespmem:$0x1FF20];
	[tilespmem:s29+$0xFFFFFD50] =	vst v19  }
0x486: {  	v18 =	vor.u32 v42, v5;
	v22 =	vld [tilespmem:$0x1FD40]  }
0x487: {  	v12 =	vor.u32 v50, v4;
	v17 =	vld.idx.msk [tilespmem:v17+s11+$0x0], $0xffff;
	[tilespmem:s29+$0xFFFFFDD0] =	vst v14  }
0x488: {  	v6 =	vor.u32 v59, v6;
	v46 =	vld [tilespmem:$0x1FDB0];
	[tilespmem:s29+$0xFFFFFE50] =	vst v3  }
0x489: {  	v20 =	vld [tilespmem:$0x1FC90];
	[tilespmem:s29+$0xFFFFFED0] =	vst v15;
	v15 =	vor.u32 v42, v2  }
0x48a: {  	v13 =	vld.idx.msk [tilespmem:v13+s11+$0x0], $0xffff;
	v11 =	vor.u32 v0, v7  }
0x48b: {  	v18 =	vld.idx.msk [tilespmem:v18+s11+$0x0], $0xffff;
	[tilespmem:s29+$0x160] =	vst v16;
	v19 =	vor.u32 v22, v8  }
0x48c: {  	v12 =	vld.idx.msk [tilespmem:v12+s11+$0x0], $0xffff;
	[tilespmem:s29+$0xFFFFFF50] =	vst v17;
	v17 =	vor.u32 v50, v2  }
0x48d: {  	v6 =	vld.idx.msk [tilespmem:v6+s11+$0x0], $0xffff;
	v14 =	vor.u32 v46, v9  }
0x48e: {  	v3 =	vor.u32 v20, v10;
	v15 =	vld.idx.msk [tilespmem:v15+s11+$0x0], $0xffff  }
0x48f: {  	[tilespmem:s29+$0xFFFFFFD0] =	vst v13;
	v13 =	vor.u32 v58, v2;
	v11 =	vld.idx.msk [tilespmem:v11+s11+$0x0], $0xffff  }
0x490: {  	v5 =	vor.u32 v43, v5;
	v19 =	vld.idx.msk [tilespmem:v19+s11+$0x0], $0xffff  }
0x491: {  	v7 =	vor.u32 v63, v7;
	[tilespmem:s29+$0x60] =	vst v18;
	v17 =	vld.idx.msk [tilespmem:v17+s11+$0x0], $0xffff  }
0x492: {  	v18 =	vor.u32 v0, v2;
	[tilespmem:s29+$0xE0] =	vst v12;
	v14 =	vld.idx.msk [tilespmem:v14+s11+$0x0], $0xffff  }
0x493: {  	v12 =	vor.u32 v22, v2;
	v3 =	vld.idx.msk [tilespmem:v3+s11+$0x0], $0xffff;
	[tilespmem:s29+$0xFFFFFC60] =	vst v15  }
0x494: {  	v16 =	vor.u32 v46, v2;
	v13 =	vld.idx.msk [tilespmem:v13+s11+$0x0], $0xffff;
	[tilespmem:s29+$0x1E0] =	vst v11  }
0x495: {  	v5 =	vld.idx.msk [tilespmem:v5+s11+$0x0], $0xffff;
	[tilespmem:s29+$0x260] =	vst v19  }
0x496: {  	v11 =	vor.u32 v20, v2;
	[tilespmem:s29+$0xFFFFFCE0] =	vst v17;
	v7 =	vld.idx.msk [tilespmem:v7+s11+$0x0], $0xffff  }
0x497: {  	v19 =	vor.u32 v29, v2;
	[tilespmem:s29+$0x2E0] =	vst v14;
	v14 =	vld.idx.msk [tilespmem:v18+s11+$0x0], $0xffff  }
0x498: {  	[tilespmem:s29+$0x360] =	vst v3;
	v3 =	vld.idx.msk [tilespmem:v12+s11+$0x0], $0xffff  }
0x499: {  	[tilespmem:s29+$0xFFFFFD60] =	vst v13;
	v12 =	vld.idx.msk [tilespmem:v16+s11+$0x0], $0xffff  }
0x49a: {  	v4 =	vor.u32 v51, v4;
	v15 =	vld [tilespmem:$0x1FD50]  }
0x49b: {  	v11 =	vld.idx.msk [tilespmem:v11+s11+$0x0], $0xffff  }
0x49c: {  	v13 =	vld.idx.msk [tilespmem:v19+s11+$0x0], $0xffff;
	[tilespmem:s29+$0xFFFFFDE0] =	vst v14  }
0x49d: {  	v14 =	vld [tilespmem:$0x1FDC0];
	[tilespmem:s29+$0xFFFFFE60] =	vst v3  }
0x49e: {  	v16 =	vld [tilespmem:$0x1FDF0];
	[tilespmem:s29+$0xFFFFFEE0] =	vst v12  }
0x49f: {  	v3 =	vld.idx.msk [tilespmem:v4+s11+$0x0], $0xffff;
	v8 =	vor.u32 v15, v8;
	[tilespmem:s29+$0x70] =	vst v5  }
0x4a0: {  	v12 =	vor.u32 v59, v2;
	[tilespmem:s29+$0x170] =	vst v6  }
0x4a1: {  	v5 =	vor.u32 v63, v2;
	[tilespmem:s29+$0x1F0] =	vst v7  }
0x4a2: {  	[tilespmem:s29+$0xFFFFFF60] =	vst v11;
	v11 =	vor.u32 v51, v2  }
0x4a3: {  	[tilespmem:s29+$0xFFFFFFE0] =	vst v13;
	v13 =	vor.u32 v38, v2;
	v4 =	vor.u32 v16, v10  }
0x4a4: {  	v9 =	vor.u32 v14, v9;
	[tilespmem:s29+$0xF0] =	vst v3;
	v3 =	vor.u32 v15, v2;
	v8 =	vld.idx.msk [tilespmem:v8+s11+$0x0], $0xffff  }
0x4a5: {  	v6 =	vor.u32 v14, v2;
	v10 =	vor.u32 v43, v2;
	v7 =	vor.u32 v16, v2;
	v2 =	vld.idx.msk [tilespmem:v12+s11+$0x0], $0xffff  }
0x4a6: {  	v5 =	vld.idx.msk [tilespmem:v5+s11+$0x0], $0xffff  }
0x4a7: {  	v11 =	vld.idx.msk [tilespmem:v11+s11+$0x0], $0xffff  }
0x4a8: {  	v4 =	vld.idx.msk [tilespmem:v4+s11+$0x0], $0xffff  }
0x4a9: {  	v9 =	vld.idx.msk [tilespmem:v9+s11+$0x0], $0xffff;
	[tilespmem:s29+$0x270] =	vst v8  }
0x4aa: {  	v3 =	vld.idx.msk [tilespmem:v3+s11+$0x0], $0xffff;
	[tilespmem:s29+$0xFFFFFD70] =	vst v2  }
0x4ab: {  	v10 =	vld.idx.msk [tilespmem:v10+s11+$0x0], $0xffff;
	[tilespmem:s29+$0xFFFFFDF0] =	vst v5  }
0x4ac: {  	v2 =	vld.idx.msk [tilespmem:v13+s11+$0x0], $0xffff;
	[tilespmem:s29+$0xFFFFFCF0] =	vst v11  }
0x4ad: {  	[tilespmem:s29+$0x370] =	vst v4;
	v4 =	vld.idx.msk [tilespmem:v6+s11+$0x0], $0xffff  }
0x4ae: {  	[tilespmem:s29+$0x2F0] =	vst v9;
	v6 =	vld.idx.msk [tilespmem:v7+s11+$0x0], $0xffff  }
0x4af: {  	[tilespmem:s29+$0xFFFFFE70] =	vst v3  }
0x4b0: {  	[tilespmem:s29+$0xFFFFFC70] =	vst v10  }
0x4b1: {  	[tilespmem:s29+$0xFFFFFFF0] =	vst v2  }
0x4b2: {  	[tilespmem:s29+$0xFFFFFEF0] =	vst v4  }
0x4b3: {  	[tilespmem:s29+$0xFFFFFF70] =	vst v6  }
0x4b4: {  	s21 =	sadd.s32 $0x1, s21;
	v2 =	vld [tilespmem:$0x1FE60]  }
0x4b5: {  	s25 =	sadd.s32 s5, s22;
	p1 =	sne.s32 s21, $0x64;
	v5 =	vld [tilespmem:$0x1FE50]  }
.Ltmp5:
0x4b6: {  	s30 =	sshll.u32 s23, $0x14;
	s25 =	sshll.u32 s25, $0xA;
	v58 =	vld [tilespmem:$0x1FE70];
	(pc) =	sbr.rel @p1 .LBB2_2-.Ltmp5, $4  }
0x4b7: {  	p0 =	seq.s32 s23, $0x31;
	s25 =	sadd.s32 s30, s25;
	s24 =	simm.s32 $0x1;
	v13 =	vmov v26;
	v26 =	vld [tilespmem:$0x1FE40]  }
0x4b8: {  	s23 =	sadd.s32 $0x1, s23;
	s25 =	sshrl.u32 s25, $0x3;
	s24 =	simm.s32 @!p0 $0x0;
	v23 =	vmovc v28;
	v20 =	vmovc v27;
	v29 =	vmov v31;
	v18 =	vmov v25;
	v11 =	vmov v53;
	v27 =	vld [tilespmem:$0x1FE30]  }
0x4b9: {  	s23 =	simm.s32 @p0 $0x0;
	s31 =	sadd.s32 s2, s25;
	s22 =	sadd.s32 s24, s22;
	v53 =	vmovc v15;
	v3 =	vmovc v61;
	v9 =	vmov v54;
	v61 =	vmov v22;
	v22 =	vmov v45;
	v28 =	vld [tilespmem:$0x1FE20]  }
0x4ba: {  	v45 =	vmovc v62;
	v6 =	vmovc v33;
	v33 =	vmov v30;
	v30 =	vmov v24;
	v24 =	vmov v52;
	[hbm4b:s31+s13] =	stream.strided.scatter [tilespmem:s18], [sflag:$0x4], $0x2000, s14, s13, $0x38;
	v25 =	vld [tilespmem:$0x1FDD0]  }
0x4bb: {  	s20 =	sadd.s32 $0x1, s20  }
0x4bc: {  	_ =	swait.ge [sflag:s19], $0x2000;
	p0 =	sne.s32 s20, s7  }
.Ltmp6:
0x4bd: {  	[sflag:s19] =	ssyncset.done $0x0;
	(pc) =	sbr.rel @p0 .LBB2_1-.Ltmp6, $4  }
0x4be: {  	[sflag:s19] =	ssyncadd.s32 $0xFFFFE000  }
0x4bf: {  	_ =	swait.ge [sflag:s17], $0x2000  }
0x4c0: {  	[sflag:s17] =	ssyncset.done $0x0  }
0x4c1: {  	[sflag:s17] =	ssyncadd.s32 $0xFFFFE000  }
0x4c2: {  	_ =	sfence.sel $0x180000  }
0x4c3: {  	[bflag:$0x0] =	sbarrier.arrive $0xFFFF  }
0x4c4: {  	p0 =	sne.s32 s0, $0x0;
	_ =	strace $0x9000004A  }
0x4c5: {  	s0 =	sadd.s32 @!p0 $0x100000, s1;
	[bflag:$0x2] =	sbarrier.arrive $0xFFFF  }
0x4c6: {  	[sflag:s0] =	ssyncadd.tile.s32 @!p0 $0x1;
	_ =	shalt  }
.Lfunc_end2:
_tile_overlayer_lowered:
.L_overlay_start_2:
0x4c7: {  	(tag) =	ssettag $0x2  }
0x4c8: {  	s0 =	rddreg [dreg:$0x0];
	s2 =	stileid.u32  }
0x4c9: {  	s1 =	rddreg [dreg:$0x1];
	p0 =	sne.s32 s2, $0x0  }
0x4ca: {  	s3 =	rddreg [dreg:$0x2];
	[bflag:$0x3] =	sbarrier.arrive $0xFFFF;
	s2 =	simm.s32 @!p0 $0x1C05  }
0x4cb: {  	[timem:s3], [sflag:s2] =	dma.local @!p0 [hbm:s0], s1  }
0x4cc: {  	s0 =	simm.s32 @!p0 $0x5  }
0x4cd: {  	_ =	swait.ge @!p0 [sflag:s0], s1  }
0x4ce: {  	s1 =	ssub.s32 @!p0 $0x0, s1;
	[sflag:s0] =	ssyncset.done @!p0 $0x0  }
0x4cf: {  	[sflag:s0] =	ssyncadd.s32 @!p0 s1  }
0x4d0: {  	[bflag:$0x3] =	sbarrier.arrive $0xFFFF  }
0x4d1: {  	_ =	shalt  }

// kernel: sparse-core-data-format-call.cloned.1.call-start
scs
called_computation_lowered:
.L_overlay_start_0:
0x0: {  	s2 =	sld [smem:$0x3FD9]  }
0x1: {  	s3 =	sld [smem:$0x3FFE];
	_ =	sdelay $0x1  }
0x2: {  	s1 =	srdreg.scid  }
0x3: {  	s0 =	sand.u32 $0x1, s1  }
0x4: {  	s18 =	sshll.u32 s0, $0xA;
	s2 =	sadd.s32 s3, s2  }
0x5: {  	s2 =	sadd.s32 s2, s18  }
0x6: {  	[smem:$0x3FC6] =	sst s2  }
0x7: {  	_ = 	snop  }
0x8: {  	s2 =	sld [smem:$0x3FC8];
	(tm) =	ssettm $0x1  }
0x9: {  	s19 =	sld [smem:$0x3FFB];
	_ =	sdelay $0x3  }
0xa: {  	_ =	strace s19  }
0xb: {  	s3 =	sld [smem:$0x3FFC];
	_ =	sdelay $0x3  }
0xc: {  	_ =	strace s3  }
0xd: {  	s3 =	sld [smem:$0x3FFD];
	_ =	sdelay $0x3  }
0xe: {  	_ =	strace s3  }
0xf: {  	_ =	strace $0x8FFFFFFF  }
0x10: {  	s20 =	sld [smem:$0x3FDB];
	_ =	sdelay $0x1  }
0x11: {  	s4 =	simm.s32 $_scs_section_size  }
0x12: {  	s5 =	simm.s32 $_size__tile_overlayer_lowered;
	s6 =	simm.s32 $_tile_overlayer_lowered  }
0x13: {  	s23 =	simm.s32 $0x1BFF;
	s22 =	sshll.u32 s6, $0x1;
	s3 =	sadd.s32 s4, s20  }
0x14: {  	s7 =	simm.s32 $0x0;
	s21 =	sshll.u32 s5, $0x1;
	s5 =	sadd.s32 s22, s3  }
0x15: {  	[timem:s7], [sflag:s23] =	dma.local [hbm:s5], s21  }
0x16: {  	_ =	swait.ge [sflag:s23], s21  }
0x17: {  	s4 =	ssub.s32 $0x0, s21;
	[sflag:s23] =	ssyncset.done $0x0  }
0x18: {  	[sflag:s23] =	ssyncadd.s32 s4;
	_ =	sdelay $0x1  }
0x19: {  	s24 =	simm.s32 $0x1B8B  }
0x1a: {  	_ =	swait.ge [sflag:s24], $0x1  }
0x1b: {  	[sflag:s24] =	ssyncset.done $0x0  }
0x1c: {  	s26 =	simm.s32 $0x1B8E;
	s25 =	sld [smem:$0x3FFE];
	[sflag:s24] =	ssyncadd.s32 $0xFFFFFFFF  }
0x1d: {  	s27 =	simm.s32 $execute0_lowered;
	[smem:$0x3FD2] =	sst s26  }
0x1e: {  	s5 =	sshll.u32 s27, $0x1;
	_ =	strace $0x80000046;
	[dreg:$0x1] =	wrdreg $0xFFFFFFFF  }
0x1f: {  	s28 =	simm.s32 $_size_execute0_lowered;
	s3 =	sadd.s32 s3, s5;
	[dreg:$0x0] =	wrdreg $0x0  }
0x20: {  	s5 =	sshll.u32 s28, $0x1;
	[dreg:$0x2] =	wrdreg s3  }
0x21: {  	[dreg:$0x3] =	wrdreg s5  }
0x22: {  	[dreg:$0x4] =	wrdreg $0xC0  }
0x23: {  	_ =	task [dreg:s7], $0x5FFFF  }
0x24: {  	[dreg:$0x1] =	wrdreg $0xFFFFFFFF  }
0x25: {  	[dreg:$0x0] =	wrdreg $0x60  }
0x26: {  	[dreg:$0x2] =	wrdreg s2  }
0x27: {  	[dreg:$0x3] =	wrdreg s25  }
0x28: {  	[dreg:$0x4] =	wrdreg $0x9  }
0x29: {  	_ =	task.clear_ibuf [dreg:s7], $0x5FFFF;
	_ =	strace $0x90000046  }
0x2a: {  	s29 =	simm.s32 $0x9;
	_ =	strace $0x80000048  }
0x2b: {  	_ =	swait.ge [sflag:s29], $0x1  }
0x2c: {  	[sflag:s29] =	ssyncadd.s32 $0xFFFFFFFF  }
0x2d: {  	_ =	strace $0x90000048  }
0x2e: {  	_ =	sfence  }
0x2f: {  	s30 =	sld [smem:$0x0];
	_ =	sdelay $0x2  }
0x30: {  	s31 =	sshll.u32 s1, $0xD;
	s1 =	sshrl.u32 s1, $0x2  }
0x31: {  	s3 =	sand.u32 $0x4000, s31;
	s1 =	sadd.s32 s1, s30  }
0x32: {  	s0 =	sor.u32 s3, s0;
	s1 =	sshll.u32 s1, $0x11  }
0x33: {  	s0 =	sor.u32 s1, s0  }
0x34: {  	s0 =	sadd.s32 $0x8F2B, s0  }
0x35: {  	[sflag:s0] =	ssyncadd.remote.s32 $0x1  }
0x36: {  	_ =	sfence.sel $0xFFFF  }
0x37: {  	[dreg:$0x0] =	wrdreg $0xFFFFFFFF;
	(pc) =	sbr.abs _section_cstart, $3  }
0x38: {  	[dreg:$0x1] =	wrdreg $0xFFFFFFFF  }
0x39: {  	_ =	task.clear_ibuf [dreg:s7], $0x2FFFF;
	_ =	strace $0x9FFFFFFF  }
0x3a: {  	(tm) =	ssettm $0x7FFFFFFF  }
0x3b: {  	_ =	shalt  }
tec
execute0_lowered:
.L_overlay_start_1:
0x0: {  	(tag) =	ssettag $0x1  }
0x1: {  	s0 =	srdreg.scid;
	s2 =	rddreg [dreg:$0x0]  }
0x2: {  	s5 =	rddreg [dreg:$0x1];
	s1 =	stileid.u32  }
0x3: {  	s4 =	simm.s32 $0x1;
	s6 =	simm.s32 $0x2;
	s15 =	simm.s32 $0x0  }
0x4: {  	p0 =	por $0x0, $0x0;
	s8 =	simm.s32 $0x80;
	s0 =	sshll.u32 s0, $0x4  }
0x5: {  	s14 =	simm.s32 $0x0;
	s9 =	simm.s32 $0x0;
	s3 =	sand.u32 $0x10, s0  }
.Ltmp0:
0x6: {  	s10 =	simm.s32 $0x0;
	s3 =	sor.u32 s1, s3;
	(pc) =	sbr.rel .LBB1_1-.Ltmp0, $4  }
0x7: {  	s0 =	rddreg [dreg:$0x2];
	_ =	strace $0x80000047;
	s3 =	sshll.u32 s3, $0x7  }
0x8: {  	s12 =	simm.s32 $0x0;
	[sflag:s4] =	ssyncpa.u1 $0x0;
	s7 =	ssub.s32 $0xF4200, s3  }
0x9: {  	s13 =	simm.s32 $0x0;
	[sflag:s6] =	ssyncpa.u1 $0x0;
	s6 =	sshrl.u32 s7, $0xC  }
0xa: {  	s5 =	sadd.s32 $0xA00, s5;
	s11 =	smov.u32 s3;
	s7 =	sadd.s32 $0x2, s6  }
.LBB1_5:
0xb: {  	p1 =	slt.u32 s13, $0x2  }
0xc: {  	s17 =	smov.u32 s15;
	p2 =	sgt.s32 @!p1 s15, $0xF41C8;
	s16 =	sshra.s32 @!p1 s15, $0x1F  }
0xd: {  	p3 =	sgt.s32 @!p1 s14, $0x40;
	s18 =	sshra.s32 @!p1 s14, $0x1F;
	p2 =	por !p2, p1  }
0xe: {  	s15 =	sand.u32 @!p1 s16, s15;
	p3 =	por !p3, p1;
	s16 =	smov.u32 s14  }
0xf: {  	s14 =	sand.u32 @!p1 s18, s14;
	s17 =	simm.s32 @p2 $0xF41C8;
	s16 =	simm.s32 @p3 $0x40  }
0x10: {  	s15 =	ssub.s32 @!p1 s17, s15;
	s14 =	ssub.s32 @!p1 s16, s14  }
0x11: {  	s18 =	smov.u32 s12;
	s16 =	sadd.s32 @!p1 $0xFFF0BE38, s15;
	s17 =	sadd.s32 @!p1 $0xFFFFFFC0, s14  }
0x12: {  	s15 =	ssub.s32 @!p1 $0xF4248, s15;
	p2 =	sgt.s32 @!p1 s16, $0x7F;
	p3 =	sgt.s32 @!p1 s17, $0x3F  }
0x13: {  	s14 =	ssub.s32 @!p1 $0x80, s14;
	p2 =	por !p2, p1;
	p3 =	por !p3, p1  }
0x14: {  	s16 =	sadd.s32 $0x1000, s11;
	s15 =	simm.s32 @!p2 $0x0;
	s14 =	simm.s32 @!p3 $0x0  }
0x15: {  	p2 =	sgt.s32 s16, $0xF4240;
	s14 =	smul.u32 @!p1 s14, s15;
	s15 =	sadd.s32 $0x40, s12  }
0x16: {  	s18 =	smov.u32 @p2 s15  }
0x17: {  	s16 =	smov.u32 @p2 s3;
	p2 =	sgt.s32 s18, $0x3F  }
0x18: {  	s18 =	simm.s32 @p2 $0x0;
	p2 =	sne.s32 s13, s7  }
.Ltmp1:
0x19: {  	p0 =	por !p0, !p0;
	s17 =	simm.s32 @!p1 $0x2;
	(pc) =	sbr.rel @!p2 .LBB1_6-.Ltmp1, $4  }
0x1a: {  	s15 =	smov.u32 s9;
	s9 =	smov.u32 s11;
	s14 =	sand.u32 @!p1 $0x3FFFFFFF, s14  }
0x1b: {  	s11 =	smov.u32 s16;
	_ =	swait.ge @!p1 [sflag:s17], s14;
	s19 =	ssub.s32 @!p1 $0x0, s14  }
0x1c: {  	s14 =	smov.u32 s10;
	s13 =	sadd.s32 $0x1, s13;
	[sflag:s17] =	ssyncset.done @!p1 $0x0  }
0x1d: {  	s10 =	smov.u32 s12;
	s12 =	smov.u32 s18;
	[sflag:s17] =	ssyncadd.s32 @!p1 s19  }
.LBB1_1:
0x1e: {  	p1 =	sgt.u32 s13, s6  }
0x1f: {  	s16 =	sshrl.u32 @!p1 s12, $0x3  }
0x20: {  	s17 =	sshll.u32 @!p1 s11, $0x3;
	s16 =	smul.u32 @!p1 $0x7A1400, s16  }
0x21: {  	s18 =	sshll.u32 @!p1 s12, $0x7;
	s17 =	sand.u32 @!p1 $0xFFFFFC00, s17  }
0x22: {  	s16 =	sadd.s32 @!p1 s16, s17;
	s17 =	sand.u32 @!p1 $0x380, s18  }
0x23: {  	s18 =	sand.u32 @!p1 $0x7F, s11;
	s16 =	sor.u32 @!p1 s17, s16  }
0x24: {  	s17 =	sor.u32 @!p1 s18, s16  }
0x25: {  	s18 =	smulhi.u32 @!p1 $0x218D6287, s17;
	_ =	sdelay $0x1  }
0x26: {  	s16 =	smulhi.u32 @!p1 $0x218D6287, s16;
	s18 =	sshrl.u32 @!p1 s18, $0x11  }
0x27: {  	s18 =	smul.u32 @!p1 $0xF4280, s18  }
0x28: {  	s19 =	sxor.u32 @!p1 $0xFFFFFFFF, s13;
	s16 =	sshrl.u32 @!p1 s16, $0x11  }
0x29: {  	s19 =	sshll.u32 @!p1 s19, $0xD;
	s16 =	sand.u32 @!p1 $0x3F, s16;
	s17 =	ssub.s32 @!p1 s17, s18  }
0x2a: {  	s16 =	smul.u32 @!p1 $0x1E850, s16;
	s18 =	sshrl.u32 @!p1 s17, $0x3;
	s17 =	sand.u32 @!p1 $0x7, s17  }
0x2b: {  	s19 =	sand.u32 @!p1 $0x2000, s19;
	s18 =	sadd.s32 @!p1 s2, s18;
	s17 =	sshll.u32 @!p1 s17, $0x12  }
0x2c: {  	s16 =	sadd.s32 @!p1 s16, s18;
	s17 =	sor.u32 @!p1 $0x400, s17;
	s18 =	simm.s32 @!p1 $0x7A1400  }
0x2d: {  	[tilespmem:s19], [sflag:$0x1] =	stream.strided.gather @!p1 [hbm4b:s16+s17], $0x2000, s18, s17, $0x38;
	[tilespmem:$0x8100] =	vst v63  }
0x2e: {  	p1 =	seq.s32 s13, $0x0  }
0x2f: {  	p2 =	sge.u32 @!p1 s13, s7  }
0x30: {  	p1 =	por p1, p2  }
.Ltmp2:
0x31: {  	_ = 	snop;
	(pc) =	sbr.rel @p1 .LBB1_5-.Ltmp2, $1  }
0x32: {  	_ =	sdelay $0x3  }
0x33: {  	s16 =	simm.s32 $0x1  }
0x34: {  	_ =	swait.ge [sflag:s4], $0x2000;
	s16 =	simm.s32 @!p0 $0x0  }
0x35: {  	[sflag:s4] =	ssyncset.done $0x0;
	s17 =	sshll.u32 s16, $0xD  }
0x36: {  	[sflag:s4] =	ssyncadd.s32 $0xFFFFE000;
	s17 =	sor.u32 $0x40, s17  }
0x37: {  	s16 =	smul.u32 $0x8200, s16;
	v0 =	vld [tilespmem:s17+$0x30]  }
0x38: {  	v1 =	vld [tilespmem:s17+$0xFFFFFFD0]  }
0x39: {  	s16 =	sshrl.u32 s16, $0x2;
	v5 =	vld [tilespmem:s17+$0xFFFFFFE0]  }
0x3a: {  	v6 =	vld [tilespmem:s17+$0xFFFFFFF0];
	s19 =	sor.u32 $0x4000, s16  }
0x3b: {  	s31 =	sand.u32 $0x1, s13;
	v4 =	vld [tilespmem:s17+$0x0];
	s18 =	sadd.s32 $0x0, s19  }
0x3c: {  	v3 =	vld [tilespmem:s17+$0x10];
	s16 =	smul.u32 $0x8200, s31;
	[tilespmem:s18+$0x1C70 ss:$0x41] =	vst.msk $0xffff, v0  }
0x3d: {  	v2 =	vld [tilespmem:s17+$0x20];
	[tilespmem:s18+$0x410 ss:$0x41] =	vst.msk $0xffff, v1  }
0x3e: {  	s16 =	sshrl.u32 s16, $0x2;
	v1 =	vld [tilespmem:s17+$0xFFFFFFC0];
	[tilespmem:s18+$0x820 ss:$0x41] =	vst.msk $0xffff, v5;
	s17 =	sadd.s32 $0x80, s17  }
0x3f: {  	s20 =	simm.s32 $0x4;
	s21 =	simm.s32 $0x8;
	s16 =	sor.u32 $0x4000, s16;
	[tilespmem:s18+$0xC30 ss:$0x41] =	vst.msk $0xffff, v6;
	v0 =	vld [tilespmem:s17+$0x30]  }
.LBB1_3:
0x40: {  	p1 =	sne.s32 s21, $0xFC;
	v5 =	vld [tilespmem:s17+$0xFFFFFFD0];
	[tilespmem:s18+$0x1040 ss:$0x41] =	vst.msk $0xffff, v4  }
0x41: {  	v6 =	vld [tilespmem:s17+$0xFFFFFFE0];
	[tilespmem:s18+$0x1450 ss:$0x41] =	vst.msk $0xffff, v3  }
0x42: {  	s22 =	sshra.s32 s20, $0x2;
	s20 =	smov.u32 s21;
	v7 =	vld [tilespmem:s17+$0xFFFFFFF0];
	[tilespmem:s18+$0x1860 ss:$0x41] =	vst.msk $0xffff, v2  }
.Ltmp3:
0x43: {  	v4 =	vld [tilespmem:s17+$0x0];
	[tilespmem:s18+$0x0 ss:$0x41] =	vst.msk $0xffff, v1;
	s18 =	sadd.s32 s22, s19;
	(pc) =	sbr.rel @p1 .LBB1_3-.Ltmp3, $4  }
0x44: {  	v3 =	vld [tilespmem:s17+$0x10];
	[tilespmem:s18+$0x1C70 ss:$0x41] =	vst.msk $0xffff, v0  }
0x45: {  	[tilespmem:s18+$0x410 ss:$0x41] =	vst.msk $0xffff, v5;
	v2 =	vld [tilespmem:s17+$0x20]  }
0x46: {  	v1 =	vld [tilespmem:s17+$0xFFFFFFC0];
	[tilespmem:s18+$0x820 ss:$0x41] =	vst.msk $0xffff, v6;
	s17 =	sadd.s32 $0x80, s17  }
0x47: {  	s21 =	sadd.s32 $0x4, s21;
	v0 =	vld [tilespmem:s17+$0x30];
	[tilespmem:s18+$0xC30 ss:$0x41] =	vst.msk $0xffff, v7  }
0x48: {  	s21 =	sshll.u32 s9, $0x7;
	s22 =	sshll.u32 s10, $0x3;
	s20 =	sshra.s32 s20, $0x2  }
0x49: {  	p1 =	sgt.s32 s9, $0xF41C8;
	s30 =	sshra.s32 s9, $0x1F;
	s25 =	sshra.s32 s10, $0x1F  }
0x4a: {  	v5 =	vld [tilespmem:s17+$0xFFFFFFD0];
	s28 =	sshrl.u32 s10, $0x3;
	s23 =	sand.u32 $0xFFFFFC00, s21;
	s22 =	sand.u32 $0xFFFFFC00, s22  }
0x4b: {  	[tilespmem:s18+$0x1040 ss:$0x41] =	vst.msk $0xffff, v4;
	v58 =	vld [tilespmem:s17+$0xFFFFFFE0];
	s21 =	sand.u32 $0x380, s21;
	s19 =	sadd.s32 s20, s19;
	s22 =	sadd.s32 s22, s23  }
0x4c: {  	v59 =	vld [tilespmem:s17+$0xFFFFFFF0];
	[tilespmem:s18+$0x1450 ss:$0x41] =	vst.msk $0xffff, v3;
	s29 =	sor.u32 s21, s22;
	s21 =	smov.u32 s9;
	s22 =	sand.u32 s30, s9  }
0x4d: {  	v60 =	vld [tilespmem:s17+$0x0];
	[tilespmem:s18+$0x1860 ss:$0x41] =	vst.msk $0xffff, v2;
	s30 =	sand.u32 $0x7, s10;
	s20 =	sshrl.u32 s29, $0x7;
	s21 =	simm.s32 @!p1 $0xF41C8  }
0x4e: {  	v61 =	vld [tilespmem:s17+$0x10];
	[tilespmem:s18+$0x0 ss:$0x41] =	vst.msk $0xffff, v1;
	p1 =	sgt.s32 s10, $0x40;
	s24 =	ssub.s32 s21, s22;
	s21 =	smov.u32 s10  }
0x4f: {  	v62 =	vld [tilespmem:s17+$0x20];
	[tilespmem:s19+$0x1C70 ss:$0x41] =	vst.msk $0xffff, v0;
	s31 =	smulhi.u32 $0x218DDDB, s20;
	s22 =	sand.u32 s25, s10;
	s21 =	simm.s32 @!p1 $0x40  }
0x50: {  	v63 =	vld [tilespmem:s17+$0xFFFFFFC0];
	[tilespmem:s19+$0x410 ss:$0x41] =	vst.msk $0xffff, v5;
	s26 =	sadd.s32 $0xFFF0BE38, s24;
	s17 =	ssub.s32 $0xF4248, s24;
	s21 =	ssub.s32 s21, s22  }
0x51: {  	[tilespmem:s19+$0x820 ss:$0x41] =	vst.msk $0xffff, v58;
	s23 =	sshrl.u32 s31, $0xD;
	p1 =	sgt.s32 s26, $0x7F;
	s27 =	sadd.s32 $0xFFFFFFC0, s21  }
0x52: {  	[tilespmem:s19+$0xC30 ss:$0x41] =	vst.msk $0xffff, v59;
	s23 =	smul.u32 $0xF4248, s23;
	s18 =	ssub.s32 $0x80, s21;
	p2 =	sgt.s32 s27, $0x3F  }
.Ltmp4:
0x53: {  	[tilespmem:s19+$0x1040 ss:$0x41] =	vst.msk $0xffff, v60;
	s17 =	simm.s32 @p1 $0x0;
	s18 =	simm.s32 @p2 $0x0;
	(pc) =	sbr.rel .LBB1_5-.Ltmp4, $4  }
0x54: {  	s29 =	sand.u32 $0xF, s28;
	[tilespmem:s19+$0x1450 ss:$0x41] =	vst.msk $0xffff, v61;
	s20 =	ssub.s32 s20, s23;
	s17 =	smul.u32 s18, s17  }
0x55: {  	[tilespmem:s19+$0x1860 ss:$0x41] =	vst.msk $0xffff, v62;
	s21 =	sshll.u32 s30, $0x12;
	s20 =	sshll.u32 s20, $0x4;
	s18 =	sadd.s32 s5, s29  }
0x56: {  	[tilespmem:s19+$0x0 ss:$0x41] =	vst.msk $0xffff, v63;
	s31 =	sor.u32 $0x40, s21;
	s18 =	sadd.s32 s20, s18;
	s17 =	sand.u32 $0x3FFFFFFF, s17  }
0x57: {  	[hbm4b:s18+s31] =	stream.strided.scatter [tilespmem:s16], [sflag:$0x2], s17, s8, s31, $0x18;
	[tilespmem:$0x8100] =	vst v63  }
.LBB1_6:
0x58: {  	_ =	sfence.sel $0x180000  }
0x59: {  	s2 =	simm.s32 $0x1;
	[bflag:$0x0] =	sbarrier.arrive $0xFFFF  }
0x5a: {  	s31 =	simm.s32 $0x2;
	[sflag:s2] =	ssyncpa.u1 $0x1  }
0x5b: {  	[sflag:s31] =	ssyncpa.u1 $0x1  }
0x5c: {  	p0 =	sne.s32 s1, $0x0;
	_ =	strace $0x90000047  }
0x5d: {  	s0 =	sadd.s32 @!p0 $0x100000, s0;
	[bflag:$0x2] =	sbarrier.arrive $0xFFFF  }
0x5e: {  	[sflag:s0] =	ssyncadd.tile.s32 @!p0 $0x1;
	_ =	shalt  }
.Lfunc_end1:
_tile_overlayer_lowered:
.L_overlay_start_2:
0x5f: {  	(tag) =	ssettag $0x2  }
0x60: {  	s0 =	rddreg [dreg:$0x0];
	s2 =	stileid.u32  }
0x61: {  	s1 =	rddreg [dreg:$0x1];
	p0 =	sne.s32 s2, $0x0  }
0x62: {  	s3 =	rddreg [dreg:$0x2];
	[bflag:$0x3] =	sbarrier.arrive $0xFFFF;
	s2 =	simm.s32 @!p0 $0x1C01  }
0x63: {  	[timem:s3], [sflag:s2] =	dma.local @!p0 [hbm:s0], s1  }
0x64: {  	s0 =	simm.s32 @!p0 $0x1  }
0x65: {  	_ =	swait.ge @!p0 [sflag:s0], s1  }
0x66: {  	s1 =	ssub.s32 @!p0 $0x0, s1;
	[sflag:s0] =	ssyncset.done @!p0 $0x0  }
0x67: {  	[sflag:s0] =	ssyncadd.s32 @!p0 s1  }
0x68: {  	[bflag:$0x3] =	sbarrier.arrive $0xFFFF  }
0x69: {  	_ =	shalt  }

</sc_bundles>
